<compile_context>
chip_gen: v7x
topology: tpu7x:2x2x1
jax: 0.10.2.dev20260603
libtpu: 0.0.44.dev20260713+nightly
codegen_flags: <defaults>
</compile_context>

<pallas_src>
import functools

import jax
import jax.numpy as jnp
from jax import lax
from jax.experimental import pallas as pl
from jax.experimental.pallas import tpu as pltpu
from jax.experimental.pallas import tpu_sc as plsc

N = 10000
E = 320000
DN = 128
DH = 256
DC = 64
H = 128
NS = 16

ECH = 40
SUP = 50
NSUP_H = E // NS // (SUP * ECH)
NSUP_S = E // (2 * NS) // (SUP * ECH)

RCH = 40
NRCH = N // RCH
CPT = 16
NRPAD = CPT * NS

_mesh = plsc.VectorSubcoreMesh(core_axis_name="c", subcore_axis_name="s")

_RB = 2000



def _row_chunks(s, body):

    @pl.loop(0, CPT)
    def _(k):
        chunk = s * CPT + k

        @pl.when(chunk < NRCH)
        def _():
            body(k, chunk)


@functools.partial(
    pl.kernel,
    out_type=jax.ShapeDtypeStruct((2 * N, H), jnp.float32),
    mesh=_mesh,
    scratch_types=[
        pltpu.VMEM((ECH,), jnp.int32),
        pltpu.VMEM((ECH,), jnp.int32),
        pltpu.VMEM((RCH,), jnp.int32),
        pltpu.VMEM((ECH, H), jnp.float32),
        pltpu.VMEM((RCH, H), jnp.float32),
        pltpu.VMEM_SHARED((N, H), jnp.float32),
        pltpu.SemaphoreType.DMA,
        pltpu.SemaphoreType.DMA,
    ],
)
def _deg_kernel(dst_hbm, ids_hbm, ones_hbm, zeros_hbm, out_hbm,
                dst_va, dst_vb, ids_v, ones_v, stage_v, acc,
                sem_ia, sem_ib):
    c = lax.axis_index("c")
    s = lax.axis_index("s")

    pltpu.sync_copy(ones_hbm, ones_v)
    pltpu.sync_copy(zeros_hbm, stage_v)

    def _init(k, chunk):
        pltpu.sync_copy(ids_hbm.at[pl.ds(chunk * RCH, RCH)], ids_v)
        pltpu.sync_copy(stage_v, acc.at[ids_v])

    _row_chunks(s, _init)
    plsc.subcore_barrier()

    ebase = c * (E // 2) + s * (E // 2 // NS)
    nch = E // 2 // NS // ECH

    def _idx(k, buf, sem):
        return pltpu.make_async_copy(
            dst_hbm.at[pl.ds(ebase + k * ECH, ECH)], buf, sem)

    pltpu.sync_copy(dst_hbm.at[pl.ds(ebase, ECH)], dst_va)

    @pl.loop(0, nch // 2)
    def _(j):
        k = j * 2
        _idx(k + 1, dst_vb, sem_ib).start()
        pltpu.sync_copy(ones_v, acc.at[dst_va], add=True)

        @pl.when(j < nch // 2 - 1)
        def _():
            _idx(k + 2, dst_va, sem_ia).start()

        _idx(k + 1, dst_vb, sem_ib).wait()
        pltpu.sync_copy(ones_v, acc.at[dst_vb], add=True)

        @pl.when(j < nch // 2 - 1)
        def _():
            _idx(k + 2, dst_va, sem_ia).wait()

    plsc.subcore_barrier()

    def _out(k, chunk):
        pltpu.sync_copy(ids_hbm.at[pl.ds(chunk * RCH, RCH)], ids_v)
        pltpu.sync_copy(acc.at[ids_v], stage_v)
        pltpu.sync_copy(stage_v, out_hbm.at[pl.ds(c * N + chunk * RCH, RCH)])

    _row_chunks(s, _out)


def _make_prop(nsup, split_by_core):

    @functools.partial(
        pl.kernel,
        out_type=jax.ShapeDtypeStruct((2 * N, H), jnp.float32),
        mesh=_mesh,
        scratch_types=[
            pltpu.VMEM((SUP, ECH), jnp.int32),
            pltpu.VMEM((ECH,), jnp.int32),
            pltpu.VMEM((ECH,), jnp.int32),
            pltpu.VMEM((RCH,), jnp.int32),
            pltpu.VMEM((ECH, H), jnp.float32),
            pltpu.VMEM((ECH, H), jnp.float32),
            pltpu.VMEM((RCH, H), jnp.float32),
            pltpu.VMEM_SHARED((N, H), jnp.float32),
            pltpu.SemaphoreType.DMA,
            pltpu.SemaphoreType.DMA,
            pltpu.SemaphoreType.DMA,
            pltpu.SemaphoreType.DMA,
        ],
    )
    def _prop(t_hbm, src_hbm, dst_hbm, ids_hbm, zeros_hbm, out_hbm,
              src_v, dst_va, dst_vb, ids_v, rows_a, rows_b, stage_v, acc,
              sem_a, sem_b, sem_ia, sem_ib):
        c = lax.axis_index("c")
        s = lax.axis_index("s")

        pltpu.sync_copy(zeros_hbm, stage_v)

        def _init(k, chunk):
            pltpu.sync_copy(ids_hbm.at[pl.ds(chunk * RCH, RCH)], ids_v)
            pltpu.sync_copy(stage_v, acc.at[ids_v])

        _row_chunks(s, _init)
        plsc.subcore_barrier()

        if split_by_core:
            ebase = c * (E // 2) + s * (E // 2 // NS)
        else:
            ebase = s * (E // NS)

        @pl.loop(0, nsup)
        def _(u):
            pltpu.sync_copy(src_hbm.at[c, s, u], src_v)
            sbase = ebase + u * SUP * ECH

            def _gat(k, buf, sem):
                return pltpu.make_async_copy(t_hbm.at[src_v.at[k]], buf, sem)

            def _idx(k, buf, sem):
                return pltpu.make_async_copy(
                    dst_hbm.at[pl.ds(sbase + k * ECH, ECH)], buf, sem)

            pltpu.sync_copy(dst_hbm.at[pl.ds(sbase, ECH)], dst_va)
            _gat(0, rows_a, sem_a).start()

            @pl.loop(0, SUP // 2)
            def _(j):
                k = j * 2
                _gat(k + 1, rows_b, sem_b).start()
                _idx(k + 1, dst_vb, sem_ib).start()
                _gat(k, rows_a, sem_a).wait()
                pltpu.sync_copy(rows_a, acc.at[dst_va], add=True)

                @pl.when(j < SUP // 2 - 1)
                def _():
                    _gat(k + 2, rows_a, sem_a).start()
                    _idx(k + 2, dst_va, sem_ia).start()

                _gat(k + 1, rows_b, sem_b).wait()
                _idx(k + 1, dst_vb, sem_ib).wait()
                pltpu.sync_copy(rows_b, acc.at[dst_vb], add=True)

                @pl.when(j < SUP // 2 - 1)
                def _():
                    _idx(k + 2, dst_va, sem_ia).wait()

        plsc.subcore_barrier()

        def _out(k, chunk):
            pltpu.sync_copy(ids_hbm.at[pl.ds(chunk * RCH, RCH)], ids_v)
            pltpu.sync_copy(acc.at[ids_v], stage_v)
            pltpu.sync_copy(stage_v,
                            out_hbm.at[pl.ds(c * N + chunk * RCH, RCH)])

        _row_chunks(s, _out)

    return _prop


_prop_half = _make_prop(NSUP_H, False)
_prop_full = _make_prop(NSUP_S, True)



def _mm0(x, W0):
    def body(x_ref, w_ref, o_ref):
        p = jnp.dot(x_ref[...], w_ref[...], preferred_element_type=jnp.float32)
        o_ref[0] = p[:, :H]
        o_ref[1] = p[:, H:]

    return pl.pallas_call(
        body,
        grid=(N // _RB,),
        in_specs=[pl.BlockSpec((_RB, DN), lambda i: (i, 0)),
                  pl.BlockSpec((DN, DH), lambda i: (0, 0))],
        out_specs=pl.BlockSpec((2, _RB, H), lambda i: (0, i, 0)),
        out_shape=jax.ShapeDtypeStruct((2, N, H), jnp.float32),
    )(x, W0)


def _finish_t0(degp, hw0):

    def body(d_ref, h_ref, dinv_ref, t_ref):
        deg = d_ref[0, :, 0:1] + d_ref[1, :, 0:1] + 1.0
        dv = lax.rsqrt(jnp.maximum(deg, 1e-12))
        dinv_ref[...] = dv
        t_ref[...] = h_ref[...] * dv[None]

    return pl.pallas_call(
        body,
        grid=(N // _RB,),
        in_specs=[pl.BlockSpec((2, _RB, H), lambda i: (0, i, 0)),
                  pl.BlockSpec((2, _RB, H), lambda i: (0, i, 0))],
        out_specs=[pl.BlockSpec((_RB, 1), lambda i: (i, 0)),
                   pl.BlockSpec((2, _RB, H), lambda i: (0, i, 0))],
        out_shape=[jax.ShapeDtypeStruct((N, 1), jnp.float32),
                   jax.ShapeDtypeStruct((2, N, H), jnp.float32)],
    )(degp, hw0)


def _layer_mid(sm, t, dinv, b, W):

    def body(s_ref, t_ref, d_ref, b_ref, w_ref, o_ref):
        dv = d_ref[...]
        hcat = jnp.concatenate([s_ref[0] + t_ref[0], s_ref[1] + t_ref[1]],
                               axis=1)
        h = jnp.maximum(hcat * dv + b_ref[...], 0.0)
        p = jnp.dot(h, w_ref[...], preferred_element_type=jnp.float32) * dv
        o_ref[0] = p[:, :H]
        o_ref[1] = p[:, H:]

    return pl.pallas_call(
        body,
        grid=(N // _RB,),
        in_specs=[pl.BlockSpec((2, _RB, H), lambda i: (0, i, 0)),
                  pl.BlockSpec((2, _RB, H), lambda i: (0, i, 0)),
                  pl.BlockSpec((_RB, 1), lambda i: (i, 0)),
                  pl.BlockSpec((1, DH), lambda i: (0, 0)),
                  pl.BlockSpec((DH, DH), lambda i: (0, 0))],
        out_specs=pl.BlockSpec((2, _RB, H), lambda i: (0, i, 0)),
        out_shape=jax.ShapeDtypeStruct((2, N, H), jnp.float32),
    )(sm, t, dinv, b, W)


def _layer_last(sm, t, dinv, b, W):

    def body(s_ref, t_ref, d_ref, b_ref, w_ref, o_ref):
        dv = d_ref[...]
        hcat = jnp.concatenate([s_ref[0] + t_ref[0], s_ref[1] + t_ref[1]],
                               axis=1)
        h = jnp.maximum(hcat * dv + b_ref[...], 0.0)
        p = jnp.dot(h, w_ref[...], preferred_element_type=jnp.float32) * dv
        o_ref[...] = jnp.pad(p, ((0, 0), (0, H - DC)))

    return pl.pallas_call(
        body,
        grid=(N // _RB,),
        in_specs=[pl.BlockSpec((2, _RB, H), lambda i: (0, i, 0)),
                  pl.BlockSpec((2, _RB, H), lambda i: (0, i, 0)),
                  pl.BlockSpec((_RB, 1), lambda i: (i, 0)),
                  pl.BlockSpec((1, DH), lambda i: (0, 0)),
                  pl.BlockSpec((DH, DC), lambda i: (0, 0))],
        out_specs=pl.BlockSpec((_RB, H), lambda i: (i, 0)),
        out_shape=jax.ShapeDtypeStruct((N, H), jnp.float32),
    )(sm, t, dinv, b, W)


def _combine_out(s2, t2, dinv, bh):
    def body(s_ref, t_ref, d_ref, b_ref, o_ref):
        tot = s_ref[0, :, :DC] + s_ref[1, :, :DC] + t_ref[:, :DC]
        o_ref[...] = tot * d_ref[...] + b_ref[...]

    return pl.pallas_call(
        body,
        grid=(N // _RB,),
        in_specs=[pl.BlockSpec((2, _RB, H), lambda i: (0, i, 0)),
                  pl.BlockSpec((_RB, H), lambda i: (i, 0)),
                  pl.BlockSpec((_RB, 1), lambda i: (i, 0)),
                  pl.BlockSpec((1, DC), lambda i: (0, 0))],
        out_specs=pl.BlockSpec((_RB, DC), lambda i: (i, 0)),
        out_shape=jax.ShapeDtypeStruct((N, DC), jnp.float32),
    )(s2, t2, dinv, bh)



def kernel(x, edge_index, W0, b0, W1, b1, Wh, bh):
    src = edge_index[0]
    dst = edge_index[1]

    src2 = jnp.concatenate([src, src + N]).reshape(2, NS, NSUP_H, SUP, ECH)
    src_sp = src.reshape(2, NS, NSUP_S, SUP, ECH)
    ids = jnp.arange(N, dtype=jnp.int32)

    ones_c = jnp.ones((ECH, H), jnp.float32)
    zerosH = jnp.zeros((RCH, H), jnp.float32)

    degp = _deg_kernel(dst, ids, ones_c, zerosH)
    hw0 = _mm0(x, W0)
    dinv, t0 = _finish_t0(degp.reshape(2, N, H), hw0)
    t0f = t0.reshape(2 * N, H)
    s0 = _prop_half(t0f, src2, dst, ids, zerosH)
    t1 = _layer_mid(s0.reshape(2, N, H), t0, dinv, b0.reshape(1, DH), W1)
    t1f = t1.reshape(2 * N, H)
    s1 = _prop_half(t1f, src2, dst, ids, zerosH)
    t2 = _layer_last(s1.reshape(2, N, H), t1, dinv, b1.reshape(1, DH), Wh)
    s2 = _prop_full(t2, src_sp, dst, ids, zerosH)
    out = _combine_out(s2.reshape(2, N, H), t2, dinv, bh.reshape(1, DC))
    return out

# --- scband reference (transcript-rebuilt; emitter-appended) ---
"""Pipeline reference for scband-gcn-33818572489469 (READ-ONLY COPY).

The authoritative reference and input builder live on the scoring server;
editing this copy changes nothing except your own understanding.
"""

import jax, jax.numpy as jnp
import numpy as np

N_NODES = 10000
N_EDGES = 320000
D_NODE = 128
D_HID = 256
N_CLS = 64


def setup_inputs(seed: int = 0) -> dict:
    key = jax.random.key(seed)
    ks = jax.random.split(key, 8)
    x = jax.random.normal(ks[0], (N_NODES, D_NODE), dtype=jnp.float32)
    edge_index = jax.random.randint(ks[1], (2, N_EDGES), 0, N_NODES, dtype=jnp.int32)
    W0 = jax.random.normal(ks[2], (D_NODE, D_HID), dtype=jnp.float32) / np.sqrt(D_NODE)
    b0 = jnp.zeros((D_HID,), dtype=jnp.float32)
    W1 = jax.random.normal(ks[3], (D_HID, D_HID), dtype=jnp.float32) / np.sqrt(D_HID)
    b1 = jnp.zeros((D_HID,), dtype=jnp.float32)
    Wh = jax.random.normal(ks[4], (D_HID, N_CLS), dtype=jnp.float32) / np.sqrt(D_HID)
    bh = jnp.zeros((N_CLS,), dtype=jnp.float32)
    return {"x": x, "edge_index": edge_index, "W0": W0, "b0": b0, "W1": W1, "b1": b1, "Wh": Wh, "bh": bh}


def reference(x, edge_index, W0, b0, W1, b1, Wh, bh):
    # GCNConv (Kipf & Welling): add self-loops, symmetric D^{-1/2}(A+I)D^{-1/2} normalization.
    n = x.shape[0]
    loop = jnp.arange(n, dtype=edge_index.dtype)
    src = jnp.concatenate([edge_index[0], loop])
    dst = jnp.concatenate([edge_index[1], loop])
    deg = jnp.zeros((n,), dtype=x.dtype).at[dst].add(1.0)
    dinv = jnp.where(deg > 0, jax.lax.rsqrt(jnp.maximum(deg, 1e-12)), 0.0)
    norm = dinv[src] * dinv[dst]

    def gcn_conv(h, W, b):
        hW = h @ W
        msgs = jnp.take(hW, src, axis=0) * norm[:, None]
        out = jnp.zeros((n, W.shape[1]), dtype=h.dtype).at[dst].add(msgs)
        return out + b

    # eval mode: dropout is identity
    h = jax.nn.relu(gcn_conv(x, W0, b0))
    h = jax.nn.relu(gcn_conv(h, W1, b1))
    out = gcn_conv(h, Wh, bh)
    return out

if __name__ == "__main__":
    import jax
    _d = setup_inputs()
    print(jax.jit(kernel)(*tuple(_d.values())))

</pallas_src>

<mosaic_0001>
#map = affine_map<(d0, d1) -> (0)>
#map1 = affine_map<(d0, d1) -> (0, 0)>
module attributes {stable_mosaic.version = 14 : i64} {
  func.func @_deg_kernel(%arg0: i32, %arg1: i32, %arg2: memref<320000xi32, #tpu.memory_space<hbm>>, %arg3: memref<10000xi32, #tpu.memory_space<hbm>>, %arg4: memref<40x128xf32, #tpu.memory_space<hbm>>, %arg5: memref<40x128xf32, #tpu.memory_space<hbm>>, %arg6: memref<20000x128xf32, #tpu.memory_space<hbm>>, %arg7: memref<40xi32, #tpu.memory_space<vmem>>, %arg8: memref<40xi32, #tpu.memory_space<vmem>>, %arg9: memref<40xi32, #tpu.memory_space<vmem>>, %arg10: memref<40x128xf32, #tpu.memory_space<vmem>>, %arg11: memref<40x128xf32, #tpu.memory_space<vmem>>, %arg12: memref<10000x128xf32, #tpu.memory_space<vmem_shared>>, %arg13: memref<!tpu.dma_semaphore, #tpu.memory_space<semaphore_mem>>, %arg14: memref<!tpu.dma_semaphore, #tpu.memory_space<semaphore_mem>>) attributes {dimension_semantics = [#tpu.dimension_semantics<core_parallel>, #tpu.dimension_semantics<subcore_parallel>], iteration_bounds = array<i64: 2, 16>, scalar_prefetch = 0 : i64, scratch_operands = 8 : i64, tpu.core_type = #tpu.core_type<sc_vector_subcore>, window_params = [{transform_indices = #map}, {transform_indices = #map}, {transform_indices = #map1}, {transform_indices = #map1}, {transform_indices = #map1}]} {
    "tpu.region"() ({
      %run_scoped3A = tpu.sem_alloc : memref<!tpu.dma_semaphore, #tpu.memory_space<semaphore_mem>>
      tpu.enqueue_dma source(%arg4 : memref<40x128xf32, #tpu.memory_space<hbm>>) target(%arg10 : memref<40x128xf32, #tpu.memory_space<vmem>>) target_semaphore(%run_scoped3A : memref<!tpu.dma_semaphore, #tpu.memory_space<semaphore_mem>>)
      tpu.wait_dma2 semaphore(%run_scoped3A : memref<!tpu.dma_semaphore, #tpu.memory_space<semaphore_mem>>) src(%arg4 : memref<40x128xf32, #tpu.memory_space<hbm>>) dst(%arg10 : memref<40x128xf32, #tpu.memory_space<vmem>>)
      tpu.yield
    }) : () -> ()
    "tpu.region"() ({
      %run_scoped3A = tpu.sem_alloc : memref<!tpu.dma_semaphore, #tpu.memory_space<semaphore_mem>>
      tpu.enqueue_dma source(%arg5 : memref<40x128xf32, #tpu.memory_space<hbm>>) target(%arg11 : memref<40x128xf32, #tpu.memory_space<vmem>>) target_semaphore(%run_scoped3A : memref<!tpu.dma_semaphore, #tpu.memory_space<semaphore_mem>>)
      tpu.wait_dma2 semaphore(%run_scoped3A : memref<!tpu.dma_semaphore, #tpu.memory_space<semaphore_mem>>) src(%arg5 : memref<40x128xf32, #tpu.memory_space<hbm>>) dst(%arg11 : memref<40x128xf32, #tpu.memory_space<vmem>>)
      tpu.yield
    }) : () -> ()
    %scan3A = arith.constant 0 : i32
    %scan3A_0 = arith.constant 16 : i32
    %scan3A_1 = arith.addi %scan3A, %scan3A_0 : i32
    %scan3A_2 = arith.constant 1 : i32
    scf.for %scan3A_18 = %scan3A to %scan3A_1 step %scan3A_2  : i32 {
      %mul3A_19 = arith.constant 1 : i32
      %mul3A_20 = arith.muli %scan3A_18, %mul3A_19 : i32
      %add3A_21 = arith.constant 0 : i32
      %add3A_22 = arith.addi %add3A_21, %mul3A_20 : i32
      %mul3A_23 = arith.constant 16 : i32
      %mul3A_24 = arith.muli %arg1, %mul3A_23 : i32
      %add3A_25 = arith.addi %mul3A_24, %add3A_22 : i32
      %lt3A = arith.constant 250 : i32
      %lt3A_26 = arith.cmpi slt, %add3A_25, %lt3A : i32
      %convert_element_type3A = arith.extui %lt3A_26 : i1 to i32
      %cond3A = arith.constant 0 : i32
      %cond3A_27 = arith.cmpi ne, %convert_element_type3A, %cond3A : i32
      scf.if %cond3A_27 {
        %mul3A_28 = arith.constant 40 : i32
        %mul3A_29 = arith.muli %add3A_25, %mul3A_28 : i32
        "tpu.region"() ({
          %run_scoped3A = tpu.sem_alloc : memref<!tpu.dma_semaphore, #tpu.memory_space<semaphore_mem>>
          %dma_start3A = tpu.memref_slice %arg3[%mul3A_29] : memref<10000xi32, #tpu.memory_space<hbm>> -> memref<40xi32, #tpu.memory_space<hbm>>
          %dma_start3A_30 = tpu.memref_slice %arg3[%mul3A_29] : memref<10000xi32, #tpu.memory_space<hbm>> -> memref<40xi32, #tpu.memory_space<hbm>>
          tpu.enqueue_dma source(%dma_start3A_30 : memref<40xi32, #tpu.memory_space<hbm>>) target(%arg9 : memref<40xi32, #tpu.memory_space<vmem>>) target_semaphore(%run_scoped3A : memref<!tpu.dma_semaphore, #tpu.memory_space<semaphore_mem>>)
          %dma_wait3A = tpu.memref_slice %arg3[%mul3A_29] : memref<10000xi32, #tpu.memory_space<hbm>> -> memref<40xi32, #tpu.memory_space<hbm>>
          %dma_wait3A_31 = tpu.memref_slice %arg3[%mul3A_29] : memref<10000xi32, #tpu.memory_space<hbm>> -> memref<40xi32, #tpu.memory_space<hbm>>
          tpu.wait_dma2 semaphore(%run_scoped3A : memref<!tpu.dma_semaphore, #tpu.memory_space<semaphore_mem>>) src(%dma_wait3A_31 : memref<40xi32, #tpu.memory_space<hbm>>) dst(%arg9 : memref<40xi32, #tpu.memory_space<vmem>>)
          tpu.yield
        }) : () -> ()
        "tpu.region"() ({
          %run_scoped3A = tpu.sem_alloc : memref<!tpu.dma_semaphore, #tpu.memory_space<semaphore_mem>>
          %dma_start3A = arith.constant 0 : i32
          %dma_start3A_30 = arith.constant 0 : i32
          %dma_start3A_31 = tpu.memref_slice %arg12[%dma_start3A, %dma_start3A_30] : memref<10000x128xf32, #tpu.memory_space<vmem_shared>> -> memref<10000x128xf32, #tpu.memory_space<vmem_shared>>
          tpu.enqueue_indirect_dma source(%arg11 : memref<40x128xf32, #tpu.memory_space<vmem>>) target(%dma_start3A_31 : memref<10000x128xf32, #tpu.memory_space<vmem_shared>>) offsets(%arg9 : memref<40xi32, #tpu.memory_space<vmem>>) semaphore(%run_scoped3A : memref<!tpu.dma_semaphore, #tpu.memory_space<semaphore_mem>>)
          %dma_wait3A = arith.constant 0 : i32
          %dma_wait3A_32 = arith.constant 0 : i32
          %dma_wait3A_33 = tpu.memref_slice %arg12[%dma_wait3A, %dma_wait3A_32] : memref<10000x128xf32, #tpu.memory_space<vmem_shared>> -> memref<10000x128xf32, #tpu.memory_space<vmem_shared>>
          tpu.wait_indirect_dma semaphore(%run_scoped3A : memref<!tpu.dma_semaphore, #tpu.memory_space<semaphore_mem>>) src(%arg11 : memref<40x128xf32, #tpu.memory_space<vmem>>) dst(%dma_wait3A_33 : memref<10000x128xf32, #tpu.memory_space<vmem_shared>>)
          tpu.yield
        }) : () -> ()
      } else {
      }
    }
    %scan3A_3 = arith.constant 16 : i32
    %barrier3A = arith.constant 0 : index
    tpu.barrier barrier_id(%barrier3A)
    %mul3A = arith.constant 160000 : i32
    %mul3A_4 = arith.muli %arg0, %mul3A : i32
    %mul3A_5 = arith.constant 10000 : i32
    %mul3A_6 = arith.muli %arg1, %mul3A_5 : i32
    %add3A = arith.addi %mul3A_4, %mul3A_6 : i32
    "tpu.region"() ({
      %run_scoped3A = tpu.sem_alloc : memref<!tpu.dma_semaphore, #tpu.memory_space<semaphore_mem>>
      %dma_start3A = tpu.memref_slice %arg2[%add3A] : memref<320000xi32, #tpu.memory_space<hbm>> -> memref<40xi32, #tpu.memory_space<hbm>>
      %dma_start3A_18 = tpu.memref_slice %arg2[%add3A] : memref<320000xi32, #tpu.memory_space<hbm>> -> memref<40xi32, #tpu.memory_space<hbm>>
      tpu.enqueue_dma source(%dma_start3A_18 : memref<40xi32, #tpu.memory_space<hbm>>) target(%arg7 : memref<40xi32, #tpu.memory_space<vmem>>) target_semaphore(%run_scoped3A : memref<!tpu.dma_semaphore, #tpu.memory_space<semaphore_mem>>)
      %dma_wait3A = tpu.memref_slice %arg2[%add3A] : memref<320000xi32, #tpu.memory_space<hbm>> -> memref<40xi32, #tpu.memory_space<hbm>>
      %dma_wait3A_19 = tpu.memref_slice %arg2[%add3A] : memref<320000xi32, #tpu.memory_space<hbm>> -> memref<40xi32, #tpu.memory_space<hbm>>
      tpu.wait_dma2 semaphore(%run_scoped3A : memref<!tpu.dma_semaphore, #tpu.memory_space<semaphore_mem>>) src(%dma_wait3A_19 : memref<40xi32, #tpu.memory_space<hbm>>) dst(%arg7 : memref<40xi32, #tpu.memory_space<vmem>>)
      tpu.yield
    }) : () -> ()
    %scan3A_7 = arith.constant 0 : i32
    %scan3A_8 = arith.constant 125 : i32
    %scan3A_9 = arith.addi %scan3A_7, %scan3A_8 : i32
    %scan3A_10 = arith.constant 1 : i32
    scf.for %scan3A_18 = %scan3A_7 to %scan3A_9 step %scan3A_10  : i32 {
      %mul3A_19 = arith.constant 1 : i32
      %mul3A_20 = arith.muli %scan3A_18, %mul3A_19 : i32
      %add3A_21 = arith.constant 0 : i32
      %add3A_22 = arith.addi %add3A_21, %mul3A_20 : i32
      %mul3A_23 = arith.constant 2 : i32
      %mul3A_24 = arith.muli %add3A_22, %mul3A_23 : i32
      %add3A_25 = arith.constant 1 : i32
      %add3A_26 = arith.addi %mul3A_24, %add3A_25 : i32
      %mul3A_27 = arith.constant 40 : i32
      %mul3A_28 = arith.muli %add3A_26, %mul3A_27 : i32
      %add3A_29 = arith.addi %add3A, %mul3A_28 : i32
      %dma_start3A = tpu.memref_slice %arg2[%add3A_29] : memref<320000xi32, #tpu.memory_space<hbm>> -> memref<40xi32, #tpu.memory_space<hbm>>
      %dma_start3A_30 = tpu.memref_slice %arg2[%add3A_29] : memref<320000xi32, #tpu.memory_space<hbm>> -> memref<40xi32, #tpu.memory_space<hbm>>
      tpu.enqueue_dma source(%dma_start3A_30 : memref<40xi32, #tpu.memory_space<hbm>>) target(%arg8 : memref<40xi32, #tpu.memory_space<vmem>>) target_semaphore(%arg14 : memref<!tpu.dma_semaphore, #tpu.memory_space<semaphore_mem>>)
      "tpu.region"() ({
        %run_scoped3A = tpu.sem_alloc : memref<!tpu.dma_semaphore, #tpu.memory_space<semaphore_mem>>
        %dma_start3A_44 = arith.constant 0 : i32
        %dma_start3A_45 = arith.constant 0 : i32
        %dma_start3A_46 = tpu.memref_slice %arg12[%dma_start3A_44, %dma_start3A_45] : memref<10000x128xf32, #tpu.memory_space<vmem_shared>> -> memref<10000x128xf32, #tpu.memory_space<vmem_shared>>
        tpu.enqueue_indirect_dma source(%arg10 : memref<40x128xf32, #tpu.memory_space<vmem>>) target(%dma_start3A_46 : memref<10000x128xf32, #tpu.memory_space<vmem_shared>>) offsets(%arg7 : memref<40xi32, #tpu.memory_space<vmem>>) semaphore(%run_scoped3A : memref<!tpu.dma_semaphore, #tpu.memory_space<semaphore_mem>>) {add = true}
        %dma_wait3A_47 = arith.constant 0 : i32
        %dma_wait3A_48 = arith.constant 0 : i32
        %dma_wait3A_49 = tpu.memref_slice %arg12[%dma_wait3A_47, %dma_wait3A_48] : memref<10000x128xf32, #tpu.memory_space<vmem_shared>> -> memref<10000x128xf32, #tpu.memory_space<vmem_shared>>
        tpu.wait_indirect_dma semaphore(%run_scoped3A : memref<!tpu.dma_semaphore, #tpu.memory_space<semaphore_mem>>) src(%arg10 : memref<40x128xf32, #tpu.memory_space<vmem>>) dst(%dma_wait3A_49 : memref<10000x128xf32, #tpu.memory_space<vmem_shared>>)
        tpu.yield
      }) : () -> ()
      %lt3A = arith.constant 124 : i32
      %lt3A_31 = arith.cmpi slt, %add3A_22, %lt3A : i32
      %convert_element_type3A = arith.extui %lt3A_31 : i1 to i32
      %cond3A = arith.constant 0 : i32
      %cond3A_32 = arith.cmpi ne, %convert_element_type3A, %cond3A : i32
      scf.if %cond3A_32 {
        %add3A_44 = arith.constant 2 : i32
        %add3A_45 = arith.addi %mul3A_24, %add3A_44 : i32
        %mul3A_46 = arith.constant 40 : i32
        %mul3A_47 = arith.muli %add3A_45, %mul3A_46 : i32
        %add3A_48 = arith.addi %add3A, %mul3A_47 : i32
        %dma_start3A_49 = tpu.memref_slice %arg2[%add3A_48] : memref<320000xi32, #tpu.memory_space<hbm>> -> memref<40xi32, #tpu.memory_space<hbm>>
        %dma_start3A_50 = tpu.memref_slice %arg2[%add3A_48] : memref<320000xi32, #tpu.memory_space<hbm>> -> memref<40xi32, #tpu.memory_space<hbm>>
        tpu.enqueue_dma source(%dma_start3A_50 : memref<40xi32, #tpu.memory_space<hbm>>) target(%arg7 : memref<40xi32, #tpu.memory_space<vmem>>) target_semaphore(%arg13 : memref<!tpu.dma_semaphore, #tpu.memory_space<semaphore_mem>>)
      } else {
      }
      %add3A_33 = arith.constant 1 : i32
      %add3A_34 = arith.addi %mul3A_24, %add3A_33 : i32
      %mul3A_35 = arith.constant 40 : i32
      %mul3A_36 = arith.muli %add3A_34, %mul3A_35 : i32
      %add3A_37 = arith.addi %add3A, %mul3A_36 : i32
      %dma_wait3A = tpu.memref_slice %arg2[%add3A_37] : memref<320000xi32, #tpu.memory_space<hbm>> -> memref<40xi32, #tpu.memory_space<hbm>>
      %dma_wait3A_38 = tpu.memref_slice %arg2[%add3A_37] : memref<320000xi32, #tpu.memory_space<hbm>> -> memref<40xi32, #tpu.memory_space<hbm>>
      tpu.wait_dma2 semaphore(%arg14 : memref<!tpu.dma_semaphore, #tpu.memory_space<semaphore_mem>>) src(%dma_wait3A_38 : memref<40xi32, #tpu.memory_space<hbm>>) dst(%arg8 : memref<40xi32, #tpu.memory_space<vmem>>)
      "tpu.region"() ({
        %run_scoped3A = tpu.sem_alloc : memref<!tpu.dma_semaphore, #tpu.memory_space<semaphore_mem>>
        %dma_start3A_44 = arith.constant 0 : i32
        %dma_start3A_45 = arith.constant 0 : i32
        %dma_start3A_46 = tpu.memref_slice %arg12[%dma_start3A_44, %dma_start3A_45] : memref<10000x128xf32, #tpu.memory_space<vmem_shared>> -> memref<10000x128xf32, #tpu.memory_space<vmem_shared>>
        tpu.enqueue_indirect_dma source(%arg10 : memref<40x128xf32, #tpu.memory_space<vmem>>) target(%dma_start3A_46 : memref<10000x128xf32, #tpu.memory_space<vmem_shared>>) offsets(%arg8 : memref<40xi32, #tpu.memory_space<vmem>>) semaphore(%run_scoped3A : memref<!tpu.dma_semaphore, #tpu.memory_space<semaphore_mem>>) {add = true}
        %dma_wait3A_47 = arith.constant 0 : i32
        %dma_wait3A_48 = arith.constant 0 : i32
        %dma_wait3A_49 = tpu.memref_slice %arg12[%dma_wait3A_47, %dma_wait3A_48] : memref<10000x128xf32, #tpu.memory_space<vmem_shared>> -> memref<10000x128xf32, #tpu.memory_space<vmem_shared>>
        tpu.wait_indirect_dma semaphore(%run_scoped3A : memref<!tpu.dma_semaphore, #tpu.memory_space<semaphore_mem>>) src(%arg10 : memref<40x128xf32, #tpu.memory_space<vmem>>) dst(%dma_wait3A_49 : memref<10000x128xf32, #tpu.memory_space<vmem_shared>>)
        tpu.yield
      }) : () -> ()
      %lt3A_39 = arith.constant 124 : i32
      %lt3A_40 = arith.cmpi slt, %add3A_22, %lt3A_39 : i32
      %convert_element_type3A_41 = arith.extui %lt3A_40 : i1 to i32
      %cond3A_42 = arith.constant 0 : i32
      %cond3A_43 = arith.cmpi ne, %convert_element_type3A_41, %cond3A_42 : i32
      scf.if %cond3A_43 {
        %add3A_44 = arith.constant 2 : i32
        %add3A_45 = arith.addi %mul3A_24, %add3A_44 : i32
        %mul3A_46 = arith.constant 40 : i32
        %mul3A_47 = arith.muli %add3A_45, %mul3A_46 : i32
        %add3A_48 = arith.addi %add3A, %mul3A_47 : i32
        %dma_wait3A_49 = tpu.memref_slice %arg2[%add3A_48] : memref<320000xi32, #tpu.memory_space<hbm>> -> memref<40xi32, #tpu.memory_space<hbm>>
        %dma_wait3A_50 = tpu.memref_slice %arg2[%add3A_48] : memref<320000xi32, #tpu.memory_space<hbm>> -> memref<40xi32, #tpu.memory_space<hbm>>
        tpu.wait_dma2 semaphore(%arg13 : memref<!tpu.dma_semaphore, #tpu.memory_space<semaphore_mem>>) src(%dma_wait3A_50 : memref<40xi32, #tpu.memory_space<hbm>>) dst(%arg7 : memref<40xi32, #tpu.memory_space<vmem>>)
      } else {
      }
    }
    %scan3A_11 = arith.constant 125 : i32
    %barrier3A_12 = arith.constant 0 : index
    tpu.barrier barrier_id(%barrier3A_12)
    %scan3A_13 = arith.constant 0 : i32
    %scan3A_14 = arith.constant 16 : i32
    %scan3A_15 = arith.addi %scan3A_13, %scan3A_14 : i32
    %scan3A_16 = arith.constant 1 : i32
    scf.for %scan3A_18 = %scan3A_13 to %scan3A_15 step %scan3A_16  : i32 {
      %mul3A_19 = arith.constant 1 : i32
      %mul3A_20 = arith.muli %scan3A_18, %mul3A_19 : i32
      %add3A_21 = arith.constant 0 : i32
      %add3A_22 = arith.addi %add3A_21, %mul3A_20 : i32
      %mul3A_23 = arith.constant 16 : i32
      %mul3A_24 = arith.muli %arg1, %mul3A_23 : i32
      %add3A_25 = arith.addi %mul3A_24, %add3A_22 : i32
      %lt3A = arith.constant 250 : i32
      %lt3A_26 = arith.cmpi slt, %add3A_25, %lt3A : i32
      %convert_element_type3A = arith.extui %lt3A_26 : i1 to i32
      %cond3A = arith.constant 0 : i32
      %cond3A_27 = arith.cmpi ne, %convert_element_type3A, %cond3A : i32
      scf.if %cond3A_27 {
        %mul3A_28 = arith.constant 40 : i32
        %mul3A_29 = arith.muli %add3A_25, %mul3A_28 : i32
        "tpu.region"() ({
          %run_scoped3A = tpu.sem_alloc : memref<!tpu.dma_semaphore, #tpu.memory_space<semaphore_mem>>
          %dma_start3A = tpu.memref_slice %arg3[%mul3A_29] : memref<10000xi32, #tpu.memory_space<hbm>> -> memref<40xi32, #tpu.memory_space<hbm>>
          %dma_start3A_35 = tpu.memref_slice %arg3[%mul3A_29] : memref<10000xi32, #tpu.memory_space<hbm>> -> memref<40xi32, #tpu.memory_space<hbm>>
          tpu.enqueue_dma source(%dma_start3A_35 : memref<40xi32, #tpu.memory_space<hbm>>) target(%arg9 : memref<40xi32, #tpu.memory_space<vmem>>) target_semaphore(%run_scoped3A : memref<!tpu.dma_semaphore, #tpu.memory_space<semaphore_mem>>)
          %dma_wait3A = tpu.memref_slice %arg3[%mul3A_29] : memref<10000xi32, #tpu.memory_space<hbm>> -> memref<40xi32, #tpu.memory_space<hbm>>
          %dma_wait3A_36 = tpu.memref_slice %arg3[%mul3A_29] : memref<10000xi32, #tpu.memory_space<hbm>> -> memref<40xi32, #tpu.memory_space<hbm>>
          tpu.wait_dma2 semaphore(%run_scoped3A : memref<!tpu.dma_semaphore, #tpu.memory_space<semaphore_mem>>) src(%dma_wait3A_36 : memref<40xi32, #tpu.memory_space<hbm>>) dst(%arg9 : memref<40xi32, #tpu.memory_space<vmem>>)
          tpu.yield
        }) : () -> ()
        "tpu.region"() ({
          %run_scoped3A = tpu.sem_alloc : memref<!tpu.dma_semaphore, #tpu.memory_space<semaphore_mem>>
          %dma_start3A = arith.constant 0 : i32
          %dma_start3A_35 = arith.constant 0 : i32
          %dma_start3A_36 = tpu.memref_slice %arg12[%dma_start3A, %dma_start3A_35] : memref<10000x128xf32, #tpu.memory_space<vmem_shared>> -> memref<10000x128xf32, #tpu.memory_space<vmem_shared>>
          tpu.enqueue_indirect_dma source(%dma_start3A_36 : memref<10000x128xf32, #tpu.memory_space<vmem_shared>>) target(%arg11 : memref<40x128xf32, #tpu.memory_space<vmem>>) offsets(%arg9 : memref<40xi32, #tpu.memory_space<vmem>>) semaphore(%run_scoped3A : memref<!tpu.dma_semaphore, #tpu.memory_space<semaphore_mem>>)
          %dma_wait3A = arith.constant 0 : i32
          %dma_wait3A_37 = arith.constant 0 : i32
          %dma_wait3A_38 = tpu.memref_slice %arg12[%dma_wait3A, %dma_wait3A_37] : memref<10000x128xf32, #tpu.memory_space<vmem_shared>> -> memref<10000x128xf32, #tpu.memory_space<vmem_shared>>
          tpu.wait_indirect_dma semaphore(%run_scoped3A : memref<!tpu.dma_semaphore, #tpu.memory_space<semaphore_mem>>) src(%dma_wait3A_38 : memref<10000x128xf32, #tpu.memory_space<vmem_shared>>) dst(%arg11 : memref<40x128xf32, #tpu.memory_space<vmem>>)
          tpu.yield
        }) : () -> ()
        %mul3A_30 = arith.constant 10000 : i32
        %mul3A_31 = arith.muli %arg0, %mul3A_30 : i32
        %mul3A_32 = arith.constant 40 : i32
        %mul3A_33 = arith.muli %add3A_25, %mul3A_32 : i32
        %add3A_34 = arith.addi %mul3A_31, %mul3A_33 : i32
        "tpu.region"() ({
          %run_scoped3A = tpu.sem_alloc : memref<!tpu.dma_semaphore, #tpu.memory_space<semaphore_mem>>
          %dma_start3A = arith.constant 0 : i32
          %dma_start3A_35 = tpu.memref_slice %arg6[%add3A_34, %dma_start3A] : memref<20000x128xf32, #tpu.memory_space<hbm>> -> memref<40x128xf32, #tpu.memory_space<hbm>>
          %dma_start3A_36 = arith.constant 0 : i32
          %dma_start3A_37 = tpu.memref_slice %arg6[%add3A_34, %dma_start3A_36] : memref<20000x128xf32, #tpu.memory_space<hbm>> -> memref<40x128xf32, #tpu.memory_space<hbm>>
          tpu.enqueue_dma source(%arg11 : memref<40x128xf32, #tpu.memory_space<vmem>>) target(%dma_start3A_37 : memref<40x128xf32, #tpu.memory_space<hbm>>) target_semaphore(%run_scoped3A : memref<!tpu.dma_semaphore, #tpu.memory_space<semaphore_mem>>)
          %dma_wait3A = arith.constant 0 : i32
          %dma_wait3A_38 = tpu.memref_slice %arg6[%add3A_34, %dma_wait3A] : memref<20000x128xf32, #tpu.memory_space<hbm>> -> memref<40x128xf32, #tpu.memory_space<hbm>>
          %dma_wait3A_39 = arith.constant 0 : i32
          %dma_wait3A_40 = tpu.memref_slice %arg6[%add3A_34, %dma_wait3A_39] : memref<20000x128xf32, #tpu.memory_space<hbm>> -> memref<40x128xf32, #tpu.memory_space<hbm>>
          tpu.wait_dma2 semaphore(%run_scoped3A : memref<!tpu.dma_semaphore, #tpu.memory_space<semaphore_mem>>) src(%arg11 : memref<40x128xf32, #tpu.memory_space<vmem>>) dst(%dma_wait3A_40 : memref<40x128xf32, #tpu.memory_space<hbm>>)
          tpu.yield
        }) : () -> ()
      } else {
      }
    }
    %scan3A_17 = arith.constant 16 : i32
    return
  }
}

#map = affine_map<(d0, d1) -> (0, 0)>
#map1 = affine_map<(d0, d1) -> (0, 0, 0, 0, 0)>
#map2 = affine_map<(d0, d1) -> (0)>
module attributes {stable_mosaic.version = 14 : i64} {
  func.func @_prop(%arg0: i32, %arg1: i32, %arg2: memref<20000x128xf32, #tpu.memory_space<hbm>>, %arg3: memref<2x16x10x50x40xi32, #tpu.memory_space<hbm>>, %arg4: memref<320000xi32, #tpu.memory_space<hbm>>, %arg5: memref<10000xi32, #tpu.memory_space<hbm>>, %arg6: memref<40x128xf32, #tpu.memory_space<hbm>>, %arg7: memref<20000x128xf32, #tpu.memory_space<hbm>>, %arg8: memref<50x40xi32, #tpu.memory_space<vmem>>, %arg9: memref<40xi32, #tpu.memory_space<vmem>>, %arg10: memref<40xi32, #tpu.memory_space<vmem>>, %arg11: memref<40xi32, #tpu.memory_space<vmem>>, %arg12: memref<40x128xf32, #tpu.memory_space<vmem>>, %arg13: memref<40x128xf32, #tpu.memory_space<vmem>>, %arg14: memref<40x128xf32, #tpu.memory_space<vmem>>, %arg15: memref<10000x128xf32, #tpu.memory_space<vmem_shared>>, %arg16: memref<!tpu.dma_semaphore, #tpu.memory_space<semaphore_mem>>, %arg17: memref<!tpu.dma_semaphore, #tpu.memory_space<semaphore_mem>>, %arg18: memref<!tpu.dma_semaphore, #tpu.memory_space<semaphore_mem>>, %arg19: memref<!tpu.dma_semaphore, #tpu.memory_space<semaphore_mem>>) attributes {dimension_semantics = [#tpu.dimension_semantics<core_parallel>, #tpu.dimension_semantics<subcore_parallel>], iteration_bounds = array<i64: 2, 16>, scalar_prefetch = 0 : i64, scratch_operands = 12 : i64, tpu.core_type = #tpu.core_type<sc_vector_subcore>, window_params = [{transform_indices = #map}, {transform_indices = #map1}, {transform_indices = #map2}, {transform_indices = #map2}, {transform_indices = #map}, {transform_indices = #map}]} {
    "tpu.region"() ({
      %run_scoped3A = tpu.sem_alloc : memref<!tpu.dma_semaphore, #tpu.memory_space<semaphore_mem>>
      tpu.enqueue_dma source(%arg6 : memref<40x128xf32, #tpu.memory_space<hbm>>) target(%arg14 : memref<40x128xf32, #tpu.memory_space<vmem>>) target_semaphore(%run_scoped3A : memref<!tpu.dma_semaphore, #tpu.memory_space<semaphore_mem>>)
      tpu.wait_dma2 semaphore(%run_scoped3A : memref<!tpu.dma_semaphore, #tpu.memory_space<semaphore_mem>>) src(%arg6 : memref<40x128xf32, #tpu.memory_space<hbm>>) dst(%arg14 : memref<40x128xf32, #tpu.memory_space<vmem>>)
      tpu.yield
    }) : () -> ()
    %scan3A = arith.constant 0 : i32
    %scan3A_0 = arith.constant 16 : i32
    %scan3A_1 = arith.addi %scan3A, %scan3A_0 : i32
    %scan3A_2 = arith.constant 1 : i32
    scf.for %scan3A_16 = %scan3A to %scan3A_1 step %scan3A_2  : i32 {
      %mul3A_17 = arith.constant 1 : i32
      %mul3A_18 = arith.muli %scan3A_16, %mul3A_17 : i32
      %add3A = arith.constant 0 : i32
      %add3A_19 = arith.addi %add3A, %mul3A_18 : i32
      %mul3A_20 = arith.constant 16 : i32
      %mul3A_21 = arith.muli %arg1, %mul3A_20 : i32
      %add3A_22 = arith.addi %mul3A_21, %add3A_19 : i32
      %lt3A = arith.constant 250 : i32
      %lt3A_23 = arith.cmpi slt, %add3A_22, %lt3A : i32
      %convert_element_type3A = arith.extui %lt3A_23 : i1 to i32
      %cond3A = arith.constant 0 : i32
      %cond3A_24 = arith.cmpi ne, %convert_element_type3A, %cond3A : i32
      scf.if %cond3A_24 {
        %mul3A_25 = arith.constant 40 : i32
        %mul3A_26 = arith.muli %add3A_22, %mul3A_25 : i32
        "tpu.region"() ({
          %run_scoped3A = tpu.sem_alloc : memref<!tpu.dma_semaphore, #tpu.memory_space<semaphore_mem>>
          %dma_start3A = tpu.memref_slice %arg5[%mul3A_26] : memref<10000xi32, #tpu.memory_space<hbm>> -> memref<40xi32, #tpu.memory_space<hbm>>
          %dma_start3A_27 = tpu.memref_slice %arg5[%mul3A_26] : memref<10000xi32, #tpu.memory_space<hbm>> -> memref<40xi32, #tpu.memory_space<hbm>>
          tpu.enqueue_dma source(%dma_start3A_27 : memref<40xi32, #tpu.memory_space<hbm>>) target(%arg11 : memref<40xi32, #tpu.memory_space<vmem>>) target_semaphore(%run_scoped3A : memref<!tpu.dma_semaphore, #tpu.memory_space<semaphore_mem>>)
          %dma_wait3A = tpu.memref_slice %arg5[%mul3A_26] : memref<10000xi32, #tpu.memory_space<hbm>> -> memref<40xi32, #tpu.memory_space<hbm>>
          %dma_wait3A_28 = tpu.memref_slice %arg5[%mul3A_26] : memref<10000xi32, #tpu.memory_space<hbm>> -> memref<40xi32, #tpu.memory_space<hbm>>
          tpu.wait_dma2 semaphore(%run_scoped3A : memref<!tpu.dma_semaphore, #tpu.memory_space<semaphore_mem>>) src(%dma_wait3A_28 : memref<40xi32, #tpu.memory_space<hbm>>) dst(%arg11 : memref<40xi32, #tpu.memory_space<vmem>>)
          tpu.yield
        }) : () -> ()
        "tpu.region"() ({
          %run_scoped3A = tpu.sem_alloc : memref<!tpu.dma_semaphore, #tpu.memory_space<semaphore_mem>>
          %dma_start3A = arith.constant 0 : i32
          %dma_start3A_27 = arith.constant 0 : i32
          %dma_start3A_28 = tpu.memref_slice %arg15[%dma_start3A, %dma_start3A_27] : memref<10000x128xf32, #tpu.memory_space<vmem_shared>> -> memref<10000x128xf32, #tpu.memory_space<vmem_shared>>
          tpu.enqueue_indirect_dma source(%arg14 : memref<40x128xf32, #tpu.memory_space<vmem>>) target(%dma_start3A_28 : memref<10000x128xf32, #tpu.memory_space<vmem_shared>>) offsets(%arg11 : memref<40xi32, #tpu.memory_space<vmem>>) semaphore(%run_scoped3A : memref<!tpu.dma_semaphore, #tpu.memory_space<semaphore_mem>>)
          %dma_wait3A = arith.constant 0 : i32
          %dma_wait3A_29 = arith.constant 0 : i32
          %dma_wait3A_30 = tpu.memref_slice %arg15[%dma_wait3A, %dma_wait3A_29] : memref<10000x128xf32, #tpu.memory_space<vmem_shared>> -> memref<10000x128xf32, #tpu.memory_space<vmem_shared>>
          tpu.wait_indirect_dma semaphore(%run_scoped3A : memref<!tpu.dma_semaphore, #tpu.memory_space<semaphore_mem>>) src(%arg14 : memref<40x128xf32, #tpu.memory_space<vmem>>) dst(%dma_wait3A_30 : memref<10000x128xf32, #tpu.memory_space<vmem_shared>>)
          tpu.yield
        }) : () -> ()
      } else {
      }
    }
    %scan3A_3 = arith.constant 16 : i32
    %barrier3A = arith.constant 0 : index
    tpu.barrier barrier_id(%barrier3A)
    %mul3A = arith.constant 20000 : i32
    %mul3A_4 = arith.muli %arg1, %mul3A : i32
    %scan3A_5 = arith.constant 0 : i32
    %scan3A_6 = arith.constant 10 : i32
    %scan3A_7 = arith.addi %scan3A_5, %scan3A_6 : i32
    %scan3A_8 = arith.constant 1 : i32
    scf.for %scan3A_16 = %scan3A_5 to %scan3A_7 step %scan3A_8  : i32 {
      %mul3A_17 = arith.constant 1 : i32
      %mul3A_18 = arith.muli %scan3A_16, %mul3A_17 : i32
      %add3A = arith.constant 0 : i32
      %add3A_19 = arith.addi %add3A, %mul3A_18 : i32
      "tpu.region"() ({
        %run_scoped3A = tpu.sem_alloc : memref<!tpu.dma_semaphore, #tpu.memory_space<semaphore_mem>>
        %dma_start3A_36 = arith.constant 0 : i32
        %dma_start3A_37 = arith.constant 0 : i32
        %dma_start3A_38 = tpu.memref_slice %arg3[%arg0, %arg1, %add3A_19, %dma_start3A_36, %dma_start3A_37] : memref<2x16x10x50x40xi32, #tpu.memory_space<hbm>> -> memref<1x1x1x50x40xi32, #tpu.memory_space<hbm>>
        %dma_start3A_39 = tpu.memref_squeeze %dma_start3A_38 : memref<1x1x1x50x40xi32, #tpu.memory_space<hbm>> -> memref<50x40xi32, #tpu.memory_space<hbm>>
        %dma_start3A_40 = arith.constant 0 : i32
        %dma_start3A_41 = arith.constant 0 : i32
        %dma_start3A_42 = tpu.memref_slice %arg3[%arg0, %arg1, %add3A_19, %dma_start3A_40, %dma_start3A_41] : memref<2x16x10x50x40xi32, #tpu.memory_space<hbm>> -> memref<1x1x1x50x40xi32, #tpu.memory_space<hbm>>
        %dma_start3A_43 = tpu.memref_squeeze %dma_start3A_42 : memref<1x1x1x50x40xi32, #tpu.memory_space<hbm>> -> memref<50x40xi32, #tpu.memory_space<hbm>>
        tpu.enqueue_dma source(%dma_start3A_43 : memref<50x40xi32, #tpu.memory_space<hbm>>) target(%arg8 : memref<50x40xi32, #tpu.memory_space<vmem>>) target_semaphore(%run_scoped3A : memref<!tpu.dma_semaphore, #tpu.memory_space<semaphore_mem>>)
        %dma_wait3A = arith.constant 0 : i32
        %dma_wait3A_44 = arith.constant 0 : i32
        %dma_wait3A_45 = tpu.memref_slice %arg3[%arg0, %arg1, %add3A_19, %dma_wait3A, %dma_wait3A_44] : memref<2x16x10x50x40xi32, #tpu.memory_space<hbm>> -> memref<1x1x1x50x40xi32, #tpu.memory_space<hbm>>
        %dma_wait3A_46 = tpu.memref_squeeze %dma_wait3A_45 : memref<1x1x1x50x40xi32, #tpu.memory_space<hbm>> -> memref<50x40xi32, #tpu.memory_space<hbm>>
        %dma_wait3A_47 = arith.constant 0 : i32
        %dma_wait3A_48 = arith.constant 0 : i32
        %dma_wait3A_49 = tpu.memref_slice %arg3[%arg0, %arg1, %add3A_19, %dma_wait3A_47, %dma_wait3A_48] : memref<2x16x10x50x40xi32, #tpu.memory_space<hbm>> -> memref<1x1x1x50x40xi32, #tpu.memory_space<hbm>>
        %dma_wait3A_50 = tpu.memref_squeeze %dma_wait3A_49 : memref<1x1x1x50x40xi32, #tpu.memory_space<hbm>> -> memref<50x40xi32, #tpu.memory_space<hbm>>
        tpu.wait_dma2 semaphore(%run_scoped3A : memref<!tpu.dma_semaphore, #tpu.memory_space<semaphore_mem>>) src(%dma_wait3A_50 : memref<50x40xi32, #tpu.memory_space<hbm>>) dst(%arg8 : memref<50x40xi32, #tpu.memory_space<vmem>>)
        tpu.yield
      }) : () -> ()
      %mul3A_20 = arith.constant 50 : i32
      %mul3A_21 = arith.muli %add3A_19, %mul3A_20 : i32
      %mul3A_22 = arith.constant 40 : i32
      %mul3A_23 = arith.muli %mul3A_21, %mul3A_22 : i32
      %add3A_24 = arith.addi %mul3A_4, %mul3A_23 : i32
      "tpu.region"() ({
        %run_scoped3A = tpu.sem_alloc : memref<!tpu.dma_semaphore, #tpu.memory_space<semaphore_mem>>
        %dma_start3A_36 = tpu.memref_slice %arg4[%add3A_24] : memref<320000xi32, #tpu.memory_space<hbm>> -> memref<40xi32, #tpu.memory_space<hbm>>
        %dma_start3A_37 = tpu.memref_slice %arg4[%add3A_24] : memref<320000xi32, #tpu.memory_space<hbm>> -> memref<40xi32, #tpu.memory_space<hbm>>
        tpu.enqueue_dma source(%dma_start3A_37 : memref<40xi32, #tpu.memory_space<hbm>>) target(%arg9 : memref<40xi32, #tpu.memory_space<vmem>>) target_semaphore(%run_scoped3A : memref<!tpu.dma_semaphore, #tpu.memory_space<semaphore_mem>>)
        %dma_wait3A = tpu.memref_slice %arg4[%add3A_24] : memref<320000xi32, #tpu.memory_space<hbm>> -> memref<40xi32, #tpu.memory_space<hbm>>
        %dma_wait3A_38 = tpu.memref_slice %arg4[%add3A_24] : memref<320000xi32, #tpu.memory_space<hbm>> -> memref<40xi32, #tpu.memory_space<hbm>>
        tpu.wait_dma2 semaphore(%run_scoped3A : memref<!tpu.dma_semaphore, #tpu.memory_space<semaphore_mem>>) src(%dma_wait3A_38 : memref<40xi32, #tpu.memory_space<hbm>>) dst(%arg9 : memref<40xi32, #tpu.memory_space<vmem>>)
        tpu.yield
      }) : () -> ()
      %dma_start3A = arith.constant 0 : i32
      %dma_start3A_25 = arith.constant 0 : i32
      %dma_start3A_26 = tpu.memref_slice %arg8[%dma_start3A, %dma_start3A_25] : memref<50x40xi32, #tpu.memory_space<vmem>> -> memref<1x40xi32, #tpu.memory_space<vmem>>
      %dma_start3A_27 = tpu.memref_squeeze %dma_start3A_26 : memref<1x40xi32, #tpu.memory_space<vmem>> -> memref<40xi32, #tpu.memory_space<vmem>>
      %dma_start3A_28 = arith.constant 0 : i32
      %dma_start3A_29 = arith.constant 0 : i32
      %dma_start3A_30 = tpu.memref_slice %arg2[%dma_start3A_28, %dma_start3A_29] : memref<20000x128xf32, #tpu.memory_space<hbm>> -> memref<20000x128xf32, #tpu.memory_space<hbm>>
      tpu.enqueue_indirect_dma source(%dma_start3A_30 : memref<20000x128xf32, #tpu.memory_space<hbm>>) target(%arg12 : memref<40x128xf32, #tpu.memory_space<vmem>>) offsets(%dma_start3A_27 : memref<40xi32, #tpu.memory_space<vmem>>) semaphore(%arg16 : memref<!tpu.dma_semaphore, #tpu.memory_space<semaphore_mem>>)
      %scan3A_31 = arith.constant 0 : i32
      %scan3A_32 = arith.constant 25 : i32
      %scan3A_33 = arith.addi %scan3A_31, %scan3A_32 : i32
      %scan3A_34 = arith.constant 1 : i32
      scf.for %scan3A_36 = %scan3A_31 to %scan3A_33 step %scan3A_34  : i32 {
        %mul3A_37 = arith.constant 1 : i32
        %mul3A_38 = arith.muli %scan3A_36, %mul3A_37 : i32
        %add3A_39 = arith.constant 0 : i32
        %add3A_40 = arith.addi %add3A_39, %mul3A_38 : i32
        %mul3A_41 = arith.constant 2 : i32
        %mul3A_42 = arith.muli %add3A_40, %mul3A_41 : i32
        %add3A_43 = arith.constant 1 : i32
        %add3A_44 = arith.addi %mul3A_42, %add3A_43 : i32
        %dma_start3A_45 = arith.constant 0 : i32
        %dma_start3A_46 = tpu.memref_slice %arg8[%add3A_44, %dma_start3A_45] : memref<50x40xi32, #tpu.memory_space<vmem>> -> memref<1x40xi32, #tpu.memory_space<vmem>>
        %dma_start3A_47 = tpu.memref_squeeze %dma_start3A_46 : memref<1x40xi32, #tpu.memory_space<vmem>> -> memref<40xi32, #tpu.memory_space<vmem>>
        %dma_start3A_48 = arith.constant 0 : i32
        %dma_start3A_49 = arith.constant 0 : i32
        %dma_start3A_50 = tpu.memref_slice %arg2[%dma_start3A_48, %dma_start3A_49] : memref<20000x128xf32, #tpu.memory_space<hbm>> -> memref<20000x128xf32, #tpu.memory_space<hbm>>
        tpu.enqueue_indirect_dma source(%dma_start3A_50 : memref<20000x128xf32, #tpu.memory_space<hbm>>) target(%arg13 : memref<40x128xf32, #tpu.memory_space<vmem>>) offsets(%dma_start3A_47 : memref<40xi32, #tpu.memory_space<vmem>>) semaphore(%arg17 : memref<!tpu.dma_semaphore, #tpu.memory_space<semaphore_mem>>)
        %add3A_51 = arith.constant 1 : i32
        %add3A_52 = arith.addi %mul3A_42, %add3A_51 : i32
        %mul3A_53 = arith.constant 40 : i32
        %mul3A_54 = arith.muli %add3A_52, %mul3A_53 : i32
        %add3A_55 = arith.addi %add3A_24, %mul3A_54 : i32
        %dma_start3A_56 = tpu.memref_slice %arg4[%add3A_55] : memref<320000xi32, #tpu.memory_space<hbm>> -> memref<40xi32, #tpu.memory_space<hbm>>
        %dma_start3A_57 = tpu.memref_slice %arg4[%add3A_55] : memref<320000xi32, #tpu.memory_space<hbm>> -> memref<40xi32, #tpu.memory_space<hbm>>
        tpu.enqueue_dma source(%dma_start3A_57 : memref<40xi32, #tpu.memory_space<hbm>>) target(%arg10 : memref<40xi32, #tpu.memory_space<vmem>>) target_semaphore(%arg19 : memref<!tpu.dma_semaphore, #tpu.memory_space<semaphore_mem>>)
        %dma_wait3A = arith.constant 0 : i32
        %dma_wait3A_58 = tpu.memref_slice %arg8[%mul3A_42, %dma_wait3A] : memref<50x40xi32, #tpu.memory_space<vmem>> -> memref<1x40xi32, #tpu.memory_space<vmem>>
        %dma_wait3A_59 = tpu.memref_squeeze %dma_wait3A_58 : memref<1x40xi32, #tpu.memory_space<vmem>> -> memref<40xi32, #tpu.memory_space<vmem>>
        %dma_wait3A_60 = arith.constant 0 : i32
        %dma_wait3A_61 = arith.constant 0 : i32
        %dma_wait3A_62 = tpu.memref_slice %arg2[%dma_wait3A_60, %dma_wait3A_61] : memref<20000x128xf32, #tpu.memory_space<hbm>> -> memref<20000x128xf32, #tpu.memory_space<hbm>>
        tpu.wait_indirect_dma semaphore(%arg16 : memref<!tpu.dma_semaphore, #tpu.memory_space<semaphore_mem>>) src(%dma_wait3A_62 : memref<20000x128xf32, #tpu.memory_space<hbm>>) dst(%arg12 : memref<40x128xf32, #tpu.memory_space<vmem>>)
        "tpu.region"() ({
          %run_scoped3A = tpu.sem_alloc : memref<!tpu.dma_semaphore, #tpu.memory_space<semaphore_mem>>
          %dma_start3A_85 = arith.constant 0 : i32
          %dma_start3A_86 = arith.constant 0 : i32
          %dma_start3A_87 = tpu.memref_slice %arg15[%dma_start3A_85, %dma_start3A_86] : memref<10000x128xf32, #tpu.memory_space<vmem_shared>> -> memref<10000x128xf32, #tpu.memory_space<vmem_shared>>
          tpu.enqueue_indirect_dma source(%arg12 : memref<40x128xf32, #tpu.memory_space<vmem>>) target(%dma_start3A_87 : memref<10000x128xf32, #tpu.memory_space<vmem_shared>>) offsets(%arg9 : memref<40xi32, #tpu.memory_space<vmem>>) semaphore(%run_scoped3A : memref<!tpu.dma_semaphore, #tpu.memory_space<semaphore_mem>>) {add = true}
          %dma_wait3A_88 = arith.constant 0 : i32
          %dma_wait3A_89 = arith.constant 0 : i32
          %dma_wait3A_90 = tpu.memref_slice %arg15[%dma_wait3A_88, %dma_wait3A_89] : memref<10000x128xf32, #tpu.memory_space<vmem_shared>> -> memref<10000x128xf32, #tpu.memory_space<vmem_shared>>
          tpu.wait_indirect_dma semaphore(%run_scoped3A : memref<!tpu.dma_semaphore, #tpu.memory_space<semaphore_mem>>) src(%arg12 : memref<40x128xf32, #tpu.memory_space<vmem>>) dst(%dma_wait3A_90 : memref<10000x128xf32, #tpu.memory_space<vmem_shared>>)
          tpu.yield
        }) : () -> ()
        %lt3A = arith.constant 24 : i32
        %lt3A_63 = arith.cmpi slt, %add3A_40, %lt3A : i32
        %convert_element_type3A = arith.extui %lt3A_63 : i1 to i32
        %cond3A = arith.constant 0 : i32
        %cond3A_64 = arith.cmpi ne, %convert_element_type3A, %cond3A : i32
        scf.if %cond3A_64 {
          %add3A_85 = arith.constant 2 : i32
          %add3A_86 = arith.addi %mul3A_42, %add3A_85 : i32
          %dma_start3A_87 = arith.constant 0 : i32
          %dma_start3A_88 = tpu.memref_slice %arg8[%add3A_86, %dma_start3A_87] : memref<50x40xi32, #tpu.memory_space<vmem>> -> memref<1x40xi32, #tpu.memory_space<vmem>>
          %dma_start3A_89 = tpu.memref_squeeze %dma_start3A_88 : memref<1x40xi32, #tpu.memory_space<vmem>> -> memref<40xi32, #tpu.memory_space<vmem>>
          %dma_start3A_90 = arith.constant 0 : i32
          %dma_start3A_91 = arith.constant 0 : i32
          %dma_start3A_92 = tpu.memref_slice %arg2[%dma_start3A_90, %dma_start3A_91] : memref<20000x128xf32, #tpu.memory_space<hbm>> -> memref<20000x128xf32, #tpu.memory_space<hbm>>
          tpu.enqueue_indirect_dma source(%dma_start3A_92 : memref<20000x128xf32, #tpu.memory_space<hbm>>) target(%arg12 : memref<40x128xf32, #tpu.memory_space<vmem>>) offsets(%dma_start3A_89 : memref<40xi32, #tpu.memory_space<vmem>>) semaphore(%arg16 : memref<!tpu.dma_semaphore, #tpu.memory_space<semaphore_mem>>)
          %add3A_93 = arith.constant 2 : i32
          %add3A_94 = arith.addi %mul3A_42, %add3A_93 : i32
          %mul3A_95 = arith.constant 40 : i32
          %mul3A_96 = arith.muli %add3A_94, %mul3A_95 : i32
          %add3A_97 = arith.addi %add3A_24, %mul3A_96 : i32
          %dma_start3A_98 = tpu.memref_slice %arg4[%add3A_97] : memref<320000xi32, #tpu.memory_space<hbm>> -> memref<40xi32, #tpu.memory_space<hbm>>
          %dma_start3A_99 = tpu.memref_slice %arg4[%add3A_97] : memref<320000xi32, #tpu.memory_space<hbm>> -> memref<40xi32, #tpu.memory_space<hbm>>
          tpu.enqueue_dma source(%dma_start3A_99 : memref<40xi32, #tpu.memory_space<hbm>>) target(%arg9 : memref<40xi32, #tpu.memory_space<vmem>>) target_semaphore(%arg18 : memref<!tpu.dma_semaphore, #tpu.memory_space<semaphore_mem>>)
        } else {
        }
        %add3A_65 = arith.constant 1 : i32
        %add3A_66 = arith.addi %mul3A_42, %add3A_65 : i32
        %dma_wait3A_67 = arith.constant 0 : i32
        %dma_wait3A_68 = tpu.memref_slice %arg8[%add3A_66, %dma_wait3A_67] : memref<50x40xi32, #tpu.memory_space<vmem>> -> memref<1x40xi32, #tpu.memory_space<vmem>>
        %dma_wait3A_69 = tpu.memref_squeeze %dma_wait3A_68 : memref<1x40xi32, #tpu.memory_space<vmem>> -> memref<40xi32, #tpu.memory_space<vmem>>
        %dma_wait3A_70 = arith.constant 0 : i32
        %dma_wait3A_71 = arith.constant 0 : i32
        %dma_wait3A_72 = tpu.memref_slice %arg2[%dma_wait3A_70, %dma_wait3A_71] : memref<20000x128xf32, #tpu.memory_space<hbm>> -> memref<20000x128xf32, #tpu.memory_space<hbm>>
        tpu.wait_indirect_dma semaphore(%arg17 : memref<!tpu.dma_semaphore, #tpu.memory_space<semaphore_mem>>) src(%dma_wait3A_72 : memref<20000x128xf32, #tpu.memory_space<hbm>>) dst(%arg13 : memref<40x128xf32, #tpu.memory_space<vmem>>)
        %add3A_73 = arith.constant 1 : i32
        %add3A_74 = arith.addi %mul3A_42, %add3A_73 : i32
        %mul3A_75 = arith.constant 40 : i32
        %mul3A_76 = arith.muli %add3A_74, %mul3A_75 : i32
        %add3A_77 = arith.addi %add3A_24, %mul3A_76 : i32
        %dma_wait3A_78 = tpu.memref_slice %arg4[%add3A_77] : memref<320000xi32, #tpu.memory_space<hbm>> -> memref<40xi32, #tpu.memory_space<hbm>>
        %dma_wait3A_79 = tpu.memref_slice %arg4[%add3A_77] : memref<320000xi32, #tpu.memory_space<hbm>> -> memref<40xi32, #tpu.memory_space<hbm>>
        tpu.wait_dma2 semaphore(%arg19 : memref<!tpu.dma_semaphore, #tpu.memory_space<semaphore_mem>>) src(%dma_wait3A_79 : memref<40xi32, #tpu.memory_space<hbm>>) dst(%arg10 : memref<40xi32, #tpu.memory_space<vmem>>)
        "tpu.region"() ({
          %run_scoped3A = tpu.sem_alloc : memref<!tpu.dma_semaphore, #tpu.memory_space<semaphore_mem>>
          %dma_start3A_85 = arith.constant 0 : i32
          %dma_start3A_86 = arith.constant 0 : i32
          %dma_start3A_87 = tpu.memref_slice %arg15[%dma_start3A_85, %dma_start3A_86] : memref<10000x128xf32, #tpu.memory_space<vmem_shared>> -> memref<10000x128xf32, #tpu.memory_space<vmem_shared>>
          tpu.enqueue_indirect_dma source(%arg13 : memref<40x128xf32, #tpu.memory_space<vmem>>) target(%dma_start3A_87 : memref<10000x128xf32, #tpu.memory_space<vmem_shared>>) offsets(%arg10 : memref<40xi32, #tpu.memory_space<vmem>>) semaphore(%run_scoped3A : memref<!tpu.dma_semaphore, #tpu.memory_space<semaphore_mem>>) {add = true}
          %dma_wait3A_88 = arith.constant 0 : i32
          %dma_wait3A_89 = arith.constant 0 : i32
          %dma_wait3A_90 = tpu.memref_slice %arg15[%dma_wait3A_88, %dma_wait3A_89] : memref<10000x128xf32, #tpu.memory_space<vmem_shared>> -> memref<10000x128xf32, #tpu.memory_space<vmem_shared>>
          tpu.wait_indirect_dma semaphore(%run_scoped3A : memref<!tpu.dma_semaphore, #tpu.memory_space<semaphore_mem>>) src(%arg13 : memref<40x128xf32, #tpu.memory_space<vmem>>) dst(%dma_wait3A_90 : memref<10000x128xf32, #tpu.memory_space<vmem_shared>>)
          tpu.yield
        }) : () -> ()
        %lt3A_80 = arith.constant 24 : i32
        %lt3A_81 = arith.cmpi slt, %add3A_40, %lt3A_80 : i32
        %convert_element_type3A_82 = arith.extui %lt3A_81 : i1 to i32
        %cond3A_83 = arith.constant 0 : i32
        %cond3A_84 = arith.cmpi ne, %convert_element_type3A_82, %cond3A_83 : i32
        scf.if %cond3A_84 {
          %add3A_85 = arith.constant 2 : i32
          %add3A_86 = arith.addi %mul3A_42, %add3A_85 : i32
          %mul3A_87 = arith.constant 40 : i32
          %mul3A_88 = arith.muli %add3A_86, %mul3A_87 : i32
          %add3A_89 = arith.addi %add3A_24, %mul3A_88 : i32
          %dma_wait3A_90 = tpu.memref_slice %arg4[%add3A_89] : memref<320000xi32, #tpu.memory_space<hbm>> -> memref<40xi32, #tpu.memory_space<hbm>>
          %dma_wait3A_91 = tpu.memref_slice %arg4[%add3A_89] : memref<320000xi32, #tpu.memory_space<hbm>> -> memref<40xi32, #tpu.memory_space<hbm>>
          tpu.wait_dma2 semaphore(%arg18 : memref<!tpu.dma_semaphore, #tpu.memory_space<semaphore_mem>>) src(%dma_wait3A_91 : memref<40xi32, #tpu.memory_space<hbm>>) dst(%arg9 : memref<40xi32, #tpu.memory_space<vmem>>)
        } else {
        }
      }
      %scan3A_35 = arith.constant 25 : i32
    }
    %scan3A_9 = arith.constant 10 : i32
    %barrier3A_10 = arith.constant 0 : index
    tpu.barrier barrier_id(%barrier3A_10)
    %scan3A_11 = arith.constant 0 : i32
    %scan3A_12 = arith.constant 16 : i32
    %scan3A_13 = arith.addi %scan3A_11, %scan3A_12 : i32
    %scan3A_14 = arith.constant 1 : i32
    scf.for %scan3A_16 = %scan3A_11 to %scan3A_13 step %scan3A_14  : i32 {
      %mul3A_17 = arith.constant 1 : i32
      %mul3A_18 = arith.muli %scan3A_16, %mul3A_17 : i32
      %add3A = arith.constant 0 : i32
      %add3A_19 = arith.addi %add3A, %mul3A_18 : i32
      %mul3A_20 = arith.constant 16 : i32
      %mul3A_21 = arith.muli %arg1, %mul3A_20 : i32
      %add3A_22 = arith.addi %mul3A_21, %add3A_19 : i32
      %lt3A = arith.constant 250 : i32
      %lt3A_23 = arith.cmpi slt, %add3A_22, %lt3A : i32
      %convert_element_type3A = arith.extui %lt3A_23 : i1 to i32
      %cond3A = arith.constant 0 : i32
      %cond3A_24 = arith.cmpi ne, %convert_element_type3A, %cond3A : i32
      scf.if %cond3A_24 {
        %mul3A_25 = arith.constant 40 : i32
        %mul3A_26 = arith.muli %add3A_22, %mul3A_25 : i32
        "tpu.region"() ({
          %run_scoped3A = tpu.sem_alloc : memref<!tpu.dma_semaphore, #tpu.memory_space<semaphore_mem>>
          %dma_start3A = tpu.memref_slice %arg5[%mul3A_26] : memref<10000xi32, #tpu.memory_space<hbm>> -> memref<40xi32, #tpu.memory_space<hbm>>
          %dma_start3A_32 = tpu.memref_slice %arg5[%mul3A_26] : memref<10000xi32, #tpu.memory_space<hbm>> -> memref<40xi32, #tpu.memory_space<hbm>>
          tpu.enqueue_dma source(%dma_start3A_32 : memref<40xi32, #tpu.memory_space<hbm>>) target(%arg11 : memref<40xi32, #tpu.memory_space<vmem>>) target_semaphore(%run_scoped3A : memref<!tpu.dma_semaphore, #tpu.memory_space<semaphore_mem>>)
          %dma_wait3A = tpu.memref_slice %arg5[%mul3A_26] : memref<10000xi32, #tpu.memory_space<hbm>> -> memref<40xi32, #tpu.memory_space<hbm>>
          %dma_wait3A_33 = tpu.memref_slice %arg5[%mul3A_26] : memref<10000xi32, #tpu.memory_space<hbm>> -> memref<40xi32, #tpu.memory_space<hbm>>
          tpu.wait_dma2 semaphore(%run_scoped3A : memref<!tpu.dma_semaphore, #tpu.memory_space<semaphore_mem>>) src(%dma_wait3A_33 : memref<40xi32, #tpu.memory_space<hbm>>) dst(%arg11 : memref<40xi32, #tpu.memory_space<vmem>>)
          tpu.yield
        }) : () -> ()
        "tpu.region"() ({
          %run_scoped3A = tpu.sem_alloc : memref<!tpu.dma_semaphore, #tpu.memory_space<semaphore_mem>>
          %dma_start3A = arith.constant 0 : i32
          %dma_start3A_32 = arith.constant 0 : i32
          %dma_start3A_33 = tpu.memref_slice %arg15[%dma_start3A, %dma_start3A_32] : memref<10000x128xf32, #tpu.memory_space<vmem_shared>> -> memref<10000x128xf32, #tpu.memory_space<vmem_shared>>
          tpu.enqueue_indirect_dma source(%dma_start3A_33 : memref<10000x128xf32, #tpu.memory_space<vmem_shared>>) target(%arg14 : memref<40x128xf32, #tpu.memory_space<vmem>>) offsets(%arg11 : memref<40xi32, #tpu.memory_space<vmem>>) semaphore(%run_scoped3A : memref<!tpu.dma_semaphore, #tpu.memory_space<semaphore_mem>>)
          %dma_wait3A = arith.constant 0 : i32
          %dma_wait3A_34 = arith.constant 0 : i32
          %dma_wait3A_35 = tpu.memref_slice %arg15[%dma_wait3A, %dma_wait3A_34] : memref<10000x128xf32, #tpu.memory_space<vmem_shared>> -> memref<10000x128xf32, #tpu.memory_space<vmem_shared>>
          tpu.wait_indirect_dma semaphore(%run_scoped3A : memref<!tpu.dma_semaphore, #tpu.memory_space<semaphore_mem>>) src(%dma_wait3A_35 : memref<10000x128xf32, #tpu.memory_space<vmem_shared>>) dst(%arg14 : memref<40x128xf32, #tpu.memory_space<vmem>>)
          tpu.yield
        }) : () -> ()
        %mul3A_27 = arith.constant 10000 : i32
        %mul3A_28 = arith.muli %arg0, %mul3A_27 : i32
        %mul3A_29 = arith.constant 40 : i32
        %mul3A_30 = arith.muli %add3A_22, %mul3A_29 : i32
        %add3A_31 = arith.addi %mul3A_28, %mul3A_30 : i32
        "tpu.region"() ({
          %run_scoped3A = tpu.sem_alloc : memref<!tpu.dma_semaphore, #tpu.memory_space<semaphore_mem>>
          %dma_start3A = arith.constant 0 : i32
          %dma_start3A_32 = tpu.memref_slice %arg7[%add3A_31, %dma_start3A] : memref<20000x128xf32, #tpu.memory_space<hbm>> -> memref<40x128xf32, #tpu.memory_space<hbm>>
          %dma_start3A_33 = arith.constant 0 : i32
          %dma_start3A_34 = tpu.memref_slice %arg7[%add3A_31, %dma_start3A_33] : memref<20000x128xf32, #tpu.memory_space<hbm>> -> memref<40x128xf32, #tpu.memory_space<hbm>>
          tpu.enqueue_dma source(%arg14 : memref<40x128xf32, #tpu.memory_space<vmem>>) target(%dma_start3A_34 : memref<40x128xf32, #tpu.memory_space<hbm>>) target_semaphore(%run_scoped3A : memref<!tpu.dma_semaphore, #tpu.memory_space<semaphore_mem>>)
          %dma_wait3A = arith.constant 0 : i32
          %dma_wait3A_35 = tpu.memref_slice %arg7[%add3A_31, %dma_wait3A] : memref<20000x128xf32, #tpu.memory_space<hbm>> -> memref<40x128xf32, #tpu.memory_space<hbm>>
          %dma_wait3A_36 = arith.constant 0 : i32
          %dma_wait3A_37 = tpu.memref_slice %arg7[%add3A_31, %dma_wait3A_36] : memref<20000x128xf32, #tpu.memory_space<hbm>> -> memref<40x128xf32, #tpu.memory_space<hbm>>
          tpu.wait_dma2 semaphore(%run_scoped3A : memref<!tpu.dma_semaphore, #tpu.memory_space<semaphore_mem>>) src(%arg14 : memref<40x128xf32, #tpu.memory_space<vmem>>) dst(%dma_wait3A_37 : memref<40x128xf32, #tpu.memory_space<hbm>>)
          tpu.yield
        }) : () -> ()
      } else {
      }
    }
    %scan3A_15 = arith.constant 16 : i32
    return
  }
}

#map = affine_map<(d0, d1) -> (0, 0)>
#map1 = affine_map<(d0, d1) -> (0, 0, 0, 0, 0)>
#map2 = affine_map<(d0, d1) -> (0)>
module attributes {stable_mosaic.version = 14 : i64} {
  func.func @_prop(%arg0: i32, %arg1: i32, %arg2: memref<10000x128xf32, #tpu.memory_space<hbm>>, %arg3: memref<2x16x5x50x40xi32, #tpu.memory_space<hbm>>, %arg4: memref<320000xi32, #tpu.memory_space<hbm>>, %arg5: memref<10000xi32, #tpu.memory_space<hbm>>, %arg6: memref<40x128xf32, #tpu.memory_space<hbm>>, %arg7: memref<20000x128xf32, #tpu.memory_space<hbm>>, %arg8: memref<50x40xi32, #tpu.memory_space<vmem>>, %arg9: memref<40xi32, #tpu.memory_space<vmem>>, %arg10: memref<40xi32, #tpu.memory_space<vmem>>, %arg11: memref<40xi32, #tpu.memory_space<vmem>>, %arg12: memref<40x128xf32, #tpu.memory_space<vmem>>, %arg13: memref<40x128xf32, #tpu.memory_space<vmem>>, %arg14: memref<40x128xf32, #tpu.memory_space<vmem>>, %arg15: memref<10000x128xf32, #tpu.memory_space<vmem_shared>>, %arg16: memref<!tpu.dma_semaphore, #tpu.memory_space<semaphore_mem>>, %arg17: memref<!tpu.dma_semaphore, #tpu.memory_space<semaphore_mem>>, %arg18: memref<!tpu.dma_semaphore, #tpu.memory_space<semaphore_mem>>, %arg19: memref<!tpu.dma_semaphore, #tpu.memory_space<semaphore_mem>>) attributes {dimension_semantics = [#tpu.dimension_semantics<core_parallel>, #tpu.dimension_semantics<subcore_parallel>], iteration_bounds = array<i64: 2, 16>, scalar_prefetch = 0 : i64, scratch_operands = 12 : i64, tpu.core_type = #tpu.core_type<sc_vector_subcore>, window_params = [{transform_indices = #map}, {transform_indices = #map1}, {transform_indices = #map2}, {transform_indices = #map2}, {transform_indices = #map}, {transform_indices = #map}]} {
    "tpu.region"() ({
      %run_scoped3A = tpu.sem_alloc : memref<!tpu.dma_semaphore, #tpu.memory_space<semaphore_mem>>
      tpu.enqueue_dma source(%arg6 : memref<40x128xf32, #tpu.memory_space<hbm>>) target(%arg14 : memref<40x128xf32, #tpu.memory_space<vmem>>) target_semaphore(%run_scoped3A : memref<!tpu.dma_semaphore, #tpu.memory_space<semaphore_mem>>)
      tpu.wait_dma2 semaphore(%run_scoped3A : memref<!tpu.dma_semaphore, #tpu.memory_space<semaphore_mem>>) src(%arg6 : memref<40x128xf32, #tpu.memory_space<hbm>>) dst(%arg14 : memref<40x128xf32, #tpu.memory_space<vmem>>)
      tpu.yield
    }) : () -> ()
    %scan3A = arith.constant 0 : i32
    %scan3A_0 = arith.constant 16 : i32
    %scan3A_1 = arith.addi %scan3A, %scan3A_0 : i32
    %scan3A_2 = arith.constant 1 : i32
    scf.for %scan3A_18 = %scan3A to %scan3A_1 step %scan3A_2  : i32 {
      %mul3A_19 = arith.constant 1 : i32
      %mul3A_20 = arith.muli %scan3A_18, %mul3A_19 : i32
      %add3A_21 = arith.constant 0 : i32
      %add3A_22 = arith.addi %add3A_21, %mul3A_20 : i32
      %mul3A_23 = arith.constant 16 : i32
      %mul3A_24 = arith.muli %arg1, %mul3A_23 : i32
      %add3A_25 = arith.addi %mul3A_24, %add3A_22 : i32
      %lt3A = arith.constant 250 : i32
      %lt3A_26 = arith.cmpi slt, %add3A_25, %lt3A : i32
      %convert_element_type3A = arith.extui %lt3A_26 : i1 to i32
      %cond3A = arith.constant 0 : i32
      %cond3A_27 = arith.cmpi ne, %convert_element_type3A, %cond3A : i32
      scf.if %cond3A_27 {
        %mul3A_28 = arith.constant 40 : i32
        %mul3A_29 = arith.muli %add3A_25, %mul3A_28 : i32
        "tpu.region"() ({
          %run_scoped3A = tpu.sem_alloc : memref<!tpu.dma_semaphore, #tpu.memory_space<semaphore_mem>>
          %dma_start3A = tpu.memref_slice %arg5[%mul3A_29] : memref<10000xi32, #tpu.memory_space<hbm>> -> memref<40xi32, #tpu.memory_space<hbm>>
          %dma_start3A_30 = tpu.memref_slice %arg5[%mul3A_29] : memref<10000xi32, #tpu.memory_space<hbm>> -> memref<40xi32, #tpu.memory_space<hbm>>
          tpu.enqueue_dma source(%dma_start3A_30 : memref<40xi32, #tpu.memory_space<hbm>>) target(%arg11 : memref<40xi32, #tpu.memory_space<vmem>>) target_semaphore(%run_scoped3A : memref<!tpu.dma_semaphore, #tpu.memory_space<semaphore_mem>>)
          %dma_wait3A = tpu.memref_slice %arg5[%mul3A_29] : memref<10000xi32, #tpu.memory_space<hbm>> -> memref<40xi32, #tpu.memory_space<hbm>>
          %dma_wait3A_31 = tpu.memref_slice %arg5[%mul3A_29] : memref<10000xi32, #tpu.memory_space<hbm>> -> memref<40xi32, #tpu.memory_space<hbm>>
          tpu.wait_dma2 semaphore(%run_scoped3A : memref<!tpu.dma_semaphore, #tpu.memory_space<semaphore_mem>>) src(%dma_wait3A_31 : memref<40xi32, #tpu.memory_space<hbm>>) dst(%arg11 : memref<40xi32, #tpu.memory_space<vmem>>)
          tpu.yield
        }) : () -> ()
        "tpu.region"() ({
          %run_scoped3A = tpu.sem_alloc : memref<!tpu.dma_semaphore, #tpu.memory_space<semaphore_mem>>
          %dma_start3A = arith.constant 0 : i32
          %dma_start3A_30 = arith.constant 0 : i32
          %dma_start3A_31 = tpu.memref_slice %arg15[%dma_start3A, %dma_start3A_30] : memref<10000x128xf32, #tpu.memory_space<vmem_shared>> -> memref<10000x128xf32, #tpu.memory_space<vmem_shared>>
          tpu.enqueue_indirect_dma source(%arg14 : memref<40x128xf32, #tpu.memory_space<vmem>>) target(%dma_start3A_31 : memref<10000x128xf32, #tpu.memory_space<vmem_shared>>) offsets(%arg11 : memref<40xi32, #tpu.memory_space<vmem>>) semaphore(%run_scoped3A : memref<!tpu.dma_semaphore, #tpu.memory_space<semaphore_mem>>)
          %dma_wait3A = arith.constant 0 : i32
          %dma_wait3A_32 = arith.constant 0 : i32
          %dma_wait3A_33 = tpu.memref_slice %arg15[%dma_wait3A, %dma_wait3A_32] : memref<10000x128xf32, #tpu.memory_space<vmem_shared>> -> memref<10000x128xf32, #tpu.memory_space<vmem_shared>>
          tpu.wait_indirect_dma semaphore(%run_scoped3A : memref<!tpu.dma_semaphore, #tpu.memory_space<semaphore_mem>>) src(%arg14 : memref<40x128xf32, #tpu.memory_space<vmem>>) dst(%dma_wait3A_33 : memref<10000x128xf32, #tpu.memory_space<vmem_shared>>)
          tpu.yield
        }) : () -> ()
      } else {
      }
    }
    %scan3A_3 = arith.constant 16 : i32
    %barrier3A = arith.constant 0 : index
    tpu.barrier barrier_id(%barrier3A)
    %mul3A = arith.constant 160000 : i32
    %mul3A_4 = arith.muli %arg0, %mul3A : i32
    %mul3A_5 = arith.constant 10000 : i32
    %mul3A_6 = arith.muli %arg1, %mul3A_5 : i32
    %add3A = arith.addi %mul3A_4, %mul3A_6 : i32
    %scan3A_7 = arith.constant 0 : i32
    %scan3A_8 = arith.constant 5 : i32
    %scan3A_9 = arith.addi %scan3A_7, %scan3A_8 : i32
    %scan3A_10 = arith.constant 1 : i32
    scf.for %scan3A_18 = %scan3A_7 to %scan3A_9 step %scan3A_10  : i32 {
      %mul3A_19 = arith.constant 1 : i32
      %mul3A_20 = arith.muli %scan3A_18, %mul3A_19 : i32
      %add3A_21 = arith.constant 0 : i32
      %add3A_22 = arith.addi %add3A_21, %mul3A_20 : i32
      "tpu.region"() ({
        %run_scoped3A = tpu.sem_alloc : memref<!tpu.dma_semaphore, #tpu.memory_space<semaphore_mem>>
        %dma_start3A_39 = arith.constant 0 : i32
        %dma_start3A_40 = arith.constant 0 : i32
        %dma_start3A_41 = tpu.memref_slice %arg3[%arg0, %arg1, %add3A_22, %dma_start3A_39, %dma_start3A_40] : memref<2x16x5x50x40xi32, #tpu.memory_space<hbm>> -> memref<1x1x1x50x40xi32, #tpu.memory_space<hbm>>
        %dma_start3A_42 = tpu.memref_squeeze %dma_start3A_41 : memref<1x1x1x50x40xi32, #tpu.memory_space<hbm>> -> memref<50x40xi32, #tpu.memory_space<hbm>>
        %dma_start3A_43 = arith.constant 0 : i32
        %dma_start3A_44 = arith.constant 0 : i32
        %dma_start3A_45 = tpu.memref_slice %arg3[%arg0, %arg1, %add3A_22, %dma_start3A_43, %dma_start3A_44] : memref<2x16x5x50x40xi32, #tpu.memory_space<hbm>> -> memref<1x1x1x50x40xi32, #tpu.memory_space<hbm>>
        %dma_start3A_46 = tpu.memref_squeeze %dma_start3A_45 : memref<1x1x1x50x40xi32, #tpu.memory_space<hbm>> -> memref<50x40xi32, #tpu.memory_space<hbm>>
        tpu.enqueue_dma source(%dma_start3A_46 : memref<50x40xi32, #tpu.memory_space<hbm>>) target(%arg8 : memref<50x40xi32, #tpu.memory_space<vmem>>) target_semaphore(%run_scoped3A : memref<!tpu.dma_semaphore, #tpu.memory_space<semaphore_mem>>)
        %dma_wait3A = arith.constant 0 : i32
        %dma_wait3A_47 = arith.constant 0 : i32
        %dma_wait3A_48 = tpu.memref_slice %arg3[%arg0, %arg1, %add3A_22, %dma_wait3A, %dma_wait3A_47] : memref<2x16x5x50x40xi32, #tpu.memory_space<hbm>> -> memref<1x1x1x50x40xi32, #tpu.memory_space<hbm>>
        %dma_wait3A_49 = tpu.memref_squeeze %dma_wait3A_48 : memref<1x1x1x50x40xi32, #tpu.memory_space<hbm>> -> memref<50x40xi32, #tpu.memory_space<hbm>>
        %dma_wait3A_50 = arith.constant 0 : i32
        %dma_wait3A_51 = arith.constant 0 : i32
        %dma_wait3A_52 = tpu.memref_slice %arg3[%arg0, %arg1, %add3A_22, %dma_wait3A_50, %dma_wait3A_51] : memref<2x16x5x50x40xi32, #tpu.memory_space<hbm>> -> memref<1x1x1x50x40xi32, #tpu.memory_space<hbm>>
        %dma_wait3A_53 = tpu.memref_squeeze %dma_wait3A_52 : memref<1x1x1x50x40xi32, #tpu.memory_space<hbm>> -> memref<50x40xi32, #tpu.memory_space<hbm>>
        tpu.wait_dma2 semaphore(%run_scoped3A : memref<!tpu.dma_semaphore, #tpu.memory_space<semaphore_mem>>) src(%dma_wait3A_53 : memref<50x40xi32, #tpu.memory_space<hbm>>) dst(%arg8 : memref<50x40xi32, #tpu.memory_space<vmem>>)
        tpu.yield
      }) : () -> ()
      %mul3A_23 = arith.constant 50 : i32
      %mul3A_24 = arith.muli %add3A_22, %mul3A_23 : i32
      %mul3A_25 = arith.constant 40 : i32
      %mul3A_26 = arith.muli %mul3A_24, %mul3A_25 : i32
      %add3A_27 = arith.addi %add3A, %mul3A_26 : i32
      "tpu.region"() ({
        %run_scoped3A = tpu.sem_alloc : memref<!tpu.dma_semaphore, #tpu.memory_space<semaphore_mem>>
        %dma_start3A_39 = tpu.memref_slice %arg4[%add3A_27] : memref<320000xi32, #tpu.memory_space<hbm>> -> memref<40xi32, #tpu.memory_space<hbm>>
        %dma_start3A_40 = tpu.memref_slice %arg4[%add3A_27] : memref<320000xi32, #tpu.memory_space<hbm>> -> memref<40xi32, #tpu.memory_space<hbm>>
        tpu.enqueue_dma source(%dma_start3A_40 : memref<40xi32, #tpu.memory_space<hbm>>) target(%arg9 : memref<40xi32, #tpu.memory_space<vmem>>) target_semaphore(%run_scoped3A : memref<!tpu.dma_semaphore, #tpu.memory_space<semaphore_mem>>)
        %dma_wait3A = tpu.memref_slice %arg4[%add3A_27] : memref<320000xi32, #tpu.memory_space<hbm>> -> memref<40xi32, #tpu.memory_space<hbm>>
        %dma_wait3A_41 = tpu.memref_slice %arg4[%add3A_27] : memref<320000xi32, #tpu.memory_space<hbm>> -> memref<40xi32, #tpu.memory_space<hbm>>
        tpu.wait_dma2 semaphore(%run_scoped3A : memref<!tpu.dma_semaphore, #tpu.memory_space<semaphore_mem>>) src(%dma_wait3A_41 : memref<40xi32, #tpu.memory_space<hbm>>) dst(%arg9 : memref<40xi32, #tpu.memory_space<vmem>>)
        tpu.yield
      }) : () -> ()
      %dma_start3A = arith.constant 0 : i32
      %dma_start3A_28 = arith.constant 0 : i32
      %dma_start3A_29 = tpu.memref_slice %arg8[%dma_start3A, %dma_start3A_28] : memref<50x40xi32, #tpu.memory_space<vmem>> -> memref<1x40xi32, #tpu.memory_space<vmem>>
      %dma_start3A_30 = tpu.memref_squeeze %dma_start3A_29 : memref<1x40xi32, #tpu.memory_space<vmem>> -> memref<40xi32, #tpu.memory_space<vmem>>
      %dma_start3A_31 = arith.constant 0 : i32
      %dma_start3A_32 = arith.constant 0 : i32
      %dma_start3A_33 = tpu.memref_slice %arg2[%dma_start3A_31, %dma_start3A_32] : memref<10000x128xf32, #tpu.memory_space<hbm>> -> memref<10000x128xf32, #tpu.memory_space<hbm>>
      tpu.enqueue_indirect_dma source(%dma_start3A_33 : memref<10000x128xf32, #tpu.memory_space<hbm>>) target(%arg12 : memref<40x128xf32, #tpu.memory_space<vmem>>) offsets(%dma_start3A_30 : memref<40xi32, #tpu.memory_space<vmem>>) semaphore(%arg16 : memref<!tpu.dma_semaphore, #tpu.memory_space<semaphore_mem>>)
      %scan3A_34 = arith.constant 0 : i32
      %scan3A_35 = arith.constant 25 : i32
      %scan3A_36 = arith.addi %scan3A_34, %scan3A_35 : i32
      %scan3A_37 = arith.constant 1 : i32
      scf.for %scan3A_39 = %scan3A_34 to %scan3A_36 step %scan3A_37  : i32 {
        %mul3A_40 = arith.constant 1 : i32
        %mul3A_41 = arith.muli %scan3A_39, %mul3A_40 : i32
        %add3A_42 = arith.constant 0 : i32
        %add3A_43 = arith.addi %add3A_42, %mul3A_41 : i32
        %mul3A_44 = arith.constant 2 : i32
        %mul3A_45 = arith.muli %add3A_43, %mul3A_44 : i32
        %add3A_46 = arith.constant 1 : i32
        %add3A_47 = arith.addi %mul3A_45, %add3A_46 : i32
        %dma_start3A_48 = arith.constant 0 : i32
        %dma_start3A_49 = tpu.memref_slice %arg8[%add3A_47, %dma_start3A_48] : memref<50x40xi32, #tpu.memory_space<vmem>> -> memref<1x40xi32, #tpu.memory_space<vmem>>
        %dma_start3A_50 = tpu.memref_squeeze %dma_start3A_49 : memref<1x40xi32, #tpu.memory_space<vmem>> -> memref<40xi32, #tpu.memory_space<vmem>>
        %dma_start3A_51 = arith.constant 0 : i32
        %dma_start3A_52 = arith.constant 0 : i32
        %dma_start3A_53 = tpu.memref_slice %arg2[%dma_start3A_51, %dma_start3A_52] : memref<10000x128xf32, #tpu.memory_space<hbm>> -> memref<10000x128xf32, #tpu.memory_space<hbm>>
        tpu.enqueue_indirect_dma source(%dma_start3A_53 : memref<10000x128xf32, #tpu.memory_space<hbm>>) target(%arg13 : memref<40x128xf32, #tpu.memory_space<vmem>>) offsets(%dma_start3A_50 : memref<40xi32, #tpu.memory_space<vmem>>) semaphore(%arg17 : memref<!tpu.dma_semaphore, #tpu.memory_space<semaphore_mem>>)
        %add3A_54 = arith.constant 1 : i32
        %add3A_55 = arith.addi %mul3A_45, %add3A_54 : i32
        %mul3A_56 = arith.constant 40 : i32
        %mul3A_57 = arith.muli %add3A_55, %mul3A_56 : i32
        %add3A_58 = arith.addi %add3A_27, %mul3A_57 : i32
        %dma_start3A_59 = tpu.memref_slice %arg4[%add3A_58] : memref<320000xi32, #tpu.memory_space<hbm>> -> memref<40xi32, #tpu.memory_space<hbm>>
        %dma_start3A_60 = tpu.memref_slice %arg4[%add3A_58] : memref<320000xi32, #tpu.memory_space<hbm>> -> memref<40xi32, #tpu.memory_space<hbm>>
        tpu.enqueue_dma source(%dma_start3A_60 : memref<40xi32, #tpu.memory_space<hbm>>) target(%arg10 : memref<40xi32, #tpu.memory_space<vmem>>) target_semaphore(%arg19 : memref<!tpu.dma_semaphore, #tpu.memory_space<semaphore_mem>>)
        %dma_wait3A = arith.constant 0 : i32
        %dma_wait3A_61 = tpu.memref_slice %arg8[%mul3A_45, %dma_wait3A] : memref<50x40xi32, #tpu.memory_space<vmem>> -> memref<1x40xi32, #tpu.memory_space<vmem>>
        %dma_wait3A_62 = tpu.memref_squeeze %dma_wait3A_61 : memref<1x40xi32, #tpu.memory_space<vmem>> -> memref<40xi32, #tpu.memory_space<vmem>>
        %dma_wait3A_63 = arith.constant 0 : i32
        %dma_wait3A_64 = arith.constant 0 : i32
        %dma_wait3A_65 = tpu.memref_slice %arg2[%dma_wait3A_63, %dma_wait3A_64] : memref<10000x128xf32, #tpu.memory_space<hbm>> -> memref<10000x128xf32, #tpu.memory_space<hbm>>
        tpu.wait_indirect_dma semaphore(%arg16 : memref<!tpu.dma_semaphore, #tpu.memory_space<semaphore_mem>>) src(%dma_wait3A_65 : memref<10000x128xf32, #tpu.memory_space<hbm>>) dst(%arg12 : memref<40x128xf32, #tpu.memory_space<vmem>>)
        "tpu.region"() ({
          %run_scoped3A = tpu.sem_alloc : memref<!tpu.dma_semaphore, #tpu.memory_space<semaphore_mem>>
          %dma_start3A_88 = arith.constant 0 : i32
          %dma_start3A_89 = arith.constant 0 : i32
          %dma_start3A_90 = tpu.memref_slice %arg15[%dma_start3A_88, %dma_start3A_89] : memref<10000x128xf32, #tpu.memory_space<vmem_shared>> -> memref<10000x128xf32, #tpu.memory_space<vmem_shared>>
          tpu.enqueue_indirect_dma source(%arg12 : memref<40x128xf32, #tpu.memory_space<vmem>>) target(%dma_start3A_90 : memref<10000x128xf32, #tpu.memory_space<vmem_shared>>) offsets(%arg9 : memref<40xi32, #tpu.memory_space<vmem>>) semaphore(%run_scoped3A : memref<!tpu.dma_semaphore, #tpu.memory_space<semaphore_mem>>) {add = true}
          %dma_wait3A_91 = arith.constant 0 : i32
          %dma_wait3A_92 = arith.constant 0 : i32
          %dma_wait3A_93 = tpu.memref_slice %arg15[%dma_wait3A_91, %dma_wait3A_92] : memref<10000x128xf32, #tpu.memory_space<vmem_shared>> -> memref<10000x128xf32, #tpu.memory_space<vmem_shared>>
          tpu.wait_indirect_dma semaphore(%run_scoped3A : memref<!tpu.dma_semaphore, #tpu.memory_space<semaphore_mem>>) src(%arg12 : memref<40x128xf32, #tpu.memory_space<vmem>>) dst(%dma_wait3A_93 : memref<10000x128xf32, #tpu.memory_space<vmem_shared>>)
          tpu.yield
        }) : () -> ()
        %lt3A = arith.constant 24 : i32
        %lt3A_66 = arith.cmpi slt, %add3A_43, %lt3A : i32
        %convert_element_type3A = arith.extui %lt3A_66 : i1 to i32
        %cond3A = arith.constant 0 : i32
        %cond3A_67 = arith.cmpi ne, %convert_element_type3A, %cond3A : i32
        scf.if %cond3A_67 {
          %add3A_88 = arith.constant 2 : i32
          %add3A_89 = arith.addi %mul3A_45, %add3A_88 : i32
          %dma_start3A_90 = arith.constant 0 : i32
          %dma_start3A_91 = tpu.memref_slice %arg8[%add3A_89, %dma_start3A_90] : memref<50x40xi32, #tpu.memory_space<vmem>> -> memref<1x40xi32, #tpu.memory_space<vmem>>
          %dma_start3A_92 = tpu.memref_squeeze %dma_start3A_91 : memref<1x40xi32, #tpu.memory_space<vmem>> -> memref<40xi32, #tpu.memory_space<vmem>>
          %dma_start3A_93 = arith.constant 0 : i32
          %dma_start3A_94 = arith.constant 0 : i32
          %dma_start3A_95 = tpu.memref_slice %arg2[%dma_start3A_93, %dma_start3A_94] : memref<10000x128xf32, #tpu.memory_space<hbm>> -> memref<10000x128xf32, #tpu.memory_space<hbm>>
          tpu.enqueue_indirect_dma source(%dma_start3A_95 : memref<10000x128xf32, #tpu.memory_space<hbm>>) target(%arg12 : memref<40x128xf32, #tpu.memory_space<vmem>>) offsets(%dma_start3A_92 : memref<40xi32, #tpu.memory_space<vmem>>) semaphore(%arg16 : memref<!tpu.dma_semaphore, #tpu.memory_space<semaphore_mem>>)
          %add3A_96 = arith.constant 2 : i32
          %add3A_97 = arith.addi %mul3A_45, %add3A_96 : i32
          %mul3A_98 = arith.constant 40 : i32
          %mul3A_99 = arith.muli %add3A_97, %mul3A_98 : i32
          %add3A_100 = arith.addi %add3A_27, %mul3A_99 : i32
          %dma_start3A_101 = tpu.memref_slice %arg4[%add3A_100] : memref<320000xi32, #tpu.memory_space<hbm>> -> memref<40xi32, #tpu.memory_space<hbm>>
          %dma_start3A_102 = tpu.memref_slice %arg4[%add3A_100] : memref<320000xi32, #tpu.memory_space<hbm>> -> memref<40xi32, #tpu.memory_space<hbm>>
          tpu.enqueue_dma source(%dma_start3A_102 : memref<40xi32, #tpu.memory_space<hbm>>) target(%arg9 : memref<40xi32, #tpu.memory_space<vmem>>) target_semaphore(%arg18 : memref<!tpu.dma_semaphore, #tpu.memory_space<semaphore_mem>>)
        } else {
        }
        %add3A_68 = arith.constant 1 : i32
        %add3A_69 = arith.addi %mul3A_45, %add3A_68 : i32
        %dma_wait3A_70 = arith.constant 0 : i32
        %dma_wait3A_71 = tpu.memref_slice %arg8[%add3A_69, %dma_wait3A_70] : memref<50x40xi32, #tpu.memory_space<vmem>> -> memref<1x40xi32, #tpu.memory_space<vmem>>
        %dma_wait3A_72 = tpu.memref_squeeze %dma_wait3A_71 : memref<1x40xi32, #tpu.memory_space<vmem>> -> memref<40xi32, #tpu.memory_space<vmem>>
        %dma_wait3A_73 = arith.constant 0 : i32
        %dma_wait3A_74 = arith.constant 0 : i32
        %dma_wait3A_75 = tpu.memref_slice %arg2[%dma_wait3A_73, %dma_wait3A_74] : memref<10000x128xf32, #tpu.memory_space<hbm>> -> memref<10000x128xf32, #tpu.memory_space<hbm>>
        tpu.wait_indirect_dma semaphore(%arg17 : memref<!tpu.dma_semaphore, #tpu.memory_space<semaphore_mem>>) src(%dma_wait3A_75 : memref<10000x128xf32, #tpu.memory_space<hbm>>) dst(%arg13 : memref<40x128xf32, #tpu.memory_space<vmem>>)
        %add3A_76 = arith.constant 1 : i32
        %add3A_77 = arith.addi %mul3A_45, %add3A_76 : i32
        %mul3A_78 = arith.constant 40 : i32
        %mul3A_79 = arith.muli %add3A_77, %mul3A_78 : i32
        %add3A_80 = arith.addi %add3A_27, %mul3A_79 : i32
        %dma_wait3A_81 = tpu.memref_slice %arg4[%add3A_80] : memref<320000xi32, #tpu.memory_space<hbm>> -> memref<40xi32, #tpu.memory_space<hbm>>
        %dma_wait3A_82 = tpu.memref_slice %arg4[%add3A_80] : memref<320000xi32, #tpu.memory_space<hbm>> -> memref<40xi32, #tpu.memory_space<hbm>>
        tpu.wait_dma2 semaphore(%arg19 : memref<!tpu.dma_semaphore, #tpu.memory_space<semaphore_mem>>) src(%dma_wait3A_82 : memref<40xi32, #tpu.memory_space<hbm>>) dst(%arg10 : memref<40xi32, #tpu.memory_space<vmem>>)
        "tpu.region"() ({
          %run_scoped3A = tpu.sem_alloc : memref<!tpu.dma_semaphore, #tpu.memory_space<semaphore_mem>>
          %dma_start3A_88 = arith.constant 0 : i32
          %dma_start3A_89 = arith.constant 0 : i32
          %dma_start3A_90 = tpu.memref_slice %arg15[%dma_start3A_88, %dma_start3A_89] : memref<10000x128xf32, #tpu.memory_space<vmem_shared>> -> memref<10000x128xf32, #tpu.memory_space<vmem_shared>>
          tpu.enqueue_indirect_dma source(%arg13 : memref<40x128xf32, #tpu.memory_space<vmem>>) target(%dma_start3A_90 : memref<10000x128xf32, #tpu.memory_space<vmem_shared>>) offsets(%arg10 : memref<40xi32, #tpu.memory_space<vmem>>) semaphore(%run_scoped3A : memref<!tpu.dma_semaphore, #tpu.memory_space<semaphore_mem>>) {add = true}
          %dma_wait3A_91 = arith.constant 0 : i32
          %dma_wait3A_92 = arith.constant 0 : i32
          %dma_wait3A_93 = tpu.memref_slice %arg15[%dma_wait3A_91, %dma_wait3A_92] : memref<10000x128xf32, #tpu.memory_space<vmem_shared>> -> memref<10000x128xf32, #tpu.memory_space<vmem_shared>>
          tpu.wait_indirect_dma semaphore(%run_scoped3A : memref<!tpu.dma_semaphore, #tpu.memory_space<semaphore_mem>>) src(%arg13 : memref<40x128xf32, #tpu.memory_space<vmem>>) dst(%dma_wait3A_93 : memref<10000x128xf32, #tpu.memory_space<vmem_shared>>)
          tpu.yield
        }) : () -> ()
        %lt3A_83 = arith.constant 24 : i32
        %lt3A_84 = arith.cmpi slt, %add3A_43, %lt3A_83 : i32
        %convert_element_type3A_85 = arith.extui %lt3A_84 : i1 to i32
        %cond3A_86 = arith.constant 0 : i32
        %cond3A_87 = arith.cmpi ne, %convert_element_type3A_85, %cond3A_86 : i32
        scf.if %cond3A_87 {
          %add3A_88 = arith.constant 2 : i32
          %add3A_89 = arith.addi %mul3A_45, %add3A_88 : i32
          %mul3A_90 = arith.constant 40 : i32
          %mul3A_91 = arith.muli %add3A_89, %mul3A_90 : i32
          %add3A_92 = arith.addi %add3A_27, %mul3A_91 : i32
          %dma_wait3A_93 = tpu.memref_slice %arg4[%add3A_92] : memref<320000xi32, #tpu.memory_space<hbm>> -> memref<40xi32, #tpu.memory_space<hbm>>
          %dma_wait3A_94 = tpu.memref_slice %arg4[%add3A_92] : memref<320000xi32, #tpu.memory_space<hbm>> -> memref<40xi32, #tpu.memory_space<hbm>>
          tpu.wait_dma2 semaphore(%arg18 : memref<!tpu.dma_semaphore, #tpu.memory_space<semaphore_mem>>) src(%dma_wait3A_94 : memref<40xi32, #tpu.memory_space<hbm>>) dst(%arg9 : memref<40xi32, #tpu.memory_space<vmem>>)
        } else {
        }
      }
      %scan3A_38 = arith.constant 25 : i32
    }
    %scan3A_11 = arith.constant 5 : i32
    %barrier3A_12 = arith.constant 0 : index
    tpu.barrier barrier_id(%barrier3A_12)
    %scan3A_13 = arith.constant 0 : i32
    %scan3A_14 = arith.constant 16 : i32
    %scan3A_15 = arith.addi %scan3A_13, %scan3A_14 : i32
    %scan3A_16 = arith.constant 1 : i32
    scf.for %scan3A_18 = %scan3A_13 to %scan3A_15 step %scan3A_16  : i32 {
      %mul3A_19 = arith.constant 1 : i32
      %mul3A_20 = arith.muli %scan3A_18, %mul3A_19 : i32
      %add3A_21 = arith.constant 0 : i32
      %add3A_22 = arith.addi %add3A_21, %mul3A_20 : i32
      %mul3A_23 = arith.constant 16 : i32
      %mul3A_24 = arith.muli %arg1, %mul3A_23 : i32
      %add3A_25 = arith.addi %mul3A_24, %add3A_22 : i32
      %lt3A = arith.constant 250 : i32
      %lt3A_26 = arith.cmpi slt, %add3A_25, %lt3A : i32
      %convert_element_type3A = arith.extui %lt3A_26 : i1 to i32
      %cond3A = arith.constant 0 : i32
      %cond3A_27 = arith.cmpi ne, %convert_element_type3A, %cond3A : i32
      scf.if %cond3A_27 {
        %mul3A_28 = arith.constant 40 : i32
        %mul3A_29 = arith.muli %add3A_25, %mul3A_28 : i32
        "tpu.region"() ({
          %run_scoped3A = tpu.sem_alloc : memref<!tpu.dma_semaphore, #tpu.memory_space<semaphore_mem>>
          %dma_start3A = tpu.memref_slice %arg5[%mul3A_29] : memref<10000xi32, #tpu.memory_space<hbm>> -> memref<40xi32, #tpu.memory_space<hbm>>
          %dma_start3A_35 = tpu.memref_slice %arg5[%mul3A_29] : memref<10000xi32, #tpu.memory_space<hbm>> -> memref<40xi32, #tpu.memory_space<hbm>>
          tpu.enqueue_dma source(%dma_start3A_35 : memref<40xi32, #tpu.memory_space<hbm>>) target(%arg11 : memref<40xi32, #tpu.memory_space<vmem>>) target_semaphore(%run_scoped3A : memref<!tpu.dma_semaphore, #tpu.memory_space<semaphore_mem>>)
          %dma_wait3A = tpu.memref_slice %arg5[%mul3A_29] : memref<10000xi32, #tpu.memory_space<hbm>> -> memref<40xi32, #tpu.memory_space<hbm>>
          %dma_wait3A_36 = tpu.memref_slice %arg5[%mul3A_29] : memref<10000xi32, #tpu.memory_space<hbm>> -> memref<40xi32, #tpu.memory_space<hbm>>
          tpu.wait_dma2 semaphore(%run_scoped3A : memref<!tpu.dma_semaphore, #tpu.memory_space<semaphore_mem>>) src(%dma_wait3A_36 : memref<40xi32, #tpu.memory_space<hbm>>) dst(%arg11 : memref<40xi32, #tpu.memory_space<vmem>>)
          tpu.yield
        }) : () -> ()
        "tpu.region"() ({
          %run_scoped3A = tpu.sem_alloc : memref<!tpu.dma_semaphore, #tpu.memory_space<semaphore_mem>>
          %dma_start3A = arith.constant 0 : i32
          %dma_start3A_35 = arith.constant 0 : i32
          %dma_start3A_36 = tpu.memref_slice %arg15[%dma_start3A, %dma_start3A_35] : memref<10000x128xf32, #tpu.memory_space<vmem_shared>> -> memref<10000x128xf32, #tpu.memory_space<vmem_shared>>
          tpu.enqueue_indirect_dma source(%dma_start3A_36 : memref<10000x128xf32, #tpu.memory_space<vmem_shared>>) target(%arg14 : memref<40x128xf32, #tpu.memory_space<vmem>>) offsets(%arg11 : memref<40xi32, #tpu.memory_space<vmem>>) semaphore(%run_scoped3A : memref<!tpu.dma_semaphore, #tpu.memory_space<semaphore_mem>>)
          %dma_wait3A = arith.constant 0 : i32
          %dma_wait3A_37 = arith.constant 0 : i32
          %dma_wait3A_38 = tpu.memref_slice %arg15[%dma_wait3A, %dma_wait3A_37] : memref<10000x128xf32, #tpu.memory_space<vmem_shared>> -> memref<10000x128xf32, #tpu.memory_space<vmem_shared>>
          tpu.wait_indirect_dma semaphore(%run_scoped3A : memref<!tpu.dma_semaphore, #tpu.memory_space<semaphore_mem>>) src(%dma_wait3A_38 : memref<10000x128xf32, #tpu.memory_space<vmem_shared>>) dst(%arg14 : memref<40x128xf32, #tpu.memory_space<vmem>>)
          tpu.yield
        }) : () -> ()
        %mul3A_30 = arith.constant 10000 : i32
        %mul3A_31 = arith.muli %arg0, %mul3A_30 : i32
        %mul3A_32 = arith.constant 40 : i32
        %mul3A_33 = arith.muli %add3A_25, %mul3A_32 : i32
        %add3A_34 = arith.addi %mul3A_31, %mul3A_33 : i32
        "tpu.region"() ({
          %run_scoped3A = tpu.sem_alloc : memref<!tpu.dma_semaphore, #tpu.memory_space<semaphore_mem>>
          %dma_start3A = arith.constant 0 : i32
          %dma_start3A_35 = tpu.memref_slice %arg7[%add3A_34, %dma_start3A] : memref<20000x128xf32, #tpu.memory_space<hbm>> -> memref<40x128xf32, #tpu.memory_space<hbm>>
          %dma_start3A_36 = arith.constant 0 : i32
          %dma_start3A_37 = tpu.memref_slice %arg7[%add3A_34, %dma_start3A_36] : memref<20000x128xf32, #tpu.memory_space<hbm>> -> memref<40x128xf32, #tpu.memory_space<hbm>>
          tpu.enqueue_dma source(%arg14 : memref<40x128xf32, #tpu.memory_space<vmem>>) target(%dma_start3A_37 : memref<40x128xf32, #tpu.memory_space<hbm>>) target_semaphore(%run_scoped3A : memref<!tpu.dma_semaphore, #tpu.memory_space<semaphore_mem>>)
          %dma_wait3A = arith.constant 0 : i32
          %dma_wait3A_38 = tpu.memref_slice %arg7[%add3A_34, %dma_wait3A] : memref<20000x128xf32, #tpu.memory_space<hbm>> -> memref<40x128xf32, #tpu.memory_space<hbm>>
          %dma_wait3A_39 = arith.constant 0 : i32
          %dma_wait3A_40 = tpu.memref_slice %arg7[%add3A_34, %dma_wait3A_39] : memref<20000x128xf32, #tpu.memory_space<hbm>> -> memref<40x128xf32, #tpu.memory_space<hbm>>
          tpu.wait_dma2 semaphore(%run_scoped3A : memref<!tpu.dma_semaphore, #tpu.memory_space<semaphore_mem>>) src(%arg14 : memref<40x128xf32, #tpu.memory_space<vmem>>) dst(%dma_wait3A_40 : memref<40x128xf32, #tpu.memory_space<hbm>>)
          tpu.yield
        }) : () -> ()
      } else {
      }
    }
    %scan3A_17 = arith.constant 16 : i32
    return
  }
}

#map = affine_map<(d0, d1) -> (0, 0)>
#map1 = affine_map<(d0, d1) -> (0, 0, 0, 0, 0)>
#map2 = affine_map<(d0, d1) -> (0)>
module attributes {stable_mosaic.version = 14 : i64} {
  func.func @_prop(%arg0: i32, %arg1: i32, %arg2: memref<20000x128xf32, #tpu.memory_space<hbm>>, %arg3: memref<2x16x10x50x40xi32, #tpu.memory_space<hbm>>, %arg4: memref<320000xi32, #tpu.memory_space<hbm>>, %arg5: memref<10000xi32, #tpu.memory_space<hbm>>, %arg6: memref<40x128xf32, #tpu.memory_space<hbm>>, %arg7: memref<20000x128xf32, #tpu.memory_space<hbm>>, %arg8: memref<50x40xi32, #tpu.memory_space<vmem>>, %arg9: memref<40xi32, #tpu.memory_space<vmem>>, %arg10: memref<40xi32, #tpu.memory_space<vmem>>, %arg11: memref<40xi32, #tpu.memory_space<vmem>>, %arg12: memref<40x128xf32, #tpu.memory_space<vmem>>, %arg13: memref<40x128xf32, #tpu.memory_space<vmem>>, %arg14: memref<40x128xf32, #tpu.memory_space<vmem>>, %arg15: memref<10000x128xf32, #tpu.memory_space<vmem_shared>>, %arg16: memref<!tpu.dma_semaphore, #tpu.memory_space<semaphore_mem>>, %arg17: memref<!tpu.dma_semaphore, #tpu.memory_space<semaphore_mem>>, %arg18: memref<!tpu.dma_semaphore, #tpu.memory_space<semaphore_mem>>, %arg19: memref<!tpu.dma_semaphore, #tpu.memory_space<semaphore_mem>>) attributes {dimension_semantics = [#tpu.dimension_semantics<core_parallel>, #tpu.dimension_semantics<subcore_parallel>], iteration_bounds = array<i64: 2, 16>, scalar_prefetch = 0 : i64, scratch_operands = 12 : i64, tpu.core_type = #tpu.core_type<sc_vector_subcore>, window_params = [{transform_indices = #map}, {transform_indices = #map1}, {transform_indices = #map2}, {transform_indices = #map2}, {transform_indices = #map}, {transform_indices = #map}]} {
    "tpu.region"() ({
      %run_scoped3A = tpu.sem_alloc : memref<!tpu.dma_semaphore, #tpu.memory_space<semaphore_mem>>
      tpu.enqueue_dma source(%arg6 : memref<40x128xf32, #tpu.memory_space<hbm>>) target(%arg14 : memref<40x128xf32, #tpu.memory_space<vmem>>) target_semaphore(%run_scoped3A : memref<!tpu.dma_semaphore, #tpu.memory_space<semaphore_mem>>)
      tpu.wait_dma2 semaphore(%run_scoped3A : memref<!tpu.dma_semaphore, #tpu.memory_space<semaphore_mem>>) src(%arg6 : memref<40x128xf32, #tpu.memory_space<hbm>>) dst(%arg14 : memref<40x128xf32, #tpu.memory_space<vmem>>)
      tpu.yield
    }) : () -> ()
    %scan3A = arith.constant 0 : i32
    %scan3A_0 = arith.constant 16 : i32
    %scan3A_1 = arith.addi %scan3A, %scan3A_0 : i32
    %scan3A_2 = arith.constant 1 : i32
    scf.for %scan3A_16 = %scan3A to %scan3A_1 step %scan3A_2  : i32 {
      %mul3A_17 = arith.constant 1 : i32
      %mul3A_18 = arith.muli %scan3A_16, %mul3A_17 : i32
      %add3A = arith.constant 0 : i32
      %add3A_19 = arith.addi %add3A, %mul3A_18 : i32
      %mul3A_20 = arith.constant 16 : i32
      %mul3A_21 = arith.muli %arg1, %mul3A_20 : i32
      %add3A_22 = arith.addi %mul3A_21, %add3A_19 : i32
      %lt3A = arith.constant 250 : i32
      %lt3A_23 = arith.cmpi slt, %add3A_22, %lt3A : i32
      %convert_element_type3A = arith.extui %lt3A_23 : i1 to i32
      %cond3A = arith.constant 0 : i32
      %cond3A_24 = arith.cmpi ne, %convert_element_type3A, %cond3A : i32
      scf.if %cond3A_24 {
        %mul3A_25 = arith.constant 40 : i32
        %mul3A_26 = arith.muli %add3A_22, %mul3A_25 : i32
        "tpu.region"() ({
          %run_scoped3A = tpu.sem_alloc : memref<!tpu.dma_semaphore, #tpu.memory_space<semaphore_mem>>
          %dma_start3A = tpu.memref_slice %arg5[%mul3A_26] : memref<10000xi32, #tpu.memory_space<hbm>> -> memref<40xi32, #tpu.memory_space<hbm>>
          %dma_start3A_27 = tpu.memref_slice %arg5[%mul3A_26] : memref<10000xi32, #tpu.memory_space<hbm>> -> memref<40xi32, #tpu.memory_space<hbm>>
          tpu.enqueue_dma source(%dma_start3A_27 : memref<40xi32, #tpu.memory_space<hbm>>) target(%arg11 : memref<40xi32, #tpu.memory_space<vmem>>) target_semaphore(%run_scoped3A : memref<!tpu.dma_semaphore, #tpu.memory_space<semaphore_mem>>)
          %dma_wait3A = tpu.memref_slice %arg5[%mul3A_26] : memref<10000xi32, #tpu.memory_space<hbm>> -> memref<40xi32, #tpu.memory_space<hbm>>
          %dma_wait3A_28 = tpu.memref_slice %arg5[%mul3A_26] : memref<10000xi32, #tpu.memory_space<hbm>> -> memref<40xi32, #tpu.memory_space<hbm>>
          tpu.wait_dma2 semaphore(%run_scoped3A : memref<!tpu.dma_semaphore, #tpu.memory_space<semaphore_mem>>) src(%dma_wait3A_28 : memref<40xi32, #tpu.memory_space<hbm>>) dst(%arg11 : memref<40xi32, #tpu.memory_space<vmem>>)
          tpu.yield
        }) : () -> ()
        "tpu.region"() ({
          %run_scoped3A = tpu.sem_alloc : memref<!tpu.dma_semaphore, #tpu.memory_space<semaphore_mem>>
          %dma_start3A = arith.constant 0 : i32
          %dma_start3A_27 = arith.constant 0 : i32
          %dma_start3A_28 = tpu.memref_slice %arg15[%dma_start3A, %dma_start3A_27] : memref<10000x128xf32, #tpu.memory_space<vmem_shared>> -> memref<10000x128xf32, #tpu.memory_space<vmem_shared>>
          tpu.enqueue_indirect_dma source(%arg14 : memref<40x128xf32, #tpu.memory_space<vmem>>) target(%dma_start3A_28 : memref<10000x128xf32, #tpu.memory_space<vmem_shared>>) offsets(%arg11 : memref<40xi32, #tpu.memory_space<vmem>>) semaphore(%run_scoped3A : memref<!tpu.dma_semaphore, #tpu.memory_space<semaphore_mem>>)
          %dma_wait3A = arith.constant 0 : i32
          %dma_wait3A_29 = arith.constant 0 : i32
          %dma_wait3A_30 = tpu.memref_slice %arg15[%dma_wait3A, %dma_wait3A_29] : memref<10000x128xf32, #tpu.memory_space<vmem_shared>> -> memref<10000x128xf32, #tpu.memory_space<vmem_shared>>
          tpu.wait_indirect_dma semaphore(%run_scoped3A : memref<!tpu.dma_semaphore, #tpu.memory_space<semaphore_mem>>) src(%arg14 : memref<40x128xf32, #tpu.memory_space<vmem>>) dst(%dma_wait3A_30 : memref<10000x128xf32, #tpu.memory_space<vmem_shared>>)
          tpu.yield
        }) : () -> ()
      } else {
      }
    }
    %scan3A_3 = arith.constant 16 : i32
    %barrier3A = arith.constant 0 : index
    tpu.barrier barrier_id(%barrier3A)
    %mul3A = arith.constant 20000 : i32
    %mul3A_4 = arith.muli %arg1, %mul3A : i32
    %scan3A_5 = arith.constant 0 : i32
    %scan3A_6 = arith.constant 10 : i32
    %scan3A_7 = arith.addi %scan3A_5, %scan3A_6 : i32
    %scan3A_8 = arith.constant 1 : i32
    scf.for %scan3A_16 = %scan3A_5 to %scan3A_7 step %scan3A_8  : i32 {
      %mul3A_17 = arith.constant 1 : i32
      %mul3A_18 = arith.muli %scan3A_16, %mul3A_17 : i32
      %add3A = arith.constant 0 : i32
      %add3A_19 = arith.addi %add3A, %mul3A_18 : i32
      "tpu.region"() ({
        %run_scoped3A = tpu.sem_alloc : memref<!tpu.dma_semaphore, #tpu.memory_space<semaphore_mem>>
        %dma_start3A_36 = arith.constant 0 : i32
        %dma_start3A_37 = arith.constant 0 : i32
        %dma_start3A_38 = tpu.memref_slice %arg3[%arg0, %arg1, %add3A_19, %dma_start3A_36, %dma_start3A_37] : memref<2x16x10x50x40xi32, #tpu.memory_space<hbm>> -> memref<1x1x1x50x40xi32, #tpu.memory_space<hbm>>
        %dma_start3A_39 = tpu.memref_squeeze %dma_start3A_38 : memref<1x1x1x50x40xi32, #tpu.memory_space<hbm>> -> memref<50x40xi32, #tpu.memory_space<hbm>>
        %dma_start3A_40 = arith.constant 0 : i32
        %dma_start3A_41 = arith.constant 0 : i32
        %dma_start3A_42 = tpu.memref_slice %arg3[%arg0, %arg1, %add3A_19, %dma_start3A_40, %dma_start3A_41] : memref<2x16x10x50x40xi32, #tpu.memory_space<hbm>> -> memref<1x1x1x50x40xi32, #tpu.memory_space<hbm>>
        %dma_start3A_43 = tpu.memref_squeeze %dma_start3A_42 : memref<1x1x1x50x40xi32, #tpu.memory_space<hbm>> -> memref<50x40xi32, #tpu.memory_space<hbm>>
        tpu.enqueue_dma source(%dma_start3A_43 : memref<50x40xi32, #tpu.memory_space<hbm>>) target(%arg8 : memref<50x40xi32, #tpu.memory_space<vmem>>) target_semaphore(%run_scoped3A : memref<!tpu.dma_semaphore, #tpu.memory_space<semaphore_mem>>)
        %dma_wait3A = arith.constant 0 : i32
        %dma_wait3A_44 = arith.constant 0 : i32
        %dma_wait3A_45 = tpu.memref_slice %arg3[%arg0, %arg1, %add3A_19, %dma_wait3A, %dma_wait3A_44] : memref<2x16x10x50x40xi32, #tpu.memory_space<hbm>> -> memref<1x1x1x50x40xi32, #tpu.memory_space<hbm>>
        %dma_wait3A_46 = tpu.memref_squeeze %dma_wait3A_45 : memref<1x1x1x50x40xi32, #tpu.memory_space<hbm>> -> memref<50x40xi32, #tpu.memory_space<hbm>>
        %dma_wait3A_47 = arith.constant 0 : i32
        %dma_wait3A_48 = arith.constant 0 : i32
        %dma_wait3A_49 = tpu.memref_slice %arg3[%arg0, %arg1, %add3A_19, %dma_wait3A_47, %dma_wait3A_48] : memref<2x16x10x50x40xi32, #tpu.memory_space<hbm>> -> memref<1x1x1x50x40xi32, #tpu.memory_space<hbm>>
        %dma_wait3A_50 = tpu.memref_squeeze %dma_wait3A_49 : memref<1x1x1x50x40xi32, #tpu.memory_space<hbm>> -> memref<50x40xi32, #tpu.memory_space<hbm>>
        tpu.wait_dma2 semaphore(%run_scoped3A : memref<!tpu.dma_semaphore, #tpu.memory_space<semaphore_mem>>) src(%dma_wait3A_50 : memref<50x40xi32, #tpu.memory_space<hbm>>) dst(%arg8 : memref<50x40xi32, #tpu.memory_space<vmem>>)
        tpu.yield
      }) : () -> ()
      %mul3A_20 = arith.constant 50 : i32
      %mul3A_21 = arith.muli %add3A_19, %mul3A_20 : i32
      %mul3A_22 = arith.constant 40 : i32
      %mul3A_23 = arith.muli %mul3A_21, %mul3A_22 : i32
      %add3A_24 = arith.addi %mul3A_4, %mul3A_23 : i32
      "tpu.region"() ({
        %run_scoped3A = tpu.sem_alloc : memref<!tpu.dma_semaphore, #tpu.memory_space<semaphore_mem>>
        %dma_start3A_36 = tpu.memref_slice %arg4[%add3A_24] : memref<320000xi32, #tpu.memory_space<hbm>> -> memref<40xi32, #tpu.memory_space<hbm>>
        %dma_start3A_37 = tpu.memref_slice %arg4[%add3A_24] : memref<320000xi32, #tpu.memory_space<hbm>> -> memref<40xi32, #tpu.memory_space<hbm>>
        tpu.enqueue_dma source(%dma_start3A_37 : memref<40xi32, #tpu.memory_space<hbm>>) target(%arg9 : memref<40xi32, #tpu.memory_space<vmem>>) target_semaphore(%run_scoped3A : memref<!tpu.dma_semaphore, #tpu.memory_space<semaphore_mem>>)
        %dma_wait3A = tpu.memref_slice %arg4[%add3A_24] : memref<320000xi32, #tpu.memory_space<hbm>> -> memref<40xi32, #tpu.memory_space<hbm>>
        %dma_wait3A_38 = tpu.memref_slice %arg4[%add3A_24] : memref<320000xi32, #tpu.memory_space<hbm>> -> memref<40xi32, #tpu.memory_space<hbm>>
        tpu.wait_dma2 semaphore(%run_scoped3A : memref<!tpu.dma_semaphore, #tpu.memory_space<semaphore_mem>>) src(%dma_wait3A_38 : memref<40xi32, #tpu.memory_space<hbm>>) dst(%arg9 : memref<40xi32, #tpu.memory_space<vmem>>)
        tpu.yield
      }) : () -> ()
      %dma_start3A = arith.constant 0 : i32
      %dma_start3A_25 = arith.constant 0 : i32
      %dma_start3A_26 = tpu.memref_slice %arg8[%dma_start3A, %dma_start3A_25] : memref<50x40xi32, #tpu.memory_space<vmem>> -> memref<1x40xi32, #tpu.memory_space<vmem>>
      %dma_start3A_27 = tpu.memref_squeeze %dma_start3A_26 : memref<1x40xi32, #tpu.memory_space<vmem>> -> memref<40xi32, #tpu.memory_space<vmem>>
      %dma_start3A_28 = arith.constant 0 : i32
      %dma_start3A_29 = arith.constant 0 : i32
      %dma_start3A_30 = tpu.memref_slice %arg2[%dma_start3A_28, %dma_start3A_29] : memref<20000x128xf32, #tpu.memory_space<hbm>> -> memref<20000x128xf32, #tpu.memory_space<hbm>>
      tpu.enqueue_indirect_dma source(%dma_start3A_30 : memref<20000x128xf32, #tpu.memory_space<hbm>>) target(%arg12 : memref<40x128xf32, #tpu.memory_space<vmem>>) offsets(%dma_start3A_27 : memref<40xi32, #tpu.memory_space<vmem>>) semaphore(%arg16 : memref<!tpu.dma_semaphore, #tpu.memory_space<semaphore_mem>>)
      %scan3A_31 = arith.constant 0 : i32
      %scan3A_32 = arith.constant 25 : i32
      %scan3A_33 = arith.addi %scan3A_31, %scan3A_32 : i32
      %scan3A_34 = arith.constant 1 : i32
      scf.for %scan3A_36 = %scan3A_31 to %scan3A_33 step %scan3A_34  : i32 {
        %mul3A_37 = arith.constant 1 : i32
        %mul3A_38 = arith.muli %scan3A_36, %mul3A_37 : i32
        %add3A_39 = arith.constant 0 : i32
        %add3A_40 = arith.addi %add3A_39, %mul3A_38 : i32
        %mul3A_41 = arith.constant 2 : i32
        %mul3A_42 = arith.muli %add3A_40, %mul3A_41 : i32
        %add3A_43 = arith.constant 1 : i32
        %add3A_44 = arith.addi %mul3A_42, %add3A_43 : i32
        %dma_start3A_45 = arith.constant 0 : i32
        %dma_start3A_46 = tpu.memref_slice %arg8[%add3A_44, %dma_start3A_45] : memref<50x40xi32, #tpu.memory_space<vmem>> -> memref<1x40xi32, #tpu.memory_space<vmem>>
        %dma_start3A_47 = tpu.memref_squeeze %dma_start3A_46 : memref<1x40xi32, #tpu.memory_space<vmem>> -> memref<40xi32, #tpu.memory_space<vmem>>
        %dma_start3A_48 = arith.constant 0 : i32
        %dma_start3A_49 = arith.constant 0 : i32
        %dma_start3A_50 = tpu.memref_slice %arg2[%dma_start3A_48, %dma_start3A_49] : memref<20000x128xf32, #tpu.memory_space<hbm>> -> memref<20000x128xf32, #tpu.memory_space<hbm>>
        tpu.enqueue_indirect_dma source(%dma_start3A_50 : memref<20000x128xf32, #tpu.memory_space<hbm>>) target(%arg13 : memref<40x128xf32, #tpu.memory_space<vmem>>) offsets(%dma_start3A_47 : memref<40xi32, #tpu.memory_space<vmem>>) semaphore(%arg17 : memref<!tpu.dma_semaphore, #tpu.memory_space<semaphore_mem>>)
        %add3A_51 = arith.constant 1 : i32
        %add3A_52 = arith.addi %mul3A_42, %add3A_51 : i32
        %mul3A_53 = arith.constant 40 : i32
        %mul3A_54 = arith.muli %add3A_52, %mul3A_53 : i32
        %add3A_55 = arith.addi %add3A_24, %mul3A_54 : i32
        %dma_start3A_56 = tpu.memref_slice %arg4[%add3A_55] : memref<320000xi32, #tpu.memory_space<hbm>> -> memref<40xi32, #tpu.memory_space<hbm>>
        %dma_start3A_57 = tpu.memref_slice %arg4[%add3A_55] : memref<320000xi32, #tpu.memory_space<hbm>> -> memref<40xi32, #tpu.memory_space<hbm>>
        tpu.enqueue_dma source(%dma_start3A_57 : memref<40xi32, #tpu.memory_space<hbm>>) target(%arg10 : memref<40xi32, #tpu.memory_space<vmem>>) target_semaphore(%arg19 : memref<!tpu.dma_semaphore, #tpu.memory_space<semaphore_mem>>)
        %dma_wait3A = arith.constant 0 : i32
        %dma_wait3A_58 = tpu.memref_slice %arg8[%mul3A_42, %dma_wait3A] : memref<50x40xi32, #tpu.memory_space<vmem>> -> memref<1x40xi32, #tpu.memory_space<vmem>>
        %dma_wait3A_59 = tpu.memref_squeeze %dma_wait3A_58 : memref<1x40xi32, #tpu.memory_space<vmem>> -> memref<40xi32, #tpu.memory_space<vmem>>
        %dma_wait3A_60 = arith.constant 0 : i32
        %dma_wait3A_61 = arith.constant 0 : i32
        %dma_wait3A_62 = tpu.memref_slice %arg2[%dma_wait3A_60, %dma_wait3A_61] : memref<20000x128xf32, #tpu.memory_space<hbm>> -> memref<20000x128xf32, #tpu.memory_space<hbm>>
        tpu.wait_indirect_dma semaphore(%arg16 : memref<!tpu.dma_semaphore, #tpu.memory_space<semaphore_mem>>) src(%dma_wait3A_62 : memref<20000x128xf32, #tpu.memory_space<hbm>>) dst(%arg12 : memref<40x128xf32, #tpu.memory_space<vmem>>)
        "tpu.region"() ({
          %run_scoped3A = tpu.sem_alloc : memref<!tpu.dma_semaphore, #tpu.memory_space<semaphore_mem>>
          %dma_start3A_85 = arith.constant 0 : i32
          %dma_start3A_86 = arith.constant 0 : i32
          %dma_start3A_87 = tpu.memref_slice %arg15[%dma_start3A_85, %dma_start3A_86] : memref<10000x128xf32, #tpu.memory_space<vmem_shared>> -> memref<10000x128xf32, #tpu.memory_space<vmem_shared>>
          tpu.enqueue_indirect_dma source(%arg12 : memref<40x128xf32, #tpu.memory_space<vmem>>) target(%dma_start3A_87 : memref<10000x128xf32, #tpu.memory_space<vmem_shared>>) offsets(%arg9 : memref<40xi32, #tpu.memory_space<vmem>>) semaphore(%run_scoped3A : memref<!tpu.dma_semaphore, #tpu.memory_space<semaphore_mem>>) {add = true}
          %dma_wait3A_88 = arith.constant 0 : i32
          %dma_wait3A_89 = arith.constant 0 : i32
          %dma_wait3A_90 = tpu.memref_slice %arg15[%dma_wait3A_88, %dma_wait3A_89] : memref<10000x128xf32, #tpu.memory_space<vmem_shared>> -> memref<10000x128xf32, #tpu.memory_space<vmem_shared>>
          tpu.wait_indirect_dma semaphore(%run_scoped3A : memref<!tpu.dma_semaphore, #tpu.memory_space<semaphore_mem>>) src(%arg12 : memref<40x128xf32, #tpu.memory_space<vmem>>) dst(%dma_wait3A_90 : memref<10000x128xf32, #tpu.memory_space<vmem_shared>>)
          tpu.yield
        }) : () -> ()
        %lt3A = arith.constant 24 : i32
        %lt3A_63 = arith.cmpi slt, %add3A_40, %lt3A : i32
        %convert_element_type3A = arith.extui %lt3A_63 : i1 to i32
        %cond3A = arith.constant 0 : i32
        %cond3A_64 = arith.cmpi ne, %convert_element_type3A, %cond3A : i32
        scf.if %cond3A_64 {
          %add3A_85 = arith.constant 2 : i32
          %add3A_86 = arith.addi %mul3A_42, %add3A_85 : i32
          %dma_start3A_87 = arith.constant 0 : i32
          %dma_start3A_88 = tpu.memref_slice %arg8[%add3A_86, %dma_start3A_87] : memref<50x40xi32, #tpu.memory_space<vmem>> -> memref<1x40xi32, #tpu.memory_space<vmem>>
          %dma_start3A_89 = tpu.memref_squeeze %dma_start3A_88 : memref<1x40xi32, #tpu.memory_space<vmem>> -> memref<40xi32, #tpu.memory_space<vmem>>
          %dma_start3A_90 = arith.constant 0 : i32
          %dma_start3A_91 = arith.constant 0 : i32
          %dma_start3A_92 = tpu.memref_slice %arg2[%dma_start3A_90, %dma_start3A_91] : memref<20000x128xf32, #tpu.memory_space<hbm>> -> memref<20000x128xf32, #tpu.memory_space<hbm>>
          tpu.enqueue_indirect_dma source(%dma_start3A_92 : memref<20000x128xf32, #tpu.memory_space<hbm>>) target(%arg12 : memref<40x128xf32, #tpu.memory_space<vmem>>) offsets(%dma_start3A_89 : memref<40xi32, #tpu.memory_space<vmem>>) semaphore(%arg16 : memref<!tpu.dma_semaphore, #tpu.memory_space<semaphore_mem>>)
          %add3A_93 = arith.constant 2 : i32
          %add3A_94 = arith.addi %mul3A_42, %add3A_93 : i32
          %mul3A_95 = arith.constant 40 : i32
          %mul3A_96 = arith.muli %add3A_94, %mul3A_95 : i32
          %add3A_97 = arith.addi %add3A_24, %mul3A_96 : i32
          %dma_start3A_98 = tpu.memref_slice %arg4[%add3A_97] : memref<320000xi32, #tpu.memory_space<hbm>> -> memref<40xi32, #tpu.memory_space<hbm>>
          %dma_start3A_99 = tpu.memref_slice %arg4[%add3A_97] : memref<320000xi32, #tpu.memory_space<hbm>> -> memref<40xi32, #tpu.memory_space<hbm>>
          tpu.enqueue_dma source(%dma_start3A_99 : memref<40xi32, #tpu.memory_space<hbm>>) target(%arg9 : memref<40xi32, #tpu.memory_space<vmem>>) target_semaphore(%arg18 : memref<!tpu.dma_semaphore, #tpu.memory_space<semaphore_mem>>)
        } else {
        }
        %add3A_65 = arith.constant 1 : i32
        %add3A_66 = arith.addi %mul3A_42, %add3A_65 : i32
        %dma_wait3A_67 = arith.constant 0 : i32
        %dma_wait3A_68 = tpu.memref_slice %arg8[%add3A_66, %dma_wait3A_67] : memref<50x40xi32, #tpu.memory_space<vmem>> -> memref<1x40xi32, #tpu.memory_space<vmem>>
        %dma_wait3A_69 = tpu.memref_squeeze %dma_wait3A_68 : memref<1x40xi32, #tpu.memory_space<vmem>> -> memref<40xi32, #tpu.memory_space<vmem>>
        %dma_wait3A_70 = arith.constant 0 : i32
        %dma_wait3A_71 = arith.constant 0 : i32
        %dma_wait3A_72 = tpu.memref_slice %arg2[%dma_wait3A_70, %dma_wait3A_71] : memref<20000x128xf32, #tpu.memory_space<hbm>> -> memref<20000x128xf32, #tpu.memory_space<hbm>>
        tpu.wait_indirect_dma semaphore(%arg17 : memref<!tpu.dma_semaphore, #tpu.memory_space<semaphore_mem>>) src(%dma_wait3A_72 : memref<20000x128xf32, #tpu.memory_space<hbm>>) dst(%arg13 : memref<40x128xf32, #tpu.memory_space<vmem>>)
        %add3A_73 = arith.constant 1 : i32
        %add3A_74 = arith.addi %mul3A_42, %add3A_73 : i32
        %mul3A_75 = arith.constant 40 : i32
        %mul3A_76 = arith.muli %add3A_74, %mul3A_75 : i32
        %add3A_77 = arith.addi %add3A_24, %mul3A_76 : i32
        %dma_wait3A_78 = tpu.memref_slice %arg4[%add3A_77] : memref<320000xi32, #tpu.memory_space<hbm>> -> memref<40xi32, #tpu.memory_space<hbm>>
        %dma_wait3A_79 = tpu.memref_slice %arg4[%add3A_77] : memref<320000xi32, #tpu.memory_space<hbm>> -> memref<40xi32, #tpu.memory_space<hbm>>
        tpu.wait_dma2 semaphore(%arg19 : memref<!tpu.dma_semaphore, #tpu.memory_space<semaphore_mem>>) src(%dma_wait3A_79 : memref<40xi32, #tpu.memory_space<hbm>>) dst(%arg10 : memref<40xi32, #tpu.memory_space<vmem>>)
        "tpu.region"() ({
          %run_scoped3A = tpu.sem_alloc : memref<!tpu.dma_semaphore, #tpu.memory_space<semaphore_mem>>
          %dma_start3A_85 = arith.constant 0 : i32
          %dma_start3A_86 = arith.constant 0 : i32
          %dma_start3A_87 = tpu.memref_slice %arg15[%dma_start3A_85, %dma_start3A_86] : memref<10000x128xf32, #tpu.memory_space<vmem_shared>> -> memref<10000x128xf32, #tpu.memory_space<vmem_shared>>
          tpu.enqueue_indirect_dma source(%arg13 : memref<40x128xf32, #tpu.memory_space<vmem>>) target(%dma_start3A_87 : memref<10000x128xf32, #tpu.memory_space<vmem_shared>>) offsets(%arg10 : memref<40xi32, #tpu.memory_space<vmem>>) semaphore(%run_scoped3A : memref<!tpu.dma_semaphore, #tpu.memory_space<semaphore_mem>>) {add = true}
          %dma_wait3A_88 = arith.constant 0 : i32
          %dma_wait3A_89 = arith.constant 0 : i32
          %dma_wait3A_90 = tpu.memref_slice %arg15[%dma_wait3A_88, %dma_wait3A_89] : memref<10000x128xf32, #tpu.memory_space<vmem_shared>> -> memref<10000x128xf32, #tpu.memory_space<vmem_shared>>
          tpu.wait_indirect_dma semaphore(%run_scoped3A : memref<!tpu.dma_semaphore, #tpu.memory_space<semaphore_mem>>) src(%arg13 : memref<40x128xf32, #tpu.memory_space<vmem>>) dst(%dma_wait3A_90 : memref<10000x128xf32, #tpu.memory_space<vmem_shared>>)
          tpu.yield
        }) : () -> ()
        %lt3A_80 = arith.constant 24 : i32
        %lt3A_81 = arith.cmpi slt, %add3A_40, %lt3A_80 : i32
        %convert_element_type3A_82 = arith.extui %lt3A_81 : i1 to i32
        %cond3A_83 = arith.constant 0 : i32
        %cond3A_84 = arith.cmpi ne, %convert_element_type3A_82, %cond3A_83 : i32
        scf.if %cond3A_84 {
          %add3A_85 = arith.constant 2 : i32
          %add3A_86 = arith.addi %mul3A_42, %add3A_85 : i32
          %mul3A_87 = arith.constant 40 : i32
          %mul3A_88 = arith.muli %add3A_86, %mul3A_87 : i32
          %add3A_89 = arith.addi %add3A_24, %mul3A_88 : i32
          %dma_wait3A_90 = tpu.memref_slice %arg4[%add3A_89] : memref<320000xi32, #tpu.memory_space<hbm>> -> memref<40xi32, #tpu.memory_space<hbm>>
          %dma_wait3A_91 = tpu.memref_slice %arg4[%add3A_89] : memref<320000xi32, #tpu.memory_space<hbm>> -> memref<40xi32, #tpu.memory_space<hbm>>
          tpu.wait_dma2 semaphore(%arg18 : memref<!tpu.dma_semaphore, #tpu.memory_space<semaphore_mem>>) src(%dma_wait3A_91 : memref<40xi32, #tpu.memory_space<hbm>>) dst(%arg9 : memref<40xi32, #tpu.memory_space<vmem>>)
        } else {
        }
      }
      %scan3A_35 = arith.constant 25 : i32
    }
    %scan3A_9 = arith.constant 10 : i32
    %barrier3A_10 = arith.constant 0 : index
    tpu.barrier barrier_id(%barrier3A_10)
    %scan3A_11 = arith.constant 0 : i32
    %scan3A_12 = arith.constant 16 : i32
    %scan3A_13 = arith.addi %scan3A_11, %scan3A_12 : i32
    %scan3A_14 = arith.constant 1 : i32
    scf.for %scan3A_16 = %scan3A_11 to %scan3A_13 step %scan3A_14  : i32 {
      %mul3A_17 = arith.constant 1 : i32
      %mul3A_18 = arith.muli %scan3A_16, %mul3A_17 : i32
      %add3A = arith.constant 0 : i32
      %add3A_19 = arith.addi %add3A, %mul3A_18 : i32
      %mul3A_20 = arith.constant 16 : i32
      %mul3A_21 = arith.muli %arg1, %mul3A_20 : i32
      %add3A_22 = arith.addi %mul3A_21, %add3A_19 : i32
      %lt3A = arith.constant 250 : i32
      %lt3A_23 = arith.cmpi slt, %add3A_22, %lt3A : i32
      %convert_element_type3A = arith.extui %lt3A_23 : i1 to i32
      %cond3A = arith.constant 0 : i32
      %cond3A_24 = arith.cmpi ne, %convert_element_type3A, %cond3A : i32
      scf.if %cond3A_24 {
        %mul3A_25 = arith.constant 40 : i32
        %mul3A_26 = arith.muli %add3A_22, %mul3A_25 : i32
        "tpu.region"() ({
          %run_scoped3A = tpu.sem_alloc : memref<!tpu.dma_semaphore, #tpu.memory_space<semaphore_mem>>
          %dma_start3A = tpu.memref_slice %arg5[%mul3A_26] : memref<10000xi32, #tpu.memory_space<hbm>> -> memref<40xi32, #tpu.memory_space<hbm>>
          %dma_start3A_32 = tpu.memref_slice %arg5[%mul3A_26] : memref<10000xi32, #tpu.memory_space<hbm>> -> memref<40xi32, #tpu.memory_space<hbm>>
          tpu.enqueue_dma source(%dma_start3A_32 : memref<40xi32, #tpu.memory_space<hbm>>) target(%arg11 : memref<40xi32, #tpu.memory_space<vmem>>) target_semaphore(%run_scoped3A : memref<!tpu.dma_semaphore, #tpu.memory_space<semaphore_mem>>)
          %dma_wait3A = tpu.memref_slice %arg5[%mul3A_26] : memref<10000xi32, #tpu.memory_space<hbm>> -> memref<40xi32, #tpu.memory_space<hbm>>
          %dma_wait3A_33 = tpu.memref_slice %arg5[%mul3A_26] : memref<10000xi32, #tpu.memory_space<hbm>> -> memref<40xi32, #tpu.memory_space<hbm>>
          tpu.wait_dma2 semaphore(%run_scoped3A : memref<!tpu.dma_semaphore, #tpu.memory_space<semaphore_mem>>) src(%dma_wait3A_33 : memref<40xi32, #tpu.memory_space<hbm>>) dst(%arg11 : memref<40xi32, #tpu.memory_space<vmem>>)
          tpu.yield
        }) : () -> ()
        "tpu.region"() ({
          %run_scoped3A = tpu.sem_alloc : memref<!tpu.dma_semaphore, #tpu.memory_space<semaphore_mem>>
          %dma_start3A = arith.constant 0 : i32
          %dma_start3A_32 = arith.constant 0 : i32
          %dma_start3A_33 = tpu.memref_slice %arg15[%dma_start3A, %dma_start3A_32] : memref<10000x128xf32, #tpu.memory_space<vmem_shared>> -> memref<10000x128xf32, #tpu.memory_space<vmem_shared>>
          tpu.enqueue_indirect_dma source(%dma_start3A_33 : memref<10000x128xf32, #tpu.memory_space<vmem_shared>>) target(%arg14 : memref<40x128xf32, #tpu.memory_space<vmem>>) offsets(%arg11 : memref<40xi32, #tpu.memory_space<vmem>>) semaphore(%run_scoped3A : memref<!tpu.dma_semaphore, #tpu.memory_space<semaphore_mem>>)
          %dma_wait3A = arith.constant 0 : i32
          %dma_wait3A_34 = arith.constant 0 : i32
          %dma_wait3A_35 = tpu.memref_slice %arg15[%dma_wait3A, %dma_wait3A_34] : memref<10000x128xf32, #tpu.memory_space<vmem_shared>> -> memref<10000x128xf32, #tpu.memory_space<vmem_shared>>
          tpu.wait_indirect_dma semaphore(%run_scoped3A : memref<!tpu.dma_semaphore, #tpu.memory_space<semaphore_mem>>) src(%dma_wait3A_35 : memref<10000x128xf32, #tpu.memory_space<vmem_shared>>) dst(%arg14 : memref<40x128xf32, #tpu.memory_space<vmem>>)
          tpu.yield
        }) : () -> ()
        %mul3A_27 = arith.constant 10000 : i32
        %mul3A_28 = arith.muli %arg0, %mul3A_27 : i32
        %mul3A_29 = arith.constant 40 : i32
        %mul3A_30 = arith.muli %add3A_22, %mul3A_29 : i32
        %add3A_31 = arith.addi %mul3A_28, %mul3A_30 : i32
        "tpu.region"() ({
          %run_scoped3A = tpu.sem_alloc : memref<!tpu.dma_semaphore, #tpu.memory_space<semaphore_mem>>
          %dma_start3A = arith.constant 0 : i32
          %dma_start3A_32 = tpu.memref_slice %arg7[%add3A_31, %dma_start3A] : memref<20000x128xf32, #tpu.memory_space<hbm>> -> memref<40x128xf32, #tpu.memory_space<hbm>>
          %dma_start3A_33 = arith.constant 0 : i32
          %dma_start3A_34 = tpu.memref_slice %arg7[%add3A_31, %dma_start3A_33] : memref<20000x128xf32, #tpu.memory_space<hbm>> -> memref<40x128xf32, #tpu.memory_space<hbm>>
          tpu.enqueue_dma source(%arg14 : memref<40x128xf32, #tpu.memory_space<vmem>>) target(%dma_start3A_34 : memref<40x128xf32, #tpu.memory_space<hbm>>) target_semaphore(%run_scoped3A : memref<!tpu.dma_semaphore, #tpu.memory_space<semaphore_mem>>)
          %dma_wait3A = arith.constant 0 : i32
          %dma_wait3A_35 = tpu.memref_slice %arg7[%add3A_31, %dma_wait3A] : memref<20000x128xf32, #tpu.memory_space<hbm>> -> memref<40x128xf32, #tpu.memory_space<hbm>>
          %dma_wait3A_36 = arith.constant 0 : i32
          %dma_wait3A_37 = tpu.memref_slice %arg7[%add3A_31, %dma_wait3A_36] : memref<20000x128xf32, #tpu.memory_space<hbm>> -> memref<40x128xf32, #tpu.memory_space<hbm>>
          tpu.wait_dma2 semaphore(%run_scoped3A : memref<!tpu.dma_semaphore, #tpu.memory_space<semaphore_mem>>) src(%arg14 : memref<40x128xf32, #tpu.memory_space<vmem>>) dst(%dma_wait3A_37 : memref<40x128xf32, #tpu.memory_space<hbm>>)
          tpu.yield
        }) : () -> ()
      } else {
      }
    }
    %scan3A_15 = arith.constant 16 : i32
    return
  }
}

module attributes {stable_mosaic.version = 14 : i64} {
  func.func @body(%arg0: i32, %arg1: memref<2000x128xf32, #tpu.memory_space<vmem>>, %arg2: memref<128x256xf32, #tpu.memory_space<vmem>>, %arg3: memref<2x2000x128xf32, #tpu.memory_space<vmem>>) attributes {dimension_semantics = [#tpu.dimension_semantics<arbitrary>], iteration_bounds = array<i64: 5>, scalar_prefetch = 0 : i64, scratch_operands = 0 : i64, tpu.core_type = #tpu.core_type<tc>, window_params = [{transform_indices = @transform_0, window_bounds = array<i64: 2000, 128>}, {pipeline_mode = #tpu.pipeline_mode<synchronous>, transform_indices = @transform_1, window_bounds = array<i64: 128, 256>}, {transform_indices = @transform_2, window_bounds = array<i64: 2, 2000, 128>}]} {
    %get3A = arith.constant 0 : index
    %get3A_0 = arith.constant 0 : index
    %get3A_1 = vector.load %arg1[%get3A, %get3A_0] : memref<2000x128xf32, #tpu.memory_space<vmem>>, vector<2000x128xf32>
    %get3A_2 = arith.constant 0 : index
    %get3A_3 = arith.constant 0 : index
    %get3A_4 = vector.load %arg2[%get3A_2, %get3A_3] : memref<128x256xf32, #tpu.memory_space<vmem>>, vector<128x256xf32>
    %dot_general3A = arith.constant dense<0.000000e+00> : vector<2000x256xf32>
    %dot_general3A_5 = tpu.matmul %get3A_1, %get3A_4, %dot_general3A {dimension_numbers = #tpu.dot_dimension_numbers<[1], [0], [0], [1], [0, 0, 1, 1], [], []>, transpose_lhs_hint = false} : vector<2000x128xf32>, vector<128x256xf32>, vector<2000x256xf32> -> vector<2000x256xf32>
    %slice3A = vector.extract_strided_slice %dot_general3A_5 {offsets = [0, 0], sizes = [2000, 128], strides = [1, 1]} : vector<2000x256xf32> to vector<2000x128xf32>
    %swap3A = arith.constant 0 : index
    %swap3A_6 = arith.constant 0 : index
    %swap3A_7 = arith.constant 0 : index
    %swap3A_8 = vector.load %arg3[%swap3A, %swap3A_6, %swap3A_7] : memref<2x2000x128xf32, #tpu.memory_space<vmem>>, vector<1x2000x128xf32>
    %swap3A_9 = vector.shape_cast %swap3A_8 : vector<1x2000x128xf32> to vector<2000x128xf32>
    %swap3A_10 = vector.shape_cast %slice3A : vector<2000x128xf32> to vector<1x2000x128xf32>
    tpu.vector_store %arg3[%swap3A, %swap3A_6, %swap3A_7], %swap3A_10 {strides = array<i32>} : memref<2x2000x128xf32, #tpu.memory_space<vmem>>, vector<1x2000x128xf32>,
    %slice3A_11 = vector.extract_strided_slice %dot_general3A_5 {offsets = [0, 128], sizes = [2000, 128], strides = [1, 1]} : vector<2000x256xf32> to vector<2000x128xf32>
    %swap3A_12 = arith.constant 1 : index
    %swap3A_13 = arith.constant 0 : index
    %swap3A_14 = arith.constant 0 : index
    %swap3A_15 = vector.load %arg3[%swap3A_12, %swap3A_13, %swap3A_14] : memref<2x2000x128xf32, #tpu.memory_space<vmem>>, vector<1x2000x128xf32>
    %swap3A_16 = vector.shape_cast %swap3A_15 : vector<1x2000x128xf32> to vector<2000x128xf32>
    %swap3A_17 = vector.shape_cast %slice3A_11 : vector<2000x128xf32> to vector<1x2000x128xf32>
    tpu.vector_store %arg3[%swap3A_12, %swap3A_13, %swap3A_14], %swap3A_17 {strides = array<i32>} : memref<2x2000x128xf32, #tpu.memory_space<vmem>>, vector<1x2000x128xf32>,
    return
  }
  func.func @transform_0(%arg0: i32) -> (i32, i32) {
    %c0_i32 = arith.constant 0 : i32
    %c0_i32_0 = arith.constant 0 : i32
    return %arg0, %c0_i32 : i32, i32
  }
  func.func @transform_1(%arg0: i32) -> (i32, i32) {
    %c0_i32 = arith.constant 0 : i32
    %c0_i32_0 = arith.constant 0 : i32
    %c0_i32_1 = arith.constant 0 : i32
    return %c0_i32, %c0_i32_0 : i32, i32
  }
  func.func @transform_2(%arg0: i32) -> (i32, i32, i32) {
    %c0_i32 = arith.constant 0 : i32
    %c0_i32_0 = arith.constant 0 : i32
    %c0_i32_1 = arith.constant 0 : i32
    return %c0_i32, %arg0, %c0_i32_0 : i32, i32, i32
  }
}

module attributes {stable_mosaic.version = 14 : i64} {
  func.func @body(%arg0: i32, %arg1: memref<2x2000x128xf32, #tpu.memory_space<vmem>>, %arg2: memref<2x2000x128xf32, #tpu.memory_space<vmem>>, %arg3: memref<2000x1xf32, #tpu.memory_space<vmem>>, %arg4: memref<2x2000x128xf32, #tpu.memory_space<vmem>>) attributes {dimension_semantics = [#tpu.dimension_semantics<arbitrary>], iteration_bounds = array<i64: 5>, scalar_prefetch = 0 : i64, scratch_operands = 0 : i64, tpu.core_type = #tpu.core_type<tc>, window_params = [{transform_indices = @transform_0, window_bounds = array<i64: 2, 2000, 128>}, {transform_indices = @transform_1, window_bounds = array<i64: 2, 2000, 128>}, {transform_indices = @transform_2, window_bounds = array<i64: 2000, 1>}, {transform_indices = @transform_3, window_bounds = array<i64: 2, 2000, 128>}]} {
    %get3A = arith.constant 0 : index
    %get3A_0 = arith.constant 0 : index
    %get3A_1 = arith.constant 0 : index
    %get3A_2 = vector.load %arg1[%get3A, %get3A_0, %get3A_1] : memref<2x2000x128xf32, #tpu.memory_space<vmem>>, vector<1x2000x1xf32>
    %get3A_3 = vector.shape_cast %get3A_2 : vector<1x2000x1xf32> to vector<2000x1xf32>
    %get3A_4 = arith.constant 1 : index
    %get3A_5 = arith.constant 0 : index
    %get3A_6 = arith.constant 0 : index
    %get3A_7 = vector.load %arg1[%get3A_4, %get3A_5, %get3A_6] : memref<2x2000x128xf32, #tpu.memory_space<vmem>>, vector<1x2000x1xf32>
    %get3A_8 = vector.shape_cast %get3A_7 : vector<1x2000x1xf32> to vector<2000x1xf32>
    %add3A = arith.addf %get3A_3, %get3A_8 : vector<2000x1xf32>
    %add3A_9 = arith.constant 1.000000e+00 : f32
    %add3A_10 = vector.broadcast %add3A_9 : f32 to vector<2000x1xf32>
    %add3A_11 = arith.addf %add3A, %add3A_10 : vector<2000x1xf32>
    %max3A = arith.constant 9.99999996E-13 : f32
    %max3A_12 = vector.broadcast %max3A : f32 to vector<2000x1xf32>
    %max3A_13 = arith.maximumf %add3A_11, %max3A_12 : vector<2000x1xf32>
    %rsqrt3A = math.rsqrt %max3A_13 : vector<2000x1xf32>
    %swap3A = arith.constant 0 : index
    %swap3A_14 = arith.constant 0 : index
    %swap3A_15 = vector.load %arg3[%swap3A, %swap3A_14] : memref<2000x1xf32, #tpu.memory_space<vmem>>, vector<2000x1xf32>
    tpu.vector_store %arg3[%swap3A, %swap3A_14], %rsqrt3A {strides = array<i32>} : memref<2000x1xf32, #tpu.memory_space<vmem>>, vector<2000x1xf32>,
    %get3A_16 = arith.constant 0 : index
    %get3A_17 = arith.constant 0 : index
    %get3A_18 = arith.constant 0 : index
    %get3A_19 = vector.load %arg2[%get3A_16, %get3A_17, %get3A_18] : memref<2x2000x128xf32, #tpu.memory_space<vmem>>, vector<2x2000x128xf32>
    %broadcast_in_dim3A = vector.shape_cast %rsqrt3A : vector<2000x1xf32> to vector<1x2000x1xf32>
    %mul3A = vector.broadcast %broadcast_in_dim3A : vector<1x2000x1xf32> to vector<2x2000x128xf32>
    %mul3A_20 = arith.mulf %get3A_19, %mul3A : vector<2x2000x128xf32>
    %swap3A_21 = arith.constant 0 : index
    %swap3A_22 = arith.constant 0 : index
    %swap3A_23 = arith.constant 0 : index
    %swap3A_24 = vector.load %arg4[%swap3A_21, %swap3A_22, %swap3A_23] : memref<2x2000x128xf32, #tpu.memory_space<vmem>>, vector<2x2000x128xf32>
    tpu.vector_store %arg4[%swap3A_21, %swap3A_22, %swap3A_23], %mul3A_20 {strides = array<i32>} : memref<2x2000x128xf32, #tpu.memory_space<vmem>>, vector<2x2000x128xf32>,
    return
  }
  func.func @transform_0(%arg0: i32) -> (i32, i32, i32) {
    %c0_i32 = arith.constant 0 : i32
    %c0_i32_0 = arith.constant 0 : i32
    %c0_i32_1 = arith.constant 0 : i32
    return %c0_i32, %arg0, %c0_i32_0 : i32, i32, i32
  }
  func.func @transform_1(%arg0: i32) -> (i32, i32, i32) {
    %c0_i32 = arith.constant 0 : i32
    %c0_i32_0 = arith.constant 0 : i32
    %c0_i32_1 = arith.constant 0 : i32
    return %c0_i32, %arg0, %c0_i32_0 : i32, i32, i32
  }
  func.func @transform_2(%arg0: i32) -> (i32, i32) {
    %c0_i32 = arith.constant 0 : i32
    %c0_i32_0 = arith.constant 0 : i32
    return %arg0, %c0_i32 : i32, i32
  }
  func.func @transform_3(%arg0: i32) -> (i32, i32, i32) {
    %c0_i32 = arith.constant 0 : i32
    %c0_i32_0 = arith.constant 0 : i32
    %c0_i32_1 = arith.constant 0 : i32
    return %c0_i32, %arg0, %c0_i32_0 : i32, i32, i32
  }
}

module attributes {stable_mosaic.version = 14 : i64} {
  func.func @body(%arg0: i32, %arg1: memref<2x2000x128xf32, #tpu.memory_space<vmem>>, %arg2: memref<2x2000x128xf32, #tpu.memory_space<vmem>>, %arg3: memref<2000x1xf32, #tpu.memory_space<vmem>>, %arg4: memref<1x256xf32, #tpu.memory_space<vmem>>, %arg5: memref<256x256xf32, #tpu.memory_space<vmem>>, %arg6: memref<2x2000x128xf32, #tpu.memory_space<vmem>>) attributes {dimension_semantics = [#tpu.dimension_semantics<arbitrary>], iteration_bounds = array<i64: 5>, scalar_prefetch = 0 : i64, scratch_operands = 0 : i64, tpu.core_type = #tpu.core_type<tc>, window_params = [{transform_indices = @transform_0, window_bounds = array<i64: 2, 2000, 128>}, {transform_indices = @transform_1, window_bounds = array<i64: 2, 2000, 128>}, {transform_indices = @transform_2, window_bounds = array<i64: 2000, 1>}, {pipeline_mode = #tpu.pipeline_mode<synchronous>, transform_indices = @transform_3, window_bounds = array<i64: 1, 256>}, {pipeline_mode = #tpu.pipeline_mode<synchronous>, transform_indices = @transform_4, window_bounds = array<i64: 256, 256>}, {transform_indices = @transform_5, window_bounds = array<i64: 2, 2000, 128>}]} {
    %get3A = arith.constant 0 : index
    %get3A_0 = arith.constant 0 : index
    %get3A_1 = vector.load %arg3[%get3A, %get3A_0] : memref<2000x1xf32, #tpu.memory_space<vmem>>, vector<2000x1xf32>
    %get3A_2 = arith.constant 0 : index
    %get3A_3 = arith.constant 0 : index
    %get3A_4 = arith.constant 0 : index
    %get3A_5 = vector.load %arg1[%get3A_2, %get3A_3, %get3A_4] : memref<2x2000x128xf32, #tpu.memory_space<vmem>>, vector<1x2000x128xf32>
    %get3A_6 = vector.shape_cast %get3A_5 : vector<1x2000x128xf32> to vector<2000x128xf32>
    %get3A_7 = arith.constant 0 : index
    %get3A_8 = arith.constant 0 : index
    %get3A_9 = arith.constant 0 : index
    %get3A_10 = vector.load %arg2[%get3A_7, %get3A_8, %get3A_9] : memref<2x2000x128xf32, #tpu.memory_space<vmem>>, vector<1x2000x128xf32>
    %get3A_11 = vector.shape_cast %get3A_10 : vector<1x2000x128xf32> to vector<2000x128xf32>
    %add3A = arith.addf %get3A_6, %get3A_11 : vector<2000x128xf32>
    %get3A_12 = arith.constant 1 : index
    %get3A_13 = arith.constant 0 : index
    %get3A_14 = arith.constant 0 : index
    %get3A_15 = vector.load %arg1[%get3A_12, %get3A_13, %get3A_14] : memref<2x2000x128xf32, #tpu.memory_space<vmem>>, vector<1x2000x128xf32>
    %get3A_16 = vector.shape_cast %get3A_15 : vector<1x2000x128xf32> to vector<2000x128xf32>
    %get3A_17 = arith.constant 1 : index
    %get3A_18 = arith.constant 0 : index
    %get3A_19 = arith.constant 0 : index
    %get3A_20 = vector.load %arg2[%get3A_17, %get3A_18, %get3A_19] : memref<2x2000x128xf32, #tpu.memory_space<vmem>>, vector<1x2000x128xf32>
    %get3A_21 = vector.shape_cast %get3A_20 : vector<1x2000x128xf32> to vector<2000x128xf32>
    %add3A_22 = arith.addf %get3A_16, %get3A_21 : vector<2000x128xf32>
    %concatenate3A = tpu.concatenate %add3A, %add3A_22 in 1 : vector<2000x128xf32>, vector<2000x128xf32> -> vector<2000x256xf32>
    %mul3A = vector.broadcast %get3A_1 : vector<2000x1xf32> to vector<2000x256xf32>
    %mul3A_23 = arith.mulf %concatenate3A, %mul3A : vector<2000x256xf32>
    %get3A_24 = arith.constant 0 : index
    %get3A_25 = arith.constant 0 : index
    %get3A_26 = vector.load %arg4[%get3A_24, %get3A_25] : memref<1x256xf32, #tpu.memory_space<vmem>>, vector<1x256xf32>
    %add3A_27 = vector.broadcast %get3A_26 : vector<1x256xf32> to vector<2000x256xf32>
    %add3A_28 = arith.addf %mul3A_23, %add3A_27 : vector<2000x256xf32>
    %max3A = arith.constant 0.000000e+00 : f32
    %max3A_29 = vector.broadcast %max3A : f32 to vector<2000x256xf32>
    %max3A_30 = arith.maximumf %add3A_28, %max3A_29 : vector<2000x256xf32>
    %get3A_31 = arith.constant 0 : index
    %get3A_32 = arith.constant 0 : index
    %get3A_33 = vector.load %arg5[%get3A_31, %get3A_32] : memref<256x256xf32, #tpu.memory_space<vmem>>, vector<256x256xf32>
    %dot_general3A = arith.constant dense<0.000000e+00> : vector<2000x256xf32>
    %dot_general3A_34 = tpu.matmul %max3A_30, %get3A_33, %dot_general3A {dimension_numbers = #tpu.dot_dimension_numbers<[1], [0], [0], [1], [0, 0, 1, 1], [], []>, transpose_lhs_hint = false} : vector<2000x256xf32>, vector<256x256xf32>, vector<2000x256xf32> -> vector<2000x256xf32>
    %mul3A_35 = vector.broadcast %get3A_1 : vector<2000x1xf32> to vector<2000x256xf32>
    %mul3A_36 = arith.mulf %dot_general3A_34, %mul3A_35 : vector<2000x256xf32>
    %slice3A = vector.extract_strided_slice %mul3A_36 {offsets = [0, 0], sizes = [2000, 128], strides = [1, 1]} : vector<2000x256xf32> to vector<2000x128xf32>
    %swap3A = arith.constant 0 : index
    %swap3A_37 = arith.constant 0 : index
    %swap3A_38 = arith.constant 0 : index
    %swap3A_39 = vector.load %arg6[%swap3A, %swap3A_37, %swap3A_38] : memref<2x2000x128xf32, #tpu.memory_space<vmem>>, vector<1x2000x128xf32>
    %swap3A_40 = vector.shape_cast %swap3A_39 : vector<1x2000x128xf32> to vector<2000x128xf32>
    %swap3A_41 = vector.shape_cast %slice3A : vector<2000x128xf32> to vector<1x2000x128xf32>
    tpu.vector_store %arg6[%swap3A, %swap3A_37, %swap3A_38], %swap3A_41 {strides = array<i32>} : memref<2x2000x128xf32, #tpu.memory_space<vmem>>, vector<1x2000x128xf32>,
    %slice3A_42 = vector.extract_strided_slice %mul3A_36 {offsets = [0, 128], sizes = [2000, 128], strides = [1, 1]} : vector<2000x256xf32> to vector<2000x128xf32>
    %swap3A_43 = arith.constant 1 : index
    %swap3A_44 = arith.constant 0 : index
    %swap3A_45 = arith.constant 0 : index
    %swap3A_46 = vector.load %arg6[%swap3A_43, %swap3A_44, %swap3A_45] : memref<2x2000x128xf32, #tpu.memory_space<vmem>>, vector<1x2000x128xf32>
    %swap3A_47 = vector.shape_cast %swap3A_46 : vector<1x2000x128xf32> to vector<2000x128xf32>
    %swap3A_48 = vector.shape_cast %slice3A_42 : vector<2000x128xf32> to vector<1x2000x128xf32>
    tpu.vector_store %arg6[%swap3A_43, %swap3A_44, %swap3A_45], %swap3A_48 {strides = array<i32>} : memref<2x2000x128xf32, #tpu.memory_space<vmem>>, vector<1x2000x128xf32>,
    return
  }
  func.func @transform_0(%arg0: i32) -> (i32, i32, i32) {
    %c0_i32 = arith.constant 0 : i32
    %c0_i32_0 = arith.constant 0 : i32
    %c0_i32_1 = arith.constant 0 : i32
    return %c0_i32, %arg0, %c0_i32_0 : i32, i32, i32
  }
  func.func @transform_1(%arg0: i32) -> (i32, i32, i32) {
    %c0_i32 = arith.constant 0 : i32
    %c0_i32_0 = arith.constant 0 : i32
    %c0_i32_1 = arith.constant 0 : i32
    return %c0_i32, %arg0, %c0_i32_0 : i32, i32, i32
  }
  func.func @transform_2(%arg0: i32) -> (i32, i32) {
    %c0_i32 = arith.constant 0 : i32
    %c0_i32_0 = arith.constant 0 : i32
    return %arg0, %c0_i32 : i32, i32
  }
  func.func @transform_3(%arg0: i32) -> (i32, i32) {
    %c0_i32 = arith.constant 0 : i32
    %c0_i32_0 = arith.constant 0 : i32
    %c0_i32_1 = arith.constant 0 : i32
    return %c0_i32, %c0_i32_0 : i32, i32
  }
  func.func @transform_4(%arg0: i32) -> (i32, i32) {
    %c0_i32 = arith.constant 0 : i32
    %c0_i32_0 = arith.constant 0 : i32
    %c0_i32_1 = arith.constant 0 : i32
    return %c0_i32, %c0_i32_0 : i32, i32
  }
  func.func @transform_5(%arg0: i32) -> (i32, i32, i32) {
    %c0_i32 = arith.constant 0 : i32
    %c0_i32_0 = arith.constant 0 : i32
    %c0_i32_1 = arith.constant 0 : i32
    return %c0_i32, %arg0, %c0_i32_0 : i32, i32, i32
  }
}

module attributes {stable_mosaic.version = 14 : i64} {
  func.func @body(%arg0: i32, %arg1: memref<2x2000x128xf32, #tpu.memory_space<vmem>>, %arg2: memref<2x2000x128xf32, #tpu.memory_space<vmem>>, %arg3: memref<2000x1xf32, #tpu.memory_space<vmem>>, %arg4: memref<1x256xf32, #tpu.memory_space<vmem>>, %arg5: memref<256x64xf32, #tpu.memory_space<vmem>>, %arg6: memref<2000x128xf32, #tpu.memory_space<vmem>>) attributes {dimension_semantics = [#tpu.dimension_semantics<arbitrary>], iteration_bounds = array<i64: 5>, scalar_prefetch = 0 : i64, scratch_operands = 0 : i64, tpu.core_type = #tpu.core_type<tc>, window_params = [{transform_indices = @transform_0, window_bounds = array<i64: 2, 2000, 128>}, {transform_indices = @transform_1, window_bounds = array<i64: 2, 2000, 128>}, {transform_indices = @transform_2, window_bounds = array<i64: 2000, 1>}, {pipeline_mode = #tpu.pipeline_mode<synchronous>, transform_indices = @transform_3, window_bounds = array<i64: 1, 256>}, {pipeline_mode = #tpu.pipeline_mode<synchronous>, transform_indices = @transform_4, window_bounds = array<i64: 256, 64>}, {transform_indices = @transform_5, window_bounds = array<i64: 2000, 128>}]} {
    %get3A = arith.constant 0 : index
    %get3A_0 = arith.constant 0 : index
    %get3A_1 = vector.load %arg3[%get3A, %get3A_0] : memref<2000x1xf32, #tpu.memory_space<vmem>>, vector<2000x1xf32>
    %get3A_2 = arith.constant 0 : index
    %get3A_3 = arith.constant 0 : index
    %get3A_4 = arith.constant 0 : index
    %get3A_5 = vector.load %arg1[%get3A_2, %get3A_3, %get3A_4] : memref<2x2000x128xf32, #tpu.memory_space<vmem>>, vector<1x2000x128xf32>
    %get3A_6 = vector.shape_cast %get3A_5 : vector<1x2000x128xf32> to vector<2000x128xf32>
    %get3A_7 = arith.constant 0 : index
    %get3A_8 = arith.constant 0 : index
    %get3A_9 = arith.constant 0 : index
    %get3A_10 = vector.load %arg2[%get3A_7, %get3A_8, %get3A_9] : memref<2x2000x128xf32, #tpu.memory_space<vmem>>, vector<1x2000x128xf32>
    %get3A_11 = vector.shape_cast %get3A_10 : vector<1x2000x128xf32> to vector<2000x128xf32>
    %add3A = arith.addf %get3A_6, %get3A_11 : vector<2000x128xf32>
    %get3A_12 = arith.constant 1 : index
    %get3A_13 = arith.constant 0 : index
    %get3A_14 = arith.constant 0 : index
    %get3A_15 = vector.load %arg1[%get3A_12, %get3A_13, %get3A_14] : memref<2x2000x128xf32, #tpu.memory_space<vmem>>, vector<1x2000x128xf32>
    %get3A_16 = vector.shape_cast %get3A_15 : vector<1x2000x128xf32> to vector<2000x128xf32>
    %get3A_17 = arith.constant 1 : index
    %get3A_18 = arith.constant 0 : index
    %get3A_19 = arith.constant 0 : index
    %get3A_20 = vector.load %arg2[%get3A_17, %get3A_18, %get3A_19] : memref<2x2000x128xf32, #tpu.memory_space<vmem>>, vector<1x2000x128xf32>
    %get3A_21 = vector.shape_cast %get3A_20 : vector<1x2000x128xf32> to vector<2000x128xf32>
    %add3A_22 = arith.addf %get3A_16, %get3A_21 : vector<2000x128xf32>
    %concatenate3A = tpu.concatenate %add3A, %add3A_22 in 1 : vector<2000x128xf32>, vector<2000x128xf32> -> vector<2000x256xf32>
    %mul3A = vector.broadcast %get3A_1 : vector<2000x1xf32> to vector<2000x256xf32>
    %mul3A_23 = arith.mulf %concatenate3A, %mul3A : vector<2000x256xf32>
    %get3A_24 = arith.constant 0 : index
    %get3A_25 = arith.constant 0 : index
    %get3A_26 = vector.load %arg4[%get3A_24, %get3A_25] : memref<1x256xf32, #tpu.memory_space<vmem>>, vector<1x256xf32>
    %add3A_27 = vector.broadcast %get3A_26 : vector<1x256xf32> to vector<2000x256xf32>
    %add3A_28 = arith.addf %mul3A_23, %add3A_27 : vector<2000x256xf32>
    %max3A = arith.constant 0.000000e+00 : f32
    %max3A_29 = vector.broadcast %max3A : f32 to vector<2000x256xf32>
    %max3A_30 = arith.maximumf %add3A_28, %max3A_29 : vector<2000x256xf32>
    %get3A_31 = arith.constant 0 : index
    %get3A_32 = arith.constant 0 : index
    %get3A_33 = vector.load %arg5[%get3A_31, %get3A_32] : memref<256x64xf32, #tpu.memory_space<vmem>>, vector<256x64xf32>
    %dot_general3A = arith.constant dense<0.000000e+00> : vector<2000x64xf32>
    %dot_general3A_34 = tpu.matmul %max3A_30, %get3A_33, %dot_general3A {dimension_numbers = #tpu.dot_dimension_numbers<[1], [0], [0], [1], [0, 0, 1, 1], [], []>, transpose_lhs_hint = false} : vector<2000x256xf32>, vector<256x64xf32>, vector<2000x64xf32> -> vector<2000x64xf32>
    %mul3A_35 = vector.broadcast %get3A_1 : vector<2000x1xf32> to vector<2000x64xf32>
    %mul3A_36 = arith.mulf %dot_general3A_34, %mul3A_35 : vector<2000x64xf32>
    %jit3A = arith.constant 0 : i32
    %convert_element_type3A = arith.sitofp %jit3A : i32 to f32
    %pad3A = vector.broadcast %convert_element_type3A : f32 to vector<2000x64xf32>
    %pad3A_37 = tpu.concatenate %mul3A_36, %pad3A in 1 : vector<2000x64xf32>, vector<2000x64xf32> -> vector<2000x128xf32>
    %swap3A = arith.constant 0 : index
    %swap3A_38 = arith.constant 0 : index
    %swap3A_39 = vector.load %arg6[%swap3A, %swap3A_38] : memref<2000x128xf32, #tpu.memory_space<vmem>>, vector<2000x128xf32>
    tpu.vector_store %arg6[%swap3A, %swap3A_38], %pad3A_37 {strides = array<i32>} : memref<2000x128xf32, #tpu.memory_space<vmem>>, vector<2000x128xf32>,
    return
  }
  func.func @transform_0(%arg0: i32) -> (i32, i32, i32) {
    %c0_i32 = arith.constant 0 : i32
    %c0_i32_0 = arith.constant 0 : i32
    %c0_i32_1 = arith.constant 0 : i32
    return %c0_i32, %arg0, %c0_i32_0 : i32, i32, i32
  }
  func.func @transform_1(%arg0: i32) -> (i32, i32, i32) {
    %c0_i32 = arith.constant 0 : i32
    %c0_i32_0 = arith.constant 0 : i32
    %c0_i32_1 = arith.constant 0 : i32
    return %c0_i32, %arg0, %c0_i32_0 : i32, i32, i32
  }
  func.func @transform_2(%arg0: i32) -> (i32, i32) {
    %c0_i32 = arith.constant 0 : i32
    %c0_i32_0 = arith.constant 0 : i32
    return %arg0, %c0_i32 : i32, i32
  }
  func.func @transform_3(%arg0: i32) -> (i32, i32) {
    %c0_i32 = arith.constant 0 : i32
    %c0_i32_0 = arith.constant 0 : i32
    %c0_i32_1 = arith.constant 0 : i32
    return %c0_i32, %c0_i32_0 : i32, i32
  }
  func.func @transform_4(%arg0: i32) -> (i32, i32) {
    %c0_i32 = arith.constant 0 : i32
    %c0_i32_0 = arith.constant 0 : i32
    %c0_i32_1 = arith.constant 0 : i32
    return %c0_i32, %c0_i32_0 : i32, i32
  }
  func.func @transform_5(%arg0: i32) -> (i32, i32) {
    %c0_i32 = arith.constant 0 : i32
    %c0_i32_0 = arith.constant 0 : i32
    return %arg0, %c0_i32 : i32, i32
  }
}

module attributes {stable_mosaic.version = 14 : i64} {
  func.func @body(%arg0: i32, %arg1: memref<2x2000x128xf32, #tpu.memory_space<vmem>>, %arg2: memref<2000x128xf32, #tpu.memory_space<vmem>>, %arg3: memref<2000x1xf32, #tpu.memory_space<vmem>>, %arg4: memref<1x64xf32, #tpu.memory_space<vmem>>, %arg5: memref<2000x64xf32, #tpu.memory_space<vmem>>) attributes {dimension_semantics = [#tpu.dimension_semantics<arbitrary>], iteration_bounds = array<i64: 5>, scalar_prefetch = 0 : i64, scratch_operands = 0 : i64, tpu.core_type = #tpu.core_type<tc>, window_params = [{transform_indices = @transform_0, window_bounds = array<i64: 2, 2000, 128>}, {transform_indices = @transform_1, window_bounds = array<i64: 2000, 128>}, {transform_indices = @transform_2, window_bounds = array<i64: 2000, 1>}, {pipeline_mode = #tpu.pipeline_mode<synchronous>, transform_indices = @transform_3, window_bounds = array<i64: 1, 64>}, {transform_indices = @transform_4, window_bounds = array<i64: 2000, 64>}]} {
    %get3A = arith.constant 0 : index
    %get3A_0 = arith.constant 0 : index
    %get3A_1 = arith.constant 0 : index
    %get3A_2 = vector.load %arg1[%get3A, %get3A_0, %get3A_1] : memref<2x2000x128xf32, #tpu.memory_space<vmem>>, vector<1x2000x64xf32>
    %get3A_3 = vector.shape_cast %get3A_2 : vector<1x2000x64xf32> to vector<2000x64xf32>
    %get3A_4 = arith.constant 1 : index
    %get3A_5 = arith.constant 0 : index
    %get3A_6 = arith.constant 0 : index
    %get3A_7 = vector.load %arg1[%get3A_4, %get3A_5, %get3A_6] : memref<2x2000x128xf32, #tpu.memory_space<vmem>>, vector<1x2000x64xf32>
    %get3A_8 = vector.shape_cast %get3A_7 : vector<1x2000x64xf32> to vector<2000x64xf32>
    %add3A = arith.addf %get3A_3, %get3A_8 : vector<2000x64xf32>
    %get3A_9 = arith.constant 0 : index
    %get3A_10 = arith.constant 0 : index
    %get3A_11 = vector.load %arg2[%get3A_9, %get3A_10] : memref<2000x128xf32, #tpu.memory_space<vmem>>, vector<2000x64xf32>
    %add3A_12 = arith.addf %add3A, %get3A_11 : vector<2000x64xf32>
    %get3A_13 = arith.constant 0 : index
    %get3A_14 = arith.constant 0 : index
    %get3A_15 = vector.load %arg3[%get3A_13, %get3A_14] : memref<2000x1xf32, #tpu.memory_space<vmem>>, vector<2000x1xf32>
    %mul3A = vector.broadcast %get3A_15 : vector<2000x1xf32> to vector<2000x64xf32>
    %mul3A_16 = arith.mulf %add3A_12, %mul3A : vector<2000x64xf32>
    %get3A_17 = arith.constant 0 : index
    %get3A_18 = arith.constant 0 : index
    %get3A_19 = vector.load %arg4[%get3A_17, %get3A_18] : memref<1x64xf32, #tpu.memory_space<vmem>>, vector<1x64xf32>
    %add3A_20 = vector.broadcast %get3A_19 : vector<1x64xf32> to vector<2000x64xf32>
    %add3A_21 = arith.addf %mul3A_16, %add3A_20 : vector<2000x64xf32>
    %swap3A = arith.constant 0 : index
    %swap3A_22 = arith.constant 0 : index
    %swap3A_23 = vector.load %arg5[%swap3A, %swap3A_22] : memref<2000x64xf32, #tpu.memory_space<vmem>>, vector<2000x64xf32>
    tpu.vector_store %arg5[%swap3A, %swap3A_22], %add3A_21 {strides = array<i32>} : memref<2000x64xf32, #tpu.memory_space<vmem>>, vector<2000x64xf32>,
    return
  }
  func.func @transform_0(%arg0: i32) -> (i32, i32, i32) {
    %c0_i32 = arith.constant 0 : i32
    %c0_i32_0 = arith.constant 0 : i32
    %c0_i32_1 = arith.constant 0 : i32
    return %c0_i32, %arg0, %c0_i32_0 : i32, i32, i32
  }
  func.func @transform_1(%arg0: i32) -> (i32, i32) {
    %c0_i32 = arith.constant 0 : i32
    %c0_i32_0 = arith.constant 0 : i32
    return %arg0, %c0_i32 : i32, i32
  }
  func.func @transform_2(%arg0: i32) -> (i32, i32) {
    %c0_i32 = arith.constant 0 : i32
    %c0_i32_0 = arith.constant 0 : i32
    return %arg0, %c0_i32 : i32, i32
  }
  func.func @transform_3(%arg0: i32) -> (i32, i32) {
    %c0_i32 = arith.constant 0 : i32
    %c0_i32_0 = arith.constant 0 : i32
    %c0_i32_1 = arith.constant 0 : i32
    return %c0_i32, %c0_i32_0 : i32, i32
  }
  func.func @transform_4(%arg0: i32) -> (i32, i32) {
    %c0_i32 = arith.constant 0 : i32
    %c0_i32_0 = arith.constant 0 : i32
    return %arg0, %c0_i32 : i32, i32
  }
}

</mosaic_0001>

<sc_bundles>
// kernel: kernel.11.cloned.1.call-start
scs
__scs_entry_jumppad:
0x0: {  	(pc) =	sbr.rel $0x88, $3  }
0x1: {  	(tag) =	ssettag $0x0;
	lr =	simm.s32 $0x1  }
0x2: {  	[smem:$0x3F99] =	sst lr;
	_ =	strace $0xD0000000  }
0x3: {  	_ = 	snop  }
0x4: {  	_ = 	snop  }
0x5: {  	_ = 	snop  }
0x6: {  	_ = 	snop  }
0x7: {  	_ = 	snop  }
__scs_overlays_trampoline_lowered:
0x8: {  	[smem:$0x3FA8] =	sst s0  }
0x9: {  	[smem:$0x3FA9] =	sst s1  }
0xa: {  	[smem:$0x3FAA] =	sst s2  }
0xb: {  	[smem:$0x3FAB] =	sst s3  }
0xc: {  	[smem:$0x3FAC] =	sst s4  }
0xd: {  	[smem:$0x3FAD] =	sst s5  }
0xe: {  	[smem:$0x3FAE] =	sst s6  }
0xf: {  	[smem:$0x3FAF] =	sst s7  }
0x10: {  	[smem:$0x3FB0] =	sst s8  }
0x11: {  	[smem:$0x3FB1] =	sst s9;
	s0 =	simm.s32 @!p0 $0x0  }
0x12: {  	s1 =	sld [smem:$0x3F97];
	s0 =	simm.s32 @p0 $0x1  }
0x13: {  	[smem:$0x3FB2] =	sst s0;
	s0 =	simm.s32 @!p1 $0x0  }
0x14: {  	s2 =	sld [smem:$0x3F96];
	s0 =	simm.s32 @p1 $0x1  }
0x15: {  	[smem:$0x3FB3] =	sst s0;
	s0 =	simm.s32 @!p2 $0x0  }
0x16: {  	s3 =	sld [smem:$0x3FDB];
	s0 =	simm.s32 @p2 $0x1  }
0x17: {  	s4 =	simm.s32 $0x1BF5;
	[smem:$0x3FB5] =	sst s0  }
0x18: {  	s0 =	sld [smem:$0x3F98];
	_ =	swait.ge [sflag:s4], $0x0  }
0x19: {  	s7 =	sld [smem:$0x3F99]  }
0x1a: {  	s8 =	sadd.s32 $0xFFFFE003, lr  }
0x1b: {  	s9 =	sadd.s32 $0xFFFFFEF7, lr;
	s5 =	simm.s32 $0xFFFFFFFF;
	p2 =	slt.u32 s8, $0xFFFFF086  }
0x1c: {  	p1 =	slt.u32 s9, $0xF7A;
	s5 =	simm.s32 @!p2 $0x0  }
0x1d: {  	s5 =	simm.s32 @p1 $0x1;
	p0 =	seq.s32 s7, s2  }
0x1e: {  	s7 =	smul.u32 @!p0 $0xF7A, s2;
	p2 =	seq.s32 @!p0 s5, $0x0  }
0x1f: {  	s9 =	smul.u32 $0xF7A, s1;
	s8 =	simm.s32 @!p0 $0x1BF5;
	p2 =	por !p2, p0  }
0x20: {  	[sflag:s8] =	ssyncset.s32 @!p0 $0xFFFFF086;
	s6 =	sadd.s32 @!p0 s3, s7;
	s7 =	simm.s32 @!p0 $0x108  }
0x21: {  	s3 =	sadd.s32 s3, s9;
	s6 =	sadd.s32 @!p0 $0x88, s6;
	s7 =	simm.s32 @p2 $0x1082  }
0x22: {  	[simem:s7], [sflag:s8] =	dma.local @!p0 [hbm:s6], $0xF7A  }
0x23: {  	s9 =	sor.u32 $0xD0000000, s2;
	s6 =	simm.s32 $0x108;
	_ =	swait.ge @!p0 [sflag:s8], $0x0  }
0x24: {  	s3 =	sadd.s32 $0x88, s3;
	s6 =	simm.s32 @!p1 $0x1082;
	[sflag:s4] =	ssyncset.s32 $0xFFFFF086  }
0x25: {  	[simem:s6], [sflag:s4] =	dma.local [hbm:s3], $0xF7A  }
0x26: {  	[smem:$0x3F99] =	sst s1;
	(tag) =	ssettag s2;
	_ =	strace s9  }
0x27: {  	s1 =	sld [smem:$0x3FA9]  }
0x28: {  	s2 =	sld [smem:$0x3FAA]  }
0x29: {  	s4 =	sld [smem:$0x3FAC]  }
0x2a: {  	p0 =	seq.s32 s5, $0x0;
	s5 =	sld [smem:$0x3FAD]  }
0x2b: {  	s6 =	sld [smem:$0x3FAE]  }
0x2c: {  	s7 =	sld [smem:$0x3FAF]  }
0x2d: {  	s3 =	simm.s32 $0x108;
	s8 =	sld [smem:$0x3FB0]  }
0x2e: {  	s3 =	simm.s32 @!p0 $0x1082;
	s9 =	sld [smem:$0x3FB1]  }
0x2f: {  	lr =	sadd.s32 s0, s3;
	s0 =	sld [smem:$0x3FA8]  }
0x30: {  	s3 =	sld [smem:$0x3FAB]  }
0x31: {  	[smem:$0x3FB4] =	sst s10  }
0x32: {  	s10 =	sld [smem:$0x3FB2];
	_ =	sdelay $0x3  }
0x33: {  	p0 =	seq.s32 s10, $0x1;
	s10 =	sld [smem:$0x3FB4];
	_ =	sdelay $0x3  }
0x34: {  	[smem:$0x3FB4] =	sst s10  }
0x35: {  	s10 =	sld [smem:$0x3FB3];
	_ =	sdelay $0x3  }
0x36: {  	p1 =	seq.s32 s10, $0x1;
	s10 =	sld [smem:$0x3FB4];
	_ =	sdelay $0x3  }
0x37: {  	[smem:$0x3FB4] =	sst s10  }
0x38: {  	s10 =	sld [smem:$0x3FB5]  }
0x39: {  	_ = 	snop;
	(pc) =	sbr.ind lr, $3  }
0x3a: {  	_ = 	snop  }
0x3b: {  	_ = 	snop  }
0x3c: {  	p2 =	seq.s32 s10, $0x1;
	s10 =	sld [smem:$0x3FB4]  }
0x3d: {  	_ =	shalt  }
0x3e: {  	_ =	shalt  }
0x3f: {  	_ =	shalt  }
0x40: {  	_ =	shalt  }
0x41: {  	_ =	shalt  }
0x42: {  	_ =	shalt  }
0x43: {  	_ =	shalt  }
0x44: {  	_ =	shalt  }
0x45: {  	_ =	shalt  }
0x46: {  	_ =	shalt  }
0x47: {  	_ =	shalt  }
0x48: {  	_ =	shalt  }
0x49: {  	_ =	shalt  }
0x4a: {  	_ =	shalt  }
0x4b: {  	_ =	shalt  }
0x4c: {  	_ =	shalt  }
0x4d: {  	_ =	shalt  }
0x4e: {  	_ =	shalt  }
0x4f: {  	_ =	shalt  }
0x50: {  	_ =	shalt  }
0x51: {  	_ =	shalt  }
0x52: {  	_ =	shalt  }
0x53: {  	_ =	shalt  }
0x54: {  	_ =	shalt  }
0x55: {  	_ =	shalt  }
0x56: {  	_ =	shalt  }
0x57: {  	_ =	shalt  }
0x58: {  	_ =	shalt  }
0x59: {  	_ =	shalt  }
0x5a: {  	_ =	shalt  }
0x5b: {  	_ =	shalt  }
0x5c: {  	_ =	shalt  }
0x5d: {  	_ =	shalt  }
0x5e: {  	_ =	shalt  }
0x5f: {  	_ =	shalt  }
0x60: {  	_ =	shalt  }
0x61: {  	_ =	shalt  }
0x62: {  	_ =	shalt  }
0x63: {  	_ =	shalt  }
0x64: {  	_ =	shalt  }
0x65: {  	_ =	shalt  }
0x66: {  	_ =	shalt  }
0x67: {  	_ =	shalt  }
0x68: {  	_ =	shalt  }
0x69: {  	_ =	shalt  }
0x6a: {  	_ =	shalt  }
0x6b: {  	_ =	shalt  }
0x6c: {  	_ =	shalt  }
0x6d: {  	_ =	shalt  }
0x6e: {  	_ =	shalt  }
0x6f: {  	_ =	shalt  }
0x70: {  	_ =	shalt  }
0x71: {  	_ =	shalt  }
0x72: {  	_ =	shalt  }
0x73: {  	_ =	shalt  }
0x74: {  	_ =	shalt  }
0x75: {  	_ =	shalt  }
0x76: {  	_ =	shalt  }
0x77: {  	_ =	shalt  }
0x78: {  	_ =	shalt  }
0x79: {  	_ =	shalt  }
0x7a: {  	_ =	shalt  }
0x7b: {  	_ =	shalt  }
0x7c: {  	_ =	shalt  }
0x7d: {  	_ =	shalt  }
0x7e: {  	_ =	shalt  }
0x7f: {  	_ =	shalt  }
0x80: {  	_ =	shalt  }
0x81: {  	_ =	shalt  }
0x82: {  	_ =	shalt  }
0x83: {  	_ =	shalt  }
0x84: {  	_ =	shalt  }
0x85: {  	_ =	shalt  }
0x86: {  	_ =	shalt  }
0x87: {  	_ =	shalt  }
.Lfunc_end0:
.L_simem_size_0:
called_computation_lowered:
.L_overlay_start_0:
0x88: {  	s2 =	sld [smem:$0x3FD9]  }
0x89: {  	s3 =	sld [smem:$0x3FFE];
	_ =	sdelay $0x1  }
0x8a: {  	s1 =	srdreg.scid  }
0x8b: {  	s0 =	sand.u32 $0x1, s1  }
0x8c: {  	s17 =	sshll.u32 s0, $0xA;
	s2 =	sadd.s32 s3, s2  }
0x8d: {  	s2 =	sadd.s32 s2, s17  }
0x8e: {  	[smem:$0x3FC0] =	sst s2  }
0x8f: {  	_ = 	snop  }
0x90: {  	s2 =	sld [smem:$0x3FD0];
	(tm) =	ssettm $0x1  }
0x91: {  	s18 =	sld [smem:$0x3FFB];
	_ =	sdelay $0x3  }
0x92: {  	_ =	strace s18  }
0x93: {  	s3 =	sld [smem:$0x3FFC];
	_ =	sdelay $0x3  }
0x94: {  	_ =	strace s3  }
0x95: {  	s3 =	sld [smem:$0x3FFD];
	_ =	sdelay $0x3  }
0x96: {  	_ =	strace s3  }
0x97: {  	_ =	strace $0x8FFFFFFF  }
0x98: {  	s19 =	sld [smem:$0x3FDB];
	_ =	sdelay $0x1  }
0x99: {  	s4 =	simm.s32 $_scs_section_size  }
0x9a: {  	s5 =	simm.s32 $_size__tile_overlayer_lowered;
	s6 =	simm.s32 $_tile_overlayer_lowered  }
0x9b: {  	s22 =	simm.s32 $0x1BFF;
	s21 =	sshll.u32 s6, $0x1;
	s3 =	sadd.s32 s4, s19  }
0x9c: {  	s7 =	simm.s32 $0x0;
	s20 =	sshll.u32 s5, $0x1;
	s5 =	sadd.s32 s21, s3  }
0x9d: {  	[timem:s7], [sflag:s22] =	dma.local [hbm:s5], s20  }
0x9e: {  	_ =	swait.ge [sflag:s22], s20  }
0x9f: {  	s4 =	ssub.s32 $0x0, s20;
	[sflag:s22] =	ssyncset.done $0x0  }
0xa0: {  	[sflag:s22] =	ssyncadd.s32 s4;
	_ =	sdelay $0x1  }
0xa1: {  	s23 =	simm.s32 $0x1B8B  }
0xa2: {  	_ =	swait.ge [sflag:s23], $0x1  }
0xa3: {  	[sflag:s23] =	ssyncset.done $0x0  }
0xa4: {  	s25 =	simm.s32 $0x1B8E;
	s24 =	sld [smem:$0x3FFE];
	[sflag:s23] =	ssyncadd.s32 $0xFFFFFFFF  }
0xa5: {  	s26 =	simm.s32 $execute0_lowered;
	[smem:$0x3FD2] =	sst s25  }
0xa6: {  	s5 =	sshll.u32 s26, $0x1;
	_ =	strace $0x80000046;
	[dreg:$0x1] =	wrdreg $0xFFFFFFFF  }
0xa7: {  	s28 =	simm.s32 $_size_execute0_lowered;
	s3 =	sadd.s32 s3, s5;
	[dreg:$0x0] =	wrdreg $0x0  }
0xa8: {  	s5 =	sshll.u32 s28, $0x1;
	[dreg:$0x2] =	wrdreg s3  }
0xa9: {  	[dreg:$0x3] =	wrdreg s5  }
0xaa: {  	[dreg:$0x4] =	wrdreg $0xC0  }
0xab: {  	_ =	task [dreg:s7], $0x5FFFF  }
0xac: {  	[dreg:$0x1] =	wrdreg $0xFFFFFFFF  }
0xad: {  	[dreg:$0x0] =	wrdreg $0x60  }
0xae: {  	[dreg:$0x2] =	wrdreg s2  }
0xaf: {  	[dreg:$0x3] =	wrdreg s24  }
0xb0: {  	[dreg:$0x4] =	wrdreg $0x29800  }
0xb1: {  	[dreg:$0x5] =	wrdreg $0x9  }
0xb2: {  	_ =	task.clear_ibuf [dreg:s7], $0x6FFFF;
	_ =	strace $0x90000046  }
0xb3: {  	s29 =	simm.s32 $0x9;
	_ =	strace $0x80000048  }
0xb4: {  	_ =	swait.ge [sflag:s29], $0x1  }
0xb5: {  	[sflag:s29] =	ssyncadd.s32 $0xFFFFFFFF  }
0xb6: {  	_ =	strace $0x90000048  }
0xb7: {  	_ =	sfence  }
0xb8: {  	s30 =	sld [smem:$0x0];
	_ =	sdelay $0x2  }
0xb9: {  	s31 =	sshll.u32 s1, $0xD;
	s1 =	sshrl.u32 s1, $0x2  }
0xba: {  	s3 =	sand.u32 $0x4000, s31;
	s1 =	sadd.s32 s1, s30  }
0xbb: {  	s0 =	sor.u32 s3, s0;
	s1 =	sshll.u32 s1, $0x11  }
0xbc: {  	s0 =	sor.u32 s1, s0  }
0xbd: {  	s0 =	sadd.s32 $0x8F2B, s0  }
0xbe: {  	[sflag:s0] =	ssyncadd.remote.s32 $0x1  }
0xbf: {  	_ =	sfence.sel $0xFFFF  }
0xc0: {  	[dreg:$0x0] =	wrdreg $0xFFFFFFFF;
	(pc) =	sbr.abs _section_cstart, $3  }
0xc1: {  	[dreg:$0x1] =	wrdreg $0xFFFFFFFF  }
0xc2: {  	_ =	task.clear_ibuf [dreg:s7], $0x2FFFF;
	_ =	strace $0x9FFFFFFF  }
0xc3: {  	(tm) =	ssettm $0x7FFFFFFF  }
tec
execute0_lowered:
.L_overlay_start_1:
0x0: {  	(tag) =	ssettag $0x1  }
0x1: {  	s2 =	rddreg [dreg:$0x0]  }
0x2: {  	s7 =	rddreg [dreg:$0x1]  }
0x3: {  	s3 =	rddreg [dreg:$0x2];
	s0 =	stileid.u32  }
0x4: {  	s5 =	srdreg.scid;
	s4 =	simm.s32 $0x0;
	s16 =	simm.s32 $0x3  }
0x5: {  	s17 =	simm.s32 $0x1580;
	s18 =	simm.s32 $0x80;
	s19 =	simm.s32 $0x28  }
0x6: {  	s20 =	simm.s32 $0x2;
	s21 =	simm.s32 $0x1;
	s6 =	smul.u32 $0x50, s0  }
0x7: {  	s22 =	simm.s32 $0x0;
	s8 =	sand.u32 $0x1, s5;
	s10 =	smul.u32 $0x2710, s0  }
0x8: {  	[smem:$0x7FF] =	sst s4;
	s5 =	sadd.s32 $0x3400, s7;
	s15 =	smul.u32 $0x2800, s0  }
0x9: {  	s9 =	smul.u32 $0x27100, s8;
	_ =	strace $0x80000047;
	s8 =	ssub.s32 $0x2, s8  }
0xa: {  	s11 =	sadd.s32 s6, s7;
	s6 =	sadd.s32 $0x3000, s7;
	s29 =	sshrl.u32 s8, $0x1  }
0xb: {  	s14 =	sadd.s32 s9, s7;
	s12 =	sadd.s32 s10, s9;
	s30 =	ssub.s32 s8, s29  }
0xc: {  	s7 =	sshll.u32 s0, $0x4;
	s11 =	sadd.s32 $0x2A00, s11;
	s31 =	sshrl.u32 s12, $0x3  }
0xd: {  	s9 =	smax.u32 s30, $0x1;
	s10 =	sadd.s32 $0x26E8, s12;
	s13 =	sadd.s32 $0x28, s12  }
0xe: {  	s12 =	sadd.s32 $0x50, s12;
	s14 =	sadd.s32 s15, s14;
	s15 =	simm.s32 $0x180  }
0xf: {  	s8 =	sadd.s32 s2, s31;
	s10 =	sshrl.u32 s10, $0x3;
	s13 =	sshrl.u32 s13, $0x3  }
0x10: {  	s14 =	sadd.s32 $0x3800, s14;
	s10 =	sadd.s32 s2, s10;
	s13 =	sadd.s32 s13, s2  }
.LBB2_1:
0x11: {  	[tilespmem:s15], [sflag:$0x3] =	stream.linear.gather [hbm4b:s5+s4], $0x1400, $0x38;
	[tilespmem:$0x16200] =	vst v63  }
0x12: {  	_ =	swait.ge [sflag:s16], $0x1400  }
0x13: {  	[sflag:s16] =	ssyncset.done $0x0  }
0x14: {  	s23 =	sadd.s32 $0x0, s7;
	[sflag:s16] =	ssyncadd.s32 $0xFFFFEC00  }
0x15: {  	[tilespmem:s17], [sflag:$0x3] =	stream.linear.gather [hbm4b:s6+s4], $0x1400, $0x38;
	[tilespmem:$0x16200] =	vst v63  }
0x16: {  	p1 =	sgt.u32 s23, $0xF9;
	_ =	swait.ge [sflag:s16], $0x1400  }
0x17: {  	p0 =	por p1, p1;
	s23 =	simm.s32 @!p1 $0x0;
	[sflag:s16] =	ssyncset.done $0x0  }
0x18: {  	s24 =	simm.s32 @!p1 $0x100;
	s25 =	simm.s32 @!p0 $0x4;
	[sflag:s16] =	ssyncadd.s32 $0xFFFFEC00  }
0x19: {  	[tilespmem:s24], [sflag:$0x4] =	stream.linear.gather @!p0 [hbm4b:s11+s23], $0x28, $0x38;
	[tilespmem:$0x16200] =	vst v63  }
0x1a: {  	_ =	swait.ge @!p0 [sflag:s25], $0x28  }
0x1b: {  	s31 =	sadd.s32 $0x1, s7;
	[sflag:s25] =	ssyncset.done @!p0 $0x0  }
0x1c: {  	s23 =	simm.s32 @!p0 $0x28;
	[sflag:s25] =	ssyncadd.s32 @!p0 $0xFFFFFFD8;
	s25 =	simm.s32 @!p0 $0x1580  }
0x1d: {  	[spmem:s3] =	stream.indirect.scatter @!p0 [tilespmem:s25], [sflag:$0x3], $0x80, s24, s23, $0xb8;
	[tilespmem:$0x16200] =	vst v63  }
0x1e: {  	p1 =	sgt.u32 s31, $0xF9;
	s25 =	simm.s32 @!p0 $0x3  }
0x1f: {  	s24 =	simm.s32 $0x2;
	s23 =	sadd.s32 $0x5, s11;
	_ =	swait.ge @!p0 [sflag:s25], $0x1400  }
.LBB2_2:
0x20: {  	s26 =	simm.s32 @!p1 $0x0  }
0x21: {  	s28 =	simm.s32 @!p1 $0x100;
	[sflag:s25] =	ssyncset.done @!p0 $0x0;
	s29 =	smov.u32 s24  }
0x22: {  	p2 =	por p0, p0;
	p0 =	por p1, p1;
	s24 =	sadd.s32 $0x1, s24  }
0x23: {  	s30 =	simm.s32 @!p0 $0x4;
	[sflag:s25] =	ssyncadd.s32 @!p2 $0xFFFFEC00;
	p2 =	sne.s32 s24, $0x10  }
0x24: {  	[tilespmem:s28], [sflag:$0x4] =	stream.linear.gather @!p0 [hbm4b:s23+s26], $0x28, $0x38;
	[tilespmem:$0x16200] =	vst v63  }
.Ltmp0:
0x25: {  	_ =	swait.ge @!p0 [sflag:s30], $0x28;
	(pc) =	sbr.rel @p2 .LBB2_2-.Ltmp0, $4  }
0x26: {  	s25 =	simm.s32 @!p0 $0x3;
	s26 =	sadd.s32 s29, s7;
	[sflag:s30] =	ssyncset.done @!p0 $0x0  }
0x27: {  	s29 =	simm.s32 @!p0 $0x28;
	[sflag:s30] =	ssyncadd.s32 @!p0 $0xFFFFFFD8;
	s30 =	simm.s32 @!p0 $0x1580  }
0x28: {  	[spmem:s3] =	stream.indirect.scatter @!p0 [tilespmem:s30], [sflag:$0x3], $0x80, s28, s29, $0xb8;
	[tilespmem:$0x16200] =	vst v63  }
0x29: {  	s23 =	sadd.s32 $0x5, s23;
	p1 =	sgt.u32 s26, $0xF9;
	_ =	swait.ge @!p0 [sflag:s25], $0x1400  }
0x2a: {  	s24 =	simm.s32 @!p1 $0x0  }
0x2b: {  	[sflag:s25] =	ssyncset.done @!p0 $0x0;
	p0 =	por p0, p0;
	p2 =	por p1, p1  }
0x2c: {  	s26 =	simm.s32 @!p1 $0x100;
	s28 =	simm.s32 @!p2 $0x4;
	[sflag:s25] =	ssyncadd.s32 @!p0 $0xFFFFEC00  }
0x2d: {  	[tilespmem:s26], [sflag:$0x4] =	stream.linear.gather @!p2 [hbm4b:s23+s24], $0x28, $0x38;
	[tilespmem:$0x16200] =	vst v63  }
0x2e: {  	_ =	swait.ge @!p2 [sflag:s28], $0x28  }
0x2f: {  	s25 =	simm.s32 @!p2 $0x1580;
	[sflag:s28] =	ssyncset.done @!p2 $0x0  }
0x30: {  	s23 =	simm.s32 @!p2 $0x3;
	s24 =	simm.s32 @!p2 $0x28;
	[sflag:s28] =	ssyncadd.s32 @!p2 $0xFFFFFFD8  }
0x31: {  	[spmem:s3] =	stream.indirect.scatter @!p2 [tilespmem:s25], [sflag:$0x3], $0x80, s26, s24, $0xb8;
	[tilespmem:$0x16200] =	vst v63  }
0x32: {  	_ =	swait.ge @!p2 [sflag:s23], $0x1400  }
0x33: {  	p0 =	por p2, p2;
	[sflag:s23] =	ssyncset.done @!p2 $0x0  }
0x34: {  	[sflag:s23] =	ssyncadd.s32 @!p0 $0xFFFFEC00  }
0x35: {  	s29 =	simm.s32 $0x0;
	[bflag:$0x0] =	sbarrier.arrive $0xFFFF  }
0x36: {  	[tilespmem:s29], [sflag:$0x3] =	stream.linear.gather [hbm4b:s8+s29], $0x28, $0x38;
	[tilespmem:$0x16200] =	vst v63  }
0x37: {  	_ =	swait.ge [sflag:s16], $0x28  }
0x38: {  	[sflag:s16] =	ssyncset.done $0x0  }
0x39: {  	s30 =	sadd.s32 $0x0, s13;
	[sflag:s16] =	ssyncadd.s32 $0xFFFFFFD8  }
0x3a: {  	[tilespmem:s18], [sflag:$0x2] =	stream.linear.gather [hbm4b:s30+s4], $0x28, $0x38;
	[tilespmem:$0x16200] =	vst v63  }
0x3b: {  	_ = 	snop  }
0x3c: {  	[spmem:s3] =	stream.indirect.scatter.add.f32 [tilespmem:s15], [sflag:$0x3], $0x80, s4, s19, $0xb8;
	[tilespmem:$0x16200] =	vst v63  }
0x3d: {  	_ =	swait.ge [sflag:s16], $0x1400  }
0x3e: {  	s31 =	sshrl.u32 s12, $0x3;
	[sflag:s16] =	ssyncset.done $0x0  }
0x3f: {  	s23 =	sadd.s32 s2, s31;
	[sflag:s16] =	ssyncadd.s32 $0xFFFFEC00  }
0x40: {  	[tilespmem:s4], [sflag:$0x1] =	stream.linear.gather [hbm4b:s23+s4], $0x28, $0x38;
	[tilespmem:$0x16200] =	vst v63  }
0x41: {  	_ =	swait.ge [sflag:s20], $0x28  }
0x42: {  	[sflag:s20] =	ssyncset.done $0x0  }
0x43: {  	[sflag:s20] =	ssyncadd.s32 $0xFFFFFFD8  }
0x44: {  	[spmem:s3] =	stream.indirect.scatter.add.f32 [tilespmem:s15], [sflag:$0x3], $0x80, s18, s19, $0xb8;
	[tilespmem:$0x16200] =	vst v63  }
0x45: {  	_ =	swait.ge [sflag:s16], $0x1400  }
0x46: {  	[sflag:s16] =	ssyncset.done $0x0  }
0x47: {  	[sflag:s16] =	ssyncadd.s32 $0xFFFFEC00  }
0x48: {  	s24 =	simm.s32 $0xA;
	_ =	swait.ge [sflag:s21], $0x28  }
0x49: {  	s25 =	simm.s32 $0x14;
	s23 =	sadd.s32 $0x50, s12;
	[sflag:s21] =	ssyncset.done $0x0  }
.LBB2_4:
0x4a: {  	s26 =	sadd.s32 s24, s13  }
0x4b: {  	[sflag:s21] =	ssyncadd.s32 $0xFFFFFFD8;
	s24 =	smov.u32 s25;
	s28 =	sadd.s32 $0xA, s25  }
0x4c: {  	[tilespmem:s18], [sflag:$0x2] =	stream.linear.gather [hbm4b:s26+s4], $0x28, $0x38;
	[tilespmem:$0x16200] =	vst v63  }
0x4d: {  	p0 =	sne.s32 s25, $0x4CE  }
0x4e: {  	[spmem:s3] =	stream.indirect.scatter.add.f32 [tilespmem:s15], [sflag:$0x3], $0x80, s4, s19, $0xb8;
	[tilespmem:$0x16200] =	vst v63  }
0x4f: {  	_ =	swait.ge [sflag:s16], $0x1400  }
0x50: {  	s25 =	sshrl.u32 s23, $0x3;
	[sflag:s16] =	ssyncset.done $0x0  }
0x51: {  	s25 =	sadd.s32 s2, s25;
	[sflag:s16] =	ssyncadd.s32 $0xFFFFEC00  }
0x52: {  	[tilespmem:s4], [sflag:$0x1] =	stream.linear.gather [hbm4b:s25+s4], $0x28, $0x38;
	[tilespmem:$0x16200] =	vst v63  }
0x53: {  	_ =	swait.ge [sflag:s20], $0x28  }
0x54: {  	[sflag:s20] =	ssyncset.done $0x0  }
0x55: {  	[sflag:s20] =	ssyncadd.s32 $0xFFFFFFD8  }
0x56: {  	[spmem:s3] =	stream.indirect.scatter.add.f32 [tilespmem:s15], [sflag:$0x3], $0x80, s18, s19, $0xb8;
	[tilespmem:$0x16200] =	vst v63  }
.Ltmp1:
0x57: {  	_ =	swait.ge [sflag:s16], $0x1400;
	(pc) =	sbr.rel @p0 .LBB2_4-.Ltmp1, $4  }
0x58: {  	[sflag:s16] =	ssyncset.done $0x0  }
0x59: {  	[sflag:s16] =	ssyncadd.s32 $0xFFFFEC00  }
0x5a: {  	_ =	swait.ge [sflag:s21], $0x28  }
0x5b: {  	s23 =	sadd.s32 $0x50, s23;
	s25 =	smov.u32 s28;
	[sflag:s21] =	ssyncset.done $0x0  }
0x5c: {  	s24 =	sadd.s32 s24, s13;
	[sflag:s21] =	ssyncadd.s32 $0xFFFFFFD8  }
0x5d: {  	[tilespmem:s18], [sflag:$0x2] =	stream.linear.gather [hbm4b:s24+s4], $0x28, $0x38;
	[tilespmem:$0x16200] =	vst v63  }
0x5e: {  	_ = 	snop  }
0x5f: {  	[spmem:s3] =	stream.indirect.scatter.add.f32 [tilespmem:s15], [sflag:$0x3], $0x80, s4, s19, $0xb8;
	[tilespmem:$0x16200] =	vst v63  }
0x60: {  	_ =	swait.ge [sflag:s16], $0x1400  }
0x61: {  	s23 =	sshrl.u32 s23, $0x3;
	[sflag:s16] =	ssyncset.done $0x0  }
0x62: {  	s23 =	sadd.s32 s2, s23;
	[sflag:s16] =	ssyncadd.s32 $0xFFFFEC00  }
0x63: {  	[tilespmem:s4], [sflag:$0x1] =	stream.linear.gather [hbm4b:s23+s4], $0x28, $0x38;
	[tilespmem:$0x16200] =	vst v63  }
0x64: {  	_ =	swait.ge [sflag:s20], $0x28  }
0x65: {  	[sflag:s20] =	ssyncset.done $0x0  }
0x66: {  	[sflag:s20] =	ssyncadd.s32 $0xFFFFFFD8  }
0x67: {  	[spmem:s3] =	stream.indirect.scatter.add.f32 [tilespmem:s15], [sflag:$0x3], $0x80, s18, s19, $0xb8;
	[tilespmem:$0x16200] =	vst v63  }
0x68: {  	_ =	swait.ge [sflag:s16], $0x1400  }
0x69: {  	[sflag:s16] =	ssyncset.done $0x0  }
0x6a: {  	[sflag:s16] =	ssyncadd.s32 $0xFFFFEC00  }
0x6b: {  	_ =	swait.ge [sflag:s21], $0x28  }
0x6c: {  	[sflag:s21] =	ssyncset.done $0x0  }
0x6d: {  	s29 =	simm.s32 $0x0;
	[sflag:s21] =	ssyncadd.s32 $0xFFFFFFD8  }
0x6e: {  	[tilespmem:s18], [sflag:$0x2] =	stream.linear.gather [hbm4b:s10+s29], $0x28, $0x38;
	[tilespmem:$0x16200] =	vst v63  }
0x6f: {  	_ = 	snop  }
0x70: {  	[spmem:s3] =	stream.indirect.scatter.add.f32 [tilespmem:s15], [sflag:$0x3], $0x80, s29, s19, $0xb8;
	[tilespmem:$0x16200] =	vst v63  }
0x71: {  	_ =	swait.ge [sflag:s16], $0x1400  }
0x72: {  	[sflag:s16] =	ssyncset.done $0x0  }
0x73: {  	[sflag:s16] =	ssyncadd.s32 $0xFFFFEC00  }
0x74: {  	_ =	swait.ge [sflag:s20], $0x28  }
0x75: {  	[sflag:s20] =	ssyncset.done $0x0  }
0x76: {  	[sflag:s20] =	ssyncadd.s32 $0xFFFFFFD8  }
0x77: {  	[spmem:s3] =	stream.indirect.scatter.add.f32 [tilespmem:s15], [sflag:$0x3], $0x80, s18, s19, $0xb8;
	[tilespmem:$0x16200] =	vst v63  }
0x78: {  	s30 =	sadd.s32 $0x0, s7;
	_ =	swait.ge [sflag:s16], $0x1400  }
0x79: {  	p0 =	sgt.u32 s30, $0xF9;
	[sflag:s16] =	ssyncset.done $0x0  }
0x7a: {  	s24 =	simm.s32 @!p0 $0x100;
	[sflag:s16] =	ssyncadd.s32 $0xFFFFEC00  }
0x7b: {  	s25 =	simm.s32 @!p0 $0x4;
	s23 =	simm.s32 @!p0 $0x0;
	[bflag:$0x0] =	sbarrier.arrive $0xFFFF  }
0x7c: {  	[tilespmem:s24], [sflag:$0x4] =	stream.linear.gather @!p0 [hbm4b:s11+s23], $0x28, $0x38;
	[tilespmem:$0x16200] =	vst v63  }
0x7d: {  	_ =	swait.ge @!p0 [sflag:s25], $0x28;
	p0 =	por p0, p0  }
0x7e: {  	[sflag:s25] =	ssyncset.done @!p0 $0x0  }
0x7f: {  	s26 =	simm.s32 @!p0 $0x28;
	s28 =	simm.s32 @!p0 $0x1580;
	[sflag:s25] =	ssyncadd.s32 @!p0 $0xFFFFFFD8  }
0x80: {  	[tilespmem:s28], [sflag:$0x4] =	stream.indirect.gather @!p0 [spmem:s3], $0x80, s24, s26, $0xb8;
	[tilespmem:$0x16200] =	vst v63  }
0x81: {  	s31 =	sadd.s32 $0x1, s7;
	_ =	swait.ge @!p0 [sflag:s25], $0x1400  }
0x82: {  	p1 =	sgt.u32 s31, $0xF9;
	[sflag:s25] =	ssyncset.done @!p0 $0x0  }
0x83: {  	s24 =	simm.s32 $0x2;
	s26 =	simm.s32 @!p0 $0x3;
	[sflag:s25] =	ssyncadd.s32 @!p0 $0xFFFFEC00  }
0x84: {  	[hbm4b:s14+s23] =	stream.linear.scatter @!p0 [tilespmem:s28], [sflag:$0x3], $0x1400, $0x38;
	[tilespmem:$0x16200] =	vst v63  }
0x85: {  	s25 =	sadd.s32 $0x5, s11;
	s23 =	sadd.s32 $0x280, s14;
	_ =	swait.ge @!p0 [sflag:s26], $0x1400  }
.LBB2_6:
0x86: {  	s28 =	simm.s32 @!p1 $0x0;
	s29 =	simm.s32 @!p1 $0x100  }
0x87: {  	[sflag:s26] =	ssyncset.done @!p0 $0x0;
	s30 =	smov.u32 s24;
	s31 =	smov.u32 s23  }
0x88: {  	s24 =	sadd.s32 $0x1, s24;
	s0 =	simm.s32 @!p1 $0x4;
	[sflag:s26] =	ssyncadd.s32 @!p0 $0xFFFFEC00  }
0x89: {  	[tilespmem:s29], [sflag:$0x4] =	stream.linear.gather @!p1 [hbm4b:s25+s28], $0x28, $0x38;
	[tilespmem:$0x16200] =	vst v63  }
0x8a: {  	p2 =	sne.s32 s24, $0x10;
	p0 =	por p1, p1;
	_ =	swait.ge @!p1 [sflag:s0], $0x28  }
0x8b: {  	[sflag:s0] =	ssyncset.done @!p0 $0x0  }
0x8c: {  	s26 =	simm.s32 @!p0 $0x28;
	s1 =	simm.s32 @!p0 $0x1580;
	[sflag:s0] =	ssyncadd.s32 @!p0 $0xFFFFFFD8  }
0x8d: {  	[tilespmem:s1], [sflag:$0x4] =	stream.indirect.gather @!p0 [spmem:s3], $0x80, s29, s26, $0xb8;
	[tilespmem:$0x16200] =	vst v63  }
.Ltmp2:
0x8e: {  	_ =	swait.ge @!p0 [sflag:s0], $0x1400;
	(pc) =	sbr.rel @p2 .LBB2_6-.Ltmp2, $4  }
0x8f: {  	s23 =	sadd.s32 $0x280, s23;
	[sflag:s0] =	ssyncset.done @!p0 $0x0  }
0x90: {  	s29 =	sadd.s32 s30, s7;
	s26 =	simm.s32 @!p0 $0x3;
	[sflag:s0] =	ssyncadd.s32 @!p0 $0xFFFFEC00  }
0x91: {  	[hbm4b:s31+s28] =	stream.linear.scatter @!p0 [tilespmem:s1], [sflag:$0x3], $0x1400, $0x38;
	[tilespmem:$0x16200] =	vst v63  }
0x92: {  	s25 =	sadd.s32 $0x5, s25;
	p1 =	sgt.u32 s29, $0xF9;
	_ =	swait.ge @!p0 [sflag:s26], $0x1400  }
0x93: {  	s0 =	simm.s32 @!p1 $0x0;
	[sflag:s26] =	ssyncset.done @!p0 $0x0  }
0x94: {  	s1 =	simm.s32 @!p1 $0x100;
	s24 =	simm.s32 @!p1 $0x4;
	[sflag:s26] =	ssyncadd.s32 @!p0 $0xFFFFEC00  }
0x95: {  	[tilespmem:s1], [sflag:$0x4] =	stream.linear.gather @!p1 [hbm4b:s25+s0], $0x28, $0x38;
	[tilespmem:$0x16200] =	vst v63  }
0x96: {  	p0 =	por p1, p1;
	_ =	swait.ge @!p1 [sflag:s24], $0x28  }
0x97: {  	[sflag:s24] =	ssyncset.done @!p0 $0x0  }
0x98: {  	s25 =	simm.s32 @!p0 $0x28;
	s26 =	simm.s32 @!p0 $0x1580;
	[sflag:s24] =	ssyncadd.s32 @!p0 $0xFFFFFFD8  }
0x99: {  	[tilespmem:s26], [sflag:$0x4] =	stream.indirect.gather @!p0 [spmem:s3], $0x80, s1, s25, $0xb8;
	[tilespmem:$0x16200] =	vst v63  }
0x9a: {  	s22 =	sadd.s32 $0x1, s22;
	_ =	swait.ge @!p0 [sflag:s24], $0x1400  }
0x9b: {  	p1 =	sne.s32 s22, s9;
	[sflag:s24] =	ssyncset.done @!p0 $0x0  }
.Ltmp3:
0x9c: {  	s1 =	simm.s32 @!p0 $0x3;
	[sflag:s24] =	ssyncadd.s32 @!p0 $0xFFFFEC00;
	(pc) =	sbr.rel @p1 .LBB2_1-.Ltmp3, $4  }
0x9d: {  	[hbm4b:s23+s0] =	stream.linear.scatter @!p0 [tilespmem:s26], [sflag:$0x3], $0x1400, $0x38;
	[tilespmem:$0x16200] =	vst v63  }
0x9e: {  	_ =	swait.ge @!p0 [sflag:s1], $0x1400  }
0x9f: {  	[sflag:s1] =	ssyncset.done @!p0 $0x0  }
0xa0: {  	[sflag:s1] =	ssyncadd.s32 @!p0 $0xFFFFEC00  }
0xa1: {  	_ =	sfence.sel $0x180000  }
0xa2: {  	[bflag:$0x0] =	sbarrier.arrive $0xFFFF  }
0xa3: {  	_ =	strace $0x90000047  }
0xa4: {  	s0 =	stileid.u32;
	[bflag:$0x2] =	sbarrier.arrive $0xFFFF  }
0xa5: {  	p0 =	sne.s32 s0, $0x0;
	s0 =	rddreg [dreg:$0x3]  }
0xa6: {  	s0 =	sadd.s32 @!p0 $0x100000, s0  }
0xa7: {  	[sflag:s0] =	ssyncadd.tile.s32 @!p0 $0x1;
	_ =	shalt  }
.Lfunc_end2:
_tile_overlayer_lowered:
.L_overlay_start_2:
0xa8: {  	(tag) =	ssettag $0x2  }
0xa9: {  	s0 =	rddreg [dreg:$0x0];
	s2 =	stileid.u32  }
0xaa: {  	s1 =	rddreg [dreg:$0x1];
	p0 =	sne.s32 s2, $0x0  }
0xab: {  	s3 =	rddreg [dreg:$0x2];
	[bflag:$0x3] =	sbarrier.arrive $0xFFFF;
	s2 =	simm.s32 @!p0 $0x1C03  }
0xac: {  	[timem:s3], [sflag:s2] =	dma.local @!p0 [hbm:s0], s1  }
0xad: {  	s0 =	simm.s32 @!p0 $0x3  }
0xae: {  	_ =	swait.ge @!p0 [sflag:s0], s1  }
0xaf: {  	s1 =	ssub.s32 @!p0 $0x0, s1;
	[sflag:s0] =	ssyncset.done @!p0 $0x0  }
0xb0: {  	[sflag:s0] =	ssyncadd.s32 @!p0 s1  }
0xb1: {  	[bflag:$0x3] =	sbarrier.arrive $0xFFFF  }
0xb2: {  	_ =	shalt  }

// kernel: kernel.14.cloned.1.call-start
scs
__scs_entry_jumppad:
0x0: {  	(pc) =	sbr.rel $0x88, $3  }
0x1: {  	(tag) =	ssettag $0x0;
	lr =	simm.s32 $0x1  }
0x2: {  	[smem:$0x3F99] =	sst lr;
	_ =	strace $0xD0000000  }
0x3: {  	_ = 	snop  }
0x4: {  	_ = 	snop  }
0x5: {  	_ = 	snop  }
0x6: {  	_ = 	snop  }
0x7: {  	_ = 	snop  }
__scs_overlays_trampoline_lowered:
0x8: {  	[smem:$0x3FA8] =	sst s0  }
0x9: {  	[smem:$0x3FA9] =	sst s1  }
0xa: {  	[smem:$0x3FAA] =	sst s2  }
0xb: {  	[smem:$0x3FAB] =	sst s3  }
0xc: {  	[smem:$0x3FAC] =	sst s4  }
0xd: {  	[smem:$0x3FAD] =	sst s5  }
0xe: {  	[smem:$0x3FAE] =	sst s6  }
0xf: {  	[smem:$0x3FAF] =	sst s7  }
0x10: {  	[smem:$0x3FB0] =	sst s8  }
0x11: {  	[smem:$0x3FB1] =	sst s9;
	s0 =	simm.s32 @!p0 $0x0  }
0x12: {  	s1 =	sld [smem:$0x3F97];
	s0 =	simm.s32 @p0 $0x1  }
0x13: {  	[smem:$0x3FB2] =	sst s0;
	s0 =	simm.s32 @!p1 $0x0  }
0x14: {  	s2 =	sld [smem:$0x3F96];
	s0 =	simm.s32 @p1 $0x1  }
0x15: {  	[smem:$0x3FB3] =	sst s0;
	s0 =	simm.s32 @!p2 $0x0  }
0x16: {  	s3 =	sld [smem:$0x3FDB];
	s0 =	simm.s32 @p2 $0x1  }
0x17: {  	s4 =	simm.s32 $0x1BF5;
	[smem:$0x3FB5] =	sst s0  }
0x18: {  	s0 =	sld [smem:$0x3F98];
	_ =	swait.ge [sflag:s4], $0x0  }
0x19: {  	s7 =	sld [smem:$0x3F99]  }
0x1a: {  	s8 =	sadd.s32 $0xFFFFE003, lr  }
0x1b: {  	s9 =	sadd.s32 $0xFFFFFEF7, lr;
	s5 =	simm.s32 $0xFFFFFFFF;
	p2 =	slt.u32 s8, $0xFFFFF086  }
0x1c: {  	p1 =	slt.u32 s9, $0xF7A;
	s5 =	simm.s32 @!p2 $0x0  }
0x1d: {  	s5 =	simm.s32 @p1 $0x1;
	p0 =	seq.s32 s7, s2  }
0x1e: {  	s7 =	smul.u32 @!p0 $0xF7A, s2;
	p2 =	seq.s32 @!p0 s5, $0x0  }
0x1f: {  	s9 =	smul.u32 $0xF7A, s1;
	s8 =	simm.s32 @!p0 $0x1BF5;
	p2 =	por !p2, p0  }
0x20: {  	[sflag:s8] =	ssyncset.s32 @!p0 $0xFFFFF086;
	s6 =	sadd.s32 @!p0 s3, s7;
	s7 =	simm.s32 @!p0 $0x108  }
0x21: {  	s3 =	sadd.s32 s3, s9;
	s6 =	sadd.s32 @!p0 $0x88, s6;
	s7 =	simm.s32 @p2 $0x1082  }
0x22: {  	[simem:s7], [sflag:s8] =	dma.local @!p0 [hbm:s6], $0xF7A  }
0x23: {  	s9 =	sor.u32 $0xD0000000, s2;
	s6 =	simm.s32 $0x108;
	_ =	swait.ge @!p0 [sflag:s8], $0x0  }
0x24: {  	s3 =	sadd.s32 $0x88, s3;
	s6 =	simm.s32 @!p1 $0x1082;
	[sflag:s4] =	ssyncset.s32 $0xFFFFF086  }
0x25: {  	[simem:s6], [sflag:s4] =	dma.local [hbm:s3], $0xF7A  }
0x26: {  	[smem:$0x3F99] =	sst s1;
	(tag) =	ssettag s2;
	_ =	strace s9  }
0x27: {  	s1 =	sld [smem:$0x3FA9]  }
0x28: {  	s2 =	sld [smem:$0x3FAA]  }
0x29: {  	s4 =	sld [smem:$0x3FAC]  }
0x2a: {  	p0 =	seq.s32 s5, $0x0;
	s5 =	sld [smem:$0x3FAD]  }
0x2b: {  	s6 =	sld [smem:$0x3FAE]  }
0x2c: {  	s7 =	sld [smem:$0x3FAF]  }
0x2d: {  	s3 =	simm.s32 $0x108;
	s8 =	sld [smem:$0x3FB0]  }
0x2e: {  	s3 =	simm.s32 @!p0 $0x1082;
	s9 =	sld [smem:$0x3FB1]  }
0x2f: {  	lr =	sadd.s32 s0, s3;
	s0 =	sld [smem:$0x3FA8]  }
0x30: {  	s3 =	sld [smem:$0x3FAB]  }
0x31: {  	[smem:$0x3FB4] =	sst s10  }
0x32: {  	s10 =	sld [smem:$0x3FB2];
	_ =	sdelay $0x3  }
0x33: {  	p0 =	seq.s32 s10, $0x1;
	s10 =	sld [smem:$0x3FB4];
	_ =	sdelay $0x3  }
0x34: {  	[smem:$0x3FB4] =	sst s10  }
0x35: {  	s10 =	sld [smem:$0x3FB3];
	_ =	sdelay $0x3  }
0x36: {  	p1 =	seq.s32 s10, $0x1;
	s10 =	sld [smem:$0x3FB4];
	_ =	sdelay $0x3  }
0x37: {  	[smem:$0x3FB4] =	sst s10  }
0x38: {  	s10 =	sld [smem:$0x3FB5]  }
0x39: {  	_ = 	snop;
	(pc) =	sbr.ind lr, $3  }
0x3a: {  	_ = 	snop  }
0x3b: {  	_ = 	snop  }
0x3c: {  	p2 =	seq.s32 s10, $0x1;
	s10 =	sld [smem:$0x3FB4]  }
0x3d: {  	_ =	shalt  }
0x3e: {  	_ =	shalt  }
0x3f: {  	_ =	shalt  }
0x40: {  	_ =	shalt  }
0x41: {  	_ =	shalt  }
0x42: {  	_ =	shalt  }
0x43: {  	_ =	shalt  }
0x44: {  	_ =	shalt  }
0x45: {  	_ =	shalt  }
0x46: {  	_ =	shalt  }
0x47: {  	_ =	shalt  }
0x48: {  	_ =	shalt  }
0x49: {  	_ =	shalt  }
0x4a: {  	_ =	shalt  }
0x4b: {  	_ =	shalt  }
0x4c: {  	_ =	shalt  }
0x4d: {  	_ =	shalt  }
0x4e: {  	_ =	shalt  }
0x4f: {  	_ =	shalt  }
0x50: {  	_ =	shalt  }
0x51: {  	_ =	shalt  }
0x52: {  	_ =	shalt  }
0x53: {  	_ =	shalt  }
0x54: {  	_ =	shalt  }
0x55: {  	_ =	shalt  }
0x56: {  	_ =	shalt  }
0x57: {  	_ =	shalt  }
0x58: {  	_ =	shalt  }
0x59: {  	_ =	shalt  }
0x5a: {  	_ =	shalt  }
0x5b: {  	_ =	shalt  }
0x5c: {  	_ =	shalt  }
0x5d: {  	_ =	shalt  }
0x5e: {  	_ =	shalt  }
0x5f: {  	_ =	shalt  }
0x60: {  	_ =	shalt  }
0x61: {  	_ =	shalt  }
0x62: {  	_ =	shalt  }
0x63: {  	_ =	shalt  }
0x64: {  	_ =	shalt  }
0x65: {  	_ =	shalt  }
0x66: {  	_ =	shalt  }
0x67: {  	_ =	shalt  }
0x68: {  	_ =	shalt  }
0x69: {  	_ =	shalt  }
0x6a: {  	_ =	shalt  }
0x6b: {  	_ =	shalt  }
0x6c: {  	_ =	shalt  }
0x6d: {  	_ =	shalt  }
0x6e: {  	_ =	shalt  }
0x6f: {  	_ =	shalt  }
0x70: {  	_ =	shalt  }
0x71: {  	_ =	shalt  }
0x72: {  	_ =	shalt  }
0x73: {  	_ =	shalt  }
0x74: {  	_ =	shalt  }
0x75: {  	_ =	shalt  }
0x76: {  	_ =	shalt  }
0x77: {  	_ =	shalt  }
0x78: {  	_ =	shalt  }
0x79: {  	_ =	shalt  }
0x7a: {  	_ =	shalt  }
0x7b: {  	_ =	shalt  }
0x7c: {  	_ =	shalt  }
0x7d: {  	_ =	shalt  }
0x7e: {  	_ =	shalt  }
0x7f: {  	_ =	shalt  }
0x80: {  	_ =	shalt  }
0x81: {  	_ =	shalt  }
0x82: {  	_ =	shalt  }
0x83: {  	_ =	shalt  }
0x84: {  	_ =	shalt  }
0x85: {  	_ =	shalt  }
0x86: {  	_ =	shalt  }
0x87: {  	_ =	shalt  }
.Lfunc_end0:
.L_simem_size_0:
called_computation.1_lowered:
.L_overlay_start_0:
0x88: {  	s2 =	sld [smem:$0x3FD9]  }
0x89: {  	s3 =	sld [smem:$0x3FFE];
	_ =	sdelay $0x1  }
0x8a: {  	s1 =	srdreg.scid  }
0x8b: {  	s0 =	sand.u32 $0x1, s1  }
0x8c: {  	s17 =	sshll.u32 s0, $0xA;
	s2 =	sadd.s32 s3, s2  }
0x8d: {  	s2 =	sadd.s32 s2, s17  }
0x8e: {  	[smem:$0x3FC0] =	sst s2  }
0x8f: {  	_ = 	snop  }
0x90: {  	s2 =	sld [smem:$0x3FD0];
	(tm) =	ssettm $0x1  }
0x91: {  	s18 =	sld [smem:$0x3FFB];
	_ =	sdelay $0x3  }
0x92: {  	_ =	strace s18  }
0x93: {  	s3 =	sld [smem:$0x3FFC];
	_ =	sdelay $0x3  }
0x94: {  	_ =	strace s3  }
0x95: {  	s3 =	sld [smem:$0x3FFD];
	_ =	sdelay $0x3  }
0x96: {  	_ =	strace s3  }
0x97: {  	_ =	strace $0x8FFFFFFF  }
0x98: {  	s19 =	sld [smem:$0x3FDB];
	_ =	sdelay $0x1  }
0x99: {  	s4 =	simm.s32 $_scs_section_size  }
0x9a: {  	s5 =	simm.s32 $_size__tile_overlayer_lowered;
	s6 =	simm.s32 $_tile_overlayer_lowered  }
0x9b: {  	s22 =	simm.s32 $0x1BFF;
	s21 =	sshll.u32 s6, $0x1;
	s3 =	sadd.s32 s4, s19  }
0x9c: {  	s7 =	simm.s32 $0x0;
	s20 =	sshll.u32 s5, $0x1;
	s5 =	sadd.s32 s21, s3  }
0x9d: {  	[timem:s7], [sflag:s22] =	dma.local [hbm:s5], s20  }
0x9e: {  	_ =	swait.ge [sflag:s22], s20  }
0x9f: {  	s4 =	ssub.s32 $0x0, s20;
	[sflag:s22] =	ssyncset.done $0x0  }
0xa0: {  	[sflag:s22] =	ssyncadd.s32 s4;
	_ =	sdelay $0x1  }
0xa1: {  	s23 =	simm.s32 $0x1B8B  }
0xa2: {  	_ =	swait.ge [sflag:s23], $0x1  }
0xa3: {  	[sflag:s23] =	ssyncset.done $0x0  }
0xa4: {  	s25 =	simm.s32 $0x1B8E;
	s24 =	sld [smem:$0x3FFE];
	[sflag:s23] =	ssyncadd.s32 $0xFFFFFFFF  }
0xa5: {  	s26 =	simm.s32 $execute0_lowered;
	[smem:$0x3FD2] =	sst s25  }
0xa6: {  	s5 =	sshll.u32 s26, $0x1;
	_ =	strace $0x80000049;
	[dreg:$0x1] =	wrdreg $0xFFFFFFFF  }
0xa7: {  	s28 =	simm.s32 $_size_execute0_lowered;
	s3 =	sadd.s32 s3, s5;
	[dreg:$0x0] =	wrdreg $0x0  }
0xa8: {  	s5 =	sshll.u32 s28, $0x1;
	[dreg:$0x2] =	wrdreg s3  }
0xa9: {  	[dreg:$0x3] =	wrdreg s5  }
0xaa: {  	[dreg:$0x4] =	wrdreg $0xC0  }
0xab: {  	_ =	task [dreg:s7], $0x5FFFF  }
0xac: {  	[dreg:$0x1] =	wrdreg $0xFFFFFFFF  }
0xad: {  	[dreg:$0x0] =	wrdreg $0x60  }
0xae: {  	[dreg:$0x2] =	wrdreg s24  }
0xaf: {  	[dreg:$0x3] =	wrdreg s2  }
0xb0: {  	[dreg:$0x4] =	wrdreg $0x59800  }
0xb1: {  	[dreg:$0x5] =	wrdreg $0x9  }
0xb2: {  	_ =	task.clear_ibuf [dreg:s7], $0x6FFFF;
	_ =	strace $0x90000049  }
0xb3: {  	s29 =	simm.s32 $0x9;
	_ =	strace $0x8000004B  }
0xb4: {  	_ =	swait.ge [sflag:s29], $0x1  }
0xb5: {  	[sflag:s29] =	ssyncadd.s32 $0xFFFFFFFF  }
0xb6: {  	_ =	strace $0x9000004B  }
0xb7: {  	_ =	sfence  }
0xb8: {  	s30 =	sld [smem:$0x0];
	_ =	sdelay $0x2  }
0xb9: {  	s31 =	sshll.u32 s1, $0xD;
	s1 =	sshrl.u32 s1, $0x2  }
0xba: {  	s3 =	sand.u32 $0x4000, s31;
	s1 =	sadd.s32 s1, s30  }
0xbb: {  	s0 =	sor.u32 s3, s0;
	s1 =	sshll.u32 s1, $0x11  }
0xbc: {  	s0 =	sor.u32 s1, s0  }
0xbd: {  	s0 =	sadd.s32 $0x8F2B, s0  }
0xbe: {  	[sflag:s0] =	ssyncadd.remote.s32 $0x1  }
0xbf: {  	_ =	sfence.sel $0xFFFF  }
0xc0: {  	[dreg:$0x0] =	wrdreg $0xFFFFFFFF;
	(pc) =	sbr.abs _section_cstart, $3  }
0xc1: {  	[dreg:$0x1] =	wrdreg $0xFFFFFFFF  }
0xc2: {  	_ =	task.clear_ibuf [dreg:s7], $0x2FFFF;
	_ =	strace $0x9FFFFFFF  }
0xc3: {  	(tm) =	ssettm $0x7FFFFFFF  }
tec
execute0_lowered:
.L_overlay_start_1:
0x0: {  	(tag) =	ssettag $0x1  }
0x1: {  	s0 =	rddreg [dreg:$0x0]  }
0x2: {  	s2 =	rddreg [dreg:$0x1]  }
0x3: {  	s3 =	rddreg [dreg:$0x2]  }
0x4: {  	s4 =	simm.s32 $0x0;
	s9 =	stileid.u32;
	s1 =	srdreg.scid  }
0x5: {  	s16 =	simm.s32 $0x5;
	s17 =	simm.s32 $0x1C00;
	s18 =	simm.s32 $0x28  }
0x6: {  	s19 =	simm.s32 $0x1D80;
	s20 =	simm.s32 $0x3180;
	s21 =	simm.s32 $0x1C80  }
0x7: {  	s22 =	simm.s32 $0x1;
	s23 =	simm.s32 $0x2;
	s7 =	smul.u32 $0x50, s9  }
0x8: {  	s24 =	simm.s32 $0x4;
	s25 =	simm.s32 $0x3;
	s29 =	smul.u32 $0x11800, s9  }
0x9: {  	s26 =	simm.s32 $0x1880;
	s28 =	simm.s32 $0x0;
	s13 =	smul.u32 $0x9C4, s9  }
0xa: {  	[smem:$0x7FF] =	sst s4;
	s1 =	sand.u32 $0x1, s1;
	s14 =	smul.u32 $0x2800, s9  }
0xb: {  	s5 =	sadd.s32 $0x3400, s0;
	s6 =	sadd.s32 $0x9FC00, s0;
	s8 =	smul.u32 $0x27100, s1  }
0xc: {  	s11 =	sadd.s32 $0x3000, s0;
	s10 =	smul.u32 $0x118000, s1;
	s1 =	ssub.s32 $0x2, s1  }
0xd: {  	_ =	strace $0x8000004A;
	[dreg:$0x4] =	wrdreg s11;
	s30 =	sshrl.u32 s1, $0x1  }
0xe: {  	s7 =	sadd.s32 s7, s0;
	s31 =	sadd.s32 s13, s2;
	s1 =	ssub.s32 s1, s30  }
0xf: {  	s0 =	sadd.s32 s8, s0;
	s8 =	sshll.u32 s9, $0x4;
	s1 =	smax.u32 s1, $0x1  }
0x10: {  	s0 =	sadd.s32 s14, s0;
	[dreg:$0x5] =	wrdreg s1;
	s1 =	sadd.s32 $0x5, s31  }
0x11: {  	s9 =	smul.u32 $0x4E20, s9;
	s0 =	sadd.s32 $0x51600, s0;
	[dreg:$0x6] =	wrdreg s1  }
0x12: {  	s10 =	sadd.s32 s29, s10;
	s12 =	sadd.s32 $0x2A00, s7;
	[dreg:$0x7] =	wrdreg s0  }
.LBB2_1:
0x13: {  	s0 =	rddreg [dreg:$0x4];
	s1 =	simm.s32 $0x4580;
	s30 =	sadd.s32 $0x0, s8  }
0x14: {  	[tilespmem:s1], [sflag:$0x5] =	stream.linear.gather [hbm4b:s0+s4], $0x1400, $0x38;
	[tilespmem:$0x19200] =	vst v63  }
0x15: {  	p1 =	sgt.u32 s30, $0xF9;
	_ =	swait.ge [sflag:s16], $0x1400  }
0x16: {  	p0 =	por p1, p1;
	s0 =	simm.s32 @!p1 $0x0;
	[sflag:s16] =	ssyncset.done $0x0  }
0x17: {  	s1 =	simm.s32 @!p1 $0x1D00;
	s7 =	simm.s32 @!p0 $0x6;
	[sflag:s16] =	ssyncadd.s32 $0xFFFFEC00  }
0x18: {  	[tilespmem:s1], [sflag:$0x6] =	stream.linear.gather @!p0 [hbm4b:s12+s0], $0x28, $0x38;
	[tilespmem:$0x19200] =	vst v63  }
0x19: {  	s31 =	sadd.s32 $0x1, s8;
	_ =	swait.ge @!p0 [sflag:s7], $0x28  }
0x1a: {  	p1 =	sgt.u32 s31, $0xF9;
	s15 =	simm.s32 @!p0 $0x5;
	[sflag:s7] =	ssyncset.done @!p0 $0x0  }
0x1b: {  	s0 =	simm.s32 @!p0 $0x28;
	[sflag:s7] =	ssyncadd.s32 @!p0 $0xFFFFFFD8;
	s7 =	simm.s32 @!p0 $0x4580  }
0x1c: {  	[spmem:s3] =	stream.indirect.scatter @!p0 [tilespmem:s7], [sflag:$0x5], $0x80, s1, s0, $0xb8;
	[tilespmem:$0x19200] =	vst v63  }
0x1d: {  	s1 =	simm.s32 $0x2;
	s0 =	sadd.s32 $0x5, s12;
	_ =	swait.ge @!p0 [sflag:s15], $0x1400  }
.LBB2_2:
0x1e: {  	s7 =	simm.s32 @!p1 $0x0  }
0x1f: {  	s29 =	simm.s32 @!p1 $0x1D00;
	[sflag:s15] =	ssyncset.done @!p0 $0x0;
	s30 =	smov.u32 s1  }
0x20: {  	p2 =	por p0, p0;
	p0 =	por p1, p1;
	s1 =	sadd.s32 $0x1, s1  }
0x21: {  	s31 =	simm.s32 @!p0 $0x6;
	[sflag:s15] =	ssyncadd.s32 @!p2 $0xFFFFEC00;
	p2 =	sne.s32 s1, $0x10  }
0x22: {  	[tilespmem:s29], [sflag:$0x6] =	stream.linear.gather @!p0 [hbm4b:s0+s7], $0x28, $0x38;
	[tilespmem:$0x19200] =	vst v63  }
.Ltmp0:
0x23: {  	_ =	swait.ge @!p0 [sflag:s31], $0x28;
	(pc) =	sbr.rel @p2 .LBB2_2-.Ltmp0, $4  }
0x24: {  	s15 =	simm.s32 @!p0 $0x5;
	s7 =	sadd.s32 s30, s8;
	[sflag:s31] =	ssyncset.done @!p0 $0x0  }
0x25: {  	s30 =	simm.s32 @!p0 $0x28;
	[sflag:s31] =	ssyncadd.s32 @!p0 $0xFFFFFFD8;
	s31 =	simm.s32 @!p0 $0x4580  }
0x26: {  	[spmem:s3] =	stream.indirect.scatter @!p0 [tilespmem:s31], [sflag:$0x5], $0x80, s29, s30, $0xb8;
	[tilespmem:$0x19200] =	vst v63  }
0x27: {  	s0 =	sadd.s32 $0x5, s0;
	p1 =	sgt.u32 s7, $0xF9;
	_ =	swait.ge @!p0 [sflag:s15], $0x1400  }
0x28: {  	s1 =	simm.s32 @!p1 $0x0  }
0x29: {  	[sflag:s15] =	ssyncset.done @!p0 $0x0;
	p0 =	por p0, p0;
	p2 =	por p1, p1  }
0x2a: {  	s7 =	simm.s32 @!p1 $0x1D00;
	s29 =	simm.s32 @!p2 $0x6;
	[sflag:s15] =	ssyncadd.s32 @!p0 $0xFFFFEC00  }
0x2b: {  	[tilespmem:s7], [sflag:$0x6] =	stream.linear.gather @!p2 [hbm4b:s0+s1], $0x28, $0x38;
	[tilespmem:$0x19200] =	vst v63  }
0x2c: {  	_ =	swait.ge @!p2 [sflag:s29], $0x28  }
0x2d: {  	s15 =	simm.s32 @!p2 $0x4580;
	[sflag:s29] =	ssyncset.done @!p2 $0x0  }
0x2e: {  	s0 =	simm.s32 @!p2 $0x5;
	s1 =	simm.s32 @!p2 $0x28;
	[sflag:s29] =	ssyncadd.s32 @!p2 $0xFFFFFFD8  }
0x2f: {  	[spmem:s3] =	stream.indirect.scatter @!p2 [tilespmem:s15], [sflag:$0x5], $0x80, s7, s1, $0xb8;
	[tilespmem:$0x19200] =	vst v63  }
0x30: {  	_ =	swait.ge @!p2 [sflag:s0], $0x1400  }
0x31: {  	p0 =	por p2, p2;
	[sflag:s0] =	ssyncset.done @!p2 $0x0  }
0x32: {  	[sflag:s0] =	ssyncadd.s32 @!p0 $0xFFFFEC00  }
0x33: {  	[bflag:$0x0] =	sbarrier.arrive $0xFFFF  }
0x34: {  	s31 =	simm.s32 $0x0;
	s29 =	simm.s32 $0x0;
	s30 =	rddreg [dreg:$0x6]  }
.LBB2_4:
0x35: {  	s0 =	smul.u32 $0x1C00, s31;
	_ =	sdelay $0x1  }
0x36: {  	s0 =	sadd.s32 s0, s10  }
0x37: {  	s0 =	sshrl.u32 s0, $0x3  }
0x38: {  	s1 =	smul.u32 $0x7D0, s31;
	s0 =	sadd.s32 s6, s0  }
0x39: {  	[tilespmem:s29], [sflag:$0x5] =	stream.linear.gather [hbm4b:s0+s29], $0x1900, $0x38;
	[tilespmem:$0x19200] =	vst v63  }
0x3a: {  	s0 =	sadd.s32 s9, s1;
	_ =	swait.ge [sflag:s16], $0x1900  }
0x3b: {  	s1 =	sshrl.u32 s0, $0x3;
	[sflag:s16] =	ssyncset.done $0x0  }
0x3c: {  	s1 =	sadd.s32 s2, s1;
	[sflag:s16] =	ssyncadd.s32 $0xFFFFE700  }
0x3d: {  	[tilespmem:s17], [sflag:$0x5] =	stream.linear.gather [hbm4b:s1+s29], $0x28, $0x38;
	[tilespmem:$0x19200] =	vst v63  }
0x3e: {  	_ =	swait.ge [sflag:s16], $0x28  }
0x3f: {  	[sflag:s16] =	ssyncset.done $0x0  }
0x40: {  	[sflag:s16] =	ssyncadd.s32 $0xFFFFFFD8  }
0x41: {  	[tilespmem:s19], [sflag:$0x1] =	stream.indirect.gather [hbm4b:s5+s18], $0x80, s29, s18, $0xb8;
	[tilespmem:$0x19200] =	vst v63  }
0x42: {  	s13 =	simm.s32 $0x80  }
0x43: {  	[tilespmem:s20], [sflag:$0x2] =	stream.indirect.gather [hbm4b:s5+s18], $0x80, s13, s18, $0xb8;
	[tilespmem:$0x19200] =	vst v63  }
0x44: {  	_ = 	snop  }
0x45: {  	[tilespmem:s21], [sflag:$0x4] =	stream.linear.gather [hbm4b:s30+s4], $0x28, $0x38;
	[tilespmem:$0x19200] =	vst v63  }
0x46: {  	_ =	swait.ge [sflag:s22], $0x1400  }
0x47: {  	[sflag:s22] =	ssyncset.done $0x0  }
0x48: {  	[sflag:s22] =	ssyncadd.s32 $0xFFFFEC00  }
0x49: {  	[spmem:s3] =	stream.indirect.scatter.add.f32 [tilespmem:s19], [sflag:$0x5], $0x80, s17, s18, $0xb8;
	[tilespmem:$0x19200] =	vst v63  }
0x4a: {  	_ =	swait.ge [sflag:s16], $0x1400  }
0x4b: {  	[sflag:s16] =	ssyncset.done $0x0  }
0x4c: {  	s14 =	simm.s32 $0x100;
	[sflag:s16] =	ssyncadd.s32 $0xFFFFEC00  }
0x4d: {  	[tilespmem:s19], [sflag:$0x1] =	stream.indirect.gather [hbm4b:s5+s18], $0x80, s14, s18, $0xb8;
	[tilespmem:$0x19200] =	vst v63  }
0x4e: {  	s15 =	sadd.s32 $0x5, s30  }
0x4f: {  	[tilespmem:s17], [sflag:$0x3] =	stream.linear.gather [hbm4b:s15+s4], $0x28, $0x38;
	[tilespmem:$0x19200] =	vst v63  }
0x50: {  	_ =	swait.ge [sflag:s23], $0x1400  }
0x51: {  	[sflag:s23] =	ssyncset.done $0x0  }
0x52: {  	[sflag:s23] =	ssyncadd.s32 $0xFFFFEC00  }
0x53: {  	_ =	swait.ge [sflag:s24], $0x28  }
0x54: {  	[sflag:s24] =	ssyncset.done $0x0  }
0x55: {  	[sflag:s24] =	ssyncadd.s32 $0xFFFFFFD8  }
0x56: {  	[spmem:s3] =	stream.indirect.scatter.add.f32 [tilespmem:s20], [sflag:$0x5], $0x80, s21, s18, $0xb8;
	[tilespmem:$0x19200] =	vst v63  }
0x57: {  	_ =	swait.ge [sflag:s16], $0x1400  }
0x58: {  	[sflag:s16] =	ssyncset.done $0x0  }
0x59: {  	[sflag:s16] =	ssyncadd.s32 $0xFFFFEC00  }
0x5a: {  	s7 =	simm.s32 $0x800;
	_ =	swait.ge [sflag:s25], $0x28  }
0x5b: {  	s1 =	sadd.s32 $0xA, s30;
	s15 =	simm.s32 $0x100;
	[sflag:s25] =	ssyncset.done $0x0  }
.LBB2_5:
0x5c: {  	s11 =	sadd.s32 $0x80, s15  }
0x5d: {  	[sflag:s25] =	ssyncadd.s32 $0xFFFFFFD8;
	s13 =	smov.u32 s7;
	s14 =	sadd.s32 $0x400, s7  }
0x5e: {  	[tilespmem:s20], [sflag:$0x2] =	stream.indirect.gather [hbm4b:s5+s18], $0x80, s11, s18, $0xb8;
	[tilespmem:$0x19200] =	vst v63  }
0x5f: {  	p0 =	sne.s32 s7, $0x5C00  }
0x60: {  	[tilespmem:s21], [sflag:$0x4] =	stream.linear.gather [hbm4b:s1+s4], $0x28, $0x38;
	[tilespmem:$0x19200] =	vst v63  }
0x61: {  	_ =	swait.ge [sflag:s22], $0x1400  }
0x62: {  	[sflag:s22] =	ssyncset.done $0x0  }
0x63: {  	[sflag:s22] =	ssyncadd.s32 $0xFFFFEC00  }
0x64: {  	[spmem:s3] =	stream.indirect.scatter.add.f32 [tilespmem:s19], [sflag:$0x5], $0x80, s17, s18, $0xb8;
	[tilespmem:$0x19200] =	vst v63  }
0x65: {  	_ =	swait.ge [sflag:s16], $0x1400  }
0x66: {  	[sflag:s16] =	ssyncset.done $0x0  }
0x67: {  	s7 =	sadd.s32 $0x100, s15;
	[sflag:s16] =	ssyncadd.s32 $0xFFFFEC00  }
0x68: {  	[tilespmem:s19], [sflag:$0x1] =	stream.indirect.gather [hbm4b:s5+s18], $0x80, s7, s18, $0xb8;
	[tilespmem:$0x19200] =	vst v63  }
0x69: {  	s7 =	sadd.s32 $0x5, s1  }
0x6a: {  	[tilespmem:s17], [sflag:$0x3] =	stream.linear.gather [hbm4b:s7+s4], $0x28, $0x38;
	[tilespmem:$0x19200] =	vst v63  }
0x6b: {  	_ =	swait.ge [sflag:s23], $0x1400  }
0x6c: {  	[sflag:s23] =	ssyncset.done $0x0  }
0x6d: {  	[sflag:s23] =	ssyncadd.s32 $0xFFFFEC00  }
0x6e: {  	_ =	swait.ge [sflag:s24], $0x28  }
0x6f: {  	[sflag:s24] =	ssyncset.done $0x0  }
0x70: {  	[sflag:s24] =	ssyncadd.s32 $0xFFFFFFD8  }
0x71: {  	[spmem:s3] =	stream.indirect.scatter.add.f32 [tilespmem:s20], [sflag:$0x5], $0x80, s21, s18, $0xb8;
	[tilespmem:$0x19200] =	vst v63  }
.Ltmp1:
0x72: {  	_ =	swait.ge [sflag:s16], $0x1400;
	(pc) =	sbr.rel @p0 .LBB2_5-.Ltmp1, $4  }
0x73: {  	[sflag:s16] =	ssyncset.done $0x0  }
0x74: {  	[sflag:s16] =	ssyncadd.s32 $0xFFFFEC00  }
0x75: {  	s15 =	sshra.s32 s13, $0x2;
	_ =	swait.ge [sflag:s25], $0x28  }
0x76: {  	s1 =	sadd.s32 $0xA, s1;
	s7 =	smov.u32 s14;
	[sflag:s25] =	ssyncset.done $0x0  }
0x77: {  	s7 =	sadd.s32 $0x80, s15;
	[sflag:s25] =	ssyncadd.s32 $0xFFFFFFD8  }
0x78: {  	[tilespmem:s20], [sflag:$0x2] =	stream.indirect.gather [hbm4b:s5+s18], $0x80, s7, s18, $0xb8;
	[tilespmem:$0x19200] =	vst v63  }
0x79: {  	_ = 	snop  }
0x7a: {  	[tilespmem:s21], [sflag:$0x4] =	stream.linear.gather [hbm4b:s1+s4], $0x28, $0x38;
	[tilespmem:$0x19200] =	vst v63  }
0x7b: {  	_ =	swait.ge [sflag:s22], $0x1400  }
0x7c: {  	[sflag:s22] =	ssyncset.done $0x0  }
0x7d: {  	[sflag:s22] =	ssyncadd.s32 $0xFFFFEC00  }
0x7e: {  	[spmem:s3] =	stream.indirect.scatter.add.f32 [tilespmem:s19], [sflag:$0x5], $0x80, s17, s18, $0xb8;
	[tilespmem:$0x19200] =	vst v63  }
0x7f: {  	_ =	swait.ge [sflag:s16], $0x1400  }
0x80: {  	[sflag:s16] =	ssyncset.done $0x0  }
0x81: {  	s14 =	sadd.s32 $0x100, s15;
	[sflag:s16] =	ssyncadd.s32 $0xFFFFEC00  }
0x82: {  	[tilespmem:s19], [sflag:$0x1] =	stream.indirect.gather [hbm4b:s5+s18], $0x80, s14, s18, $0xb8;
	[tilespmem:$0x19200] =	vst v63  }
0x83: {  	s15 =	sadd.s32 $0x5, s1  }
0x84: {  	[tilespmem:s17], [sflag:$0x3] =	stream.linear.gather [hbm4b:s15+s4], $0x28, $0x38;
	[tilespmem:$0x19200] =	vst v63  }
0x85: {  	_ =	swait.ge [sflag:s23], $0x1400  }
0x86: {  	[sflag:s23] =	ssyncset.done $0x0  }
0x87: {  	[sflag:s23] =	ssyncadd.s32 $0xFFFFEC00  }
0x88: {  	_ =	swait.ge [sflag:s24], $0x28  }
0x89: {  	[sflag:s24] =	ssyncset.done $0x0  }
0x8a: {  	[sflag:s24] =	ssyncadd.s32 $0xFFFFFFD8  }
0x8b: {  	[spmem:s3] =	stream.indirect.scatter.add.f32 [tilespmem:s20], [sflag:$0x5], $0x80, s21, s18, $0xb8;
	[tilespmem:$0x19200] =	vst v63  }
0x8c: {  	_ =	swait.ge [sflag:s16], $0x1400  }
0x8d: {  	[sflag:s16] =	ssyncset.done $0x0  }
0x8e: {  	[sflag:s16] =	ssyncadd.s32 $0xFFFFEC00  }
0x8f: {  	_ =	swait.ge [sflag:s25], $0x28  }
0x90: {  	s0 =	sadd.s32 $0x7A8, s0;
	[sflag:s25] =	ssyncset.done $0x0  }
0x91: {  	s0 =	sshrl.u32 s0, $0x3;
	[sflag:s25] =	ssyncadd.s32 $0xFFFFFFD8  }
0x92: {  	[tilespmem:s20], [sflag:$0x2] =	stream.indirect.gather [hbm4b:s5+s18], $0x80, s26, s18, $0xb8;
	[tilespmem:$0x19200] =	vst v63  }
0x93: {  	s0 =	sadd.s32 s2, s0  }
0x94: {  	[tilespmem:s21], [sflag:$0x4] =	stream.linear.gather [hbm4b:s0+s4], $0x28, $0x38;
	[tilespmem:$0x19200] =	vst v63  }
0x95: {  	_ =	swait.ge [sflag:s22], $0x1400  }
0x96: {  	[sflag:s22] =	ssyncset.done $0x0  }
0x97: {  	[sflag:s22] =	ssyncadd.s32 $0xFFFFEC00  }
0x98: {  	[spmem:s3] =	stream.indirect.scatter.add.f32 [tilespmem:s19], [sflag:$0x5], $0x80, s17, s18, $0xb8;
	[tilespmem:$0x19200] =	vst v63  }
0x99: {  	_ =	swait.ge [sflag:s16], $0x1400  }
0x9a: {  	[sflag:s16] =	ssyncset.done $0x0  }
0x9b: {  	[sflag:s16] =	ssyncadd.s32 $0xFFFFEC00  }
0x9c: {  	_ =	swait.ge [sflag:s23], $0x1400  }
0x9d: {  	[sflag:s23] =	ssyncset.done $0x0  }
0x9e: {  	[sflag:s23] =	ssyncadd.s32 $0xFFFFEC00  }
0x9f: {  	s31 =	sadd.s32 $0x1, s31;
	_ =	swait.ge [sflag:s24], $0x28  }
0xa0: {  	p0 =	sne.s32 s31, $0xA;
	[sflag:s24] =	ssyncset.done $0x0  }
.Ltmp2:
0xa1: {  	[sflag:s24] =	ssyncadd.s32 $0xFFFFFFD8;
	(pc) =	sbr.rel @p0 .LBB2_4-.Ltmp2, $4  }
0xa2: {  	[spmem:s3] =	stream.indirect.scatter.add.f32 [tilespmem:s20], [sflag:$0x5], $0x80, s21, s18, $0xb8;
	[tilespmem:$0x19200] =	vst v63  }
0xa3: {  	_ =	swait.ge [sflag:s16], $0x1400  }
0xa4: {  	[sflag:s16] =	ssyncset.done $0x0  }
0xa5: {  	s30 =	sadd.s32 $0xFA, s30;
	[sflag:s16] =	ssyncadd.s32 $0xFFFFEC00  }
0xa6: {  	s0 =	sadd.s32 $0x0, s8  }
0xa7: {  	[bflag:$0x0] =	sbarrier.arrive $0xFFFF;
	p0 =	sgt.u32 s0, $0xF9  }
0xa8: {  	s0 =	simm.s32 @!p0 $0x0;
	s1 =	simm.s32 @!p0 $0x1D00;
	s7 =	simm.s32 @!p0 $0x6  }
0xa9: {  	[tilespmem:s1], [sflag:$0x6] =	stream.linear.gather @!p0 [hbm4b:s12+s0], $0x28, $0x38;
	[tilespmem:$0x19200] =	vst v63  }
0xaa: {  	_ =	swait.ge @!p0 [sflag:s7], $0x28;
	p0 =	por p0, p0  }
0xab: {  	[sflag:s7] =	ssyncset.done @!p0 $0x0  }
0xac: {  	s11 =	simm.s32 @!p0 $0x28;
	s13 =	simm.s32 @!p0 $0x4580;
	[sflag:s7] =	ssyncadd.s32 @!p0 $0xFFFFFFD8  }
0xad: {  	[tilespmem:s13], [sflag:$0x6] =	stream.indirect.gather @!p0 [spmem:s3], $0x80, s1, s11, $0xb8;
	[tilespmem:$0x19200] =	vst v63  }
0xae: {  	s31 =	sadd.s32 $0x1, s8;
	_ =	swait.ge @!p0 [sflag:s7], $0x1400  }
0xaf: {  	s29 =	sadd.s32 $0x5, s12;
	p1 =	sgt.u32 s31, $0xF9;
	[sflag:s7] =	ssyncset.done @!p0 $0x0  }
0xb0: {  	s15 =	simm.s32 @!p0 $0x5;
	[sflag:s7] =	ssyncadd.s32 @!p0 $0xFFFFEC00;
	s7 =	rddreg [dreg:$0x7]  }
0xb1: {  	[hbm4b:s7+s0] =	stream.linear.scatter @!p0 [tilespmem:s13], [sflag:$0x5], $0x1400, $0x38;
	[tilespmem:$0x19200] =	vst v63  }
0xb2: {  	s1 =	simm.s32 $0x2;
	s0 =	sadd.s32 $0x280, s7;
	_ =	swait.ge @!p0 [sflag:s15], $0x1400  }
.LBB2_8:
0xb3: {  	s7 =	simm.s32 @!p1 $0x0;
	s11 =	simm.s32 @!p1 $0x1D00  }
0xb4: {  	[sflag:s15] =	ssyncset.done @!p0 $0x0;
	s13 =	smov.u32 s1;
	s14 =	smov.u32 s0  }
0xb5: {  	s1 =	sadd.s32 $0x1, s1;
	s30 =	simm.s32 @!p1 $0x6;
	[sflag:s15] =	ssyncadd.s32 @!p0 $0xFFFFEC00  }
0xb6: {  	[tilespmem:s11], [sflag:$0x6] =	stream.linear.gather @!p1 [hbm4b:s29+s7], $0x28, $0x38;
	[tilespmem:$0x19200] =	vst v63  }
0xb7: {  	p2 =	sne.s32 s1, $0x10;
	p0 =	por p1, p1;
	_ =	swait.ge @!p1 [sflag:s30], $0x28  }
0xb8: {  	[sflag:s30] =	ssyncset.done @!p0 $0x0  }
0xb9: {  	s15 =	simm.s32 @!p0 $0x28;
	s31 =	simm.s32 @!p0 $0x4580;
	[sflag:s30] =	ssyncadd.s32 @!p0 $0xFFFFFFD8  }
0xba: {  	[tilespmem:s31], [sflag:$0x6] =	stream.indirect.gather @!p0 [spmem:s3], $0x80, s11, s15, $0xb8;
	[tilespmem:$0x19200] =	vst v63  }
.Ltmp3:
0xbb: {  	_ =	swait.ge @!p0 [sflag:s30], $0x1400;
	(pc) =	sbr.rel @p2 .LBB2_8-.Ltmp3, $4  }
0xbc: {  	s0 =	sadd.s32 $0x280, s0;
	[sflag:s30] =	ssyncset.done @!p0 $0x0  }
0xbd: {  	s11 =	sadd.s32 s13, s8;
	s15 =	simm.s32 @!p0 $0x5;
	[sflag:s30] =	ssyncadd.s32 @!p0 $0xFFFFEC00  }
0xbe: {  	[hbm4b:s14+s7] =	stream.linear.scatter @!p0 [tilespmem:s31], [sflag:$0x5], $0x1400, $0x38;
	[tilespmem:$0x19200] =	vst v63  }
0xbf: {  	s29 =	sadd.s32 $0x5, s29;
	p1 =	sgt.u32 s11, $0xF9;
	_ =	swait.ge @!p0 [sflag:s15], $0x1400  }
0xc0: {  	s1 =	simm.s32 @!p1 $0x0;
	[sflag:s15] =	ssyncset.done @!p0 $0x0  }
0xc1: {  	s7 =	simm.s32 @!p1 $0x1D00;
	s11 =	simm.s32 @!p1 $0x6;
	[sflag:s15] =	ssyncadd.s32 @!p0 $0xFFFFEC00  }
0xc2: {  	[tilespmem:s7], [sflag:$0x6] =	stream.linear.gather @!p1 [hbm4b:s29+s1], $0x28, $0x38;
	[tilespmem:$0x19200] =	vst v63  }
0xc3: {  	p0 =	por p1, p1;
	_ =	swait.ge @!p1 [sflag:s11], $0x28  }
0xc4: {  	[sflag:s11] =	ssyncset.done @!p0 $0x0  }
0xc5: {  	s13 =	simm.s32 @!p0 $0x28;
	s14 =	simm.s32 @!p0 $0x4580;
	[sflag:s11] =	ssyncadd.s32 @!p0 $0xFFFFFFD8  }
0xc6: {  	[tilespmem:s14], [sflag:$0x6] =	stream.indirect.gather @!p0 [spmem:s3], $0x80, s7, s13, $0xb8;
	[tilespmem:$0x19200] =	vst v63  }
0xc7: {  	_ =	swait.ge @!p0 [sflag:s11], $0x1400  }
0xc8: {  	[sflag:s11] =	ssyncset.done @!p0 $0x0  }
0xc9: {  	s7 =	simm.s32 @!p0 $0x5;
	[sflag:s11] =	ssyncadd.s32 @!p0 $0xFFFFEC00  }
0xca: {  	[hbm4b:s0+s1] =	stream.linear.scatter @!p0 [tilespmem:s14], [sflag:$0x5], $0x1400, $0x38;
	[tilespmem:$0x19200] =	vst v63  }
0xcb: {  	_ =	swait.ge @!p0 [sflag:s7], $0x1400  }
0xcc: {  	s28 =	sadd.s32 $0x1, s28;
	s31 =	rddreg [dreg:$0x5]  }
0xcd: {  	p1 =	sne.s32 s28, s31  }
.Ltmp4:
0xce: {  	_ = 	snop;
	(pc) =	sbr.rel @p1 .LBB2_1-.Ltmp4, $3  }
0xcf: {  	_ =	sdelay $0x1  }
0xd0: {  	[sflag:s7] =	ssyncset.done @!p0 $0x0  }
0xd1: {  	[sflag:s7] =	ssyncadd.s32 @!p0 $0xFFFFEC00  }
0xd2: {  	_ =	sfence.sel $0x180000  }
0xd3: {  	[bflag:$0x0] =	sbarrier.arrive $0xFFFF  }
0xd4: {  	_ =	strace $0x9000004A  }
0xd5: {  	s0 =	stileid.u32;
	[bflag:$0x2] =	sbarrier.arrive $0xFFFF  }
0xd6: {  	p0 =	sne.s32 s0, $0x0;
	s0 =	rddreg [dreg:$0x3]  }
0xd7: {  	s0 =	sadd.s32 @!p0 $0x100000, s0  }
0xd8: {  	[sflag:s0] =	ssyncadd.tile.s32 @!p0 $0x1;
	_ =	shalt  }
.Lfunc_end2:
_tile_overlayer_lowered:
.L_overlay_start_2:
0xd9: {  	(tag) =	ssettag $0x2  }
0xda: {  	s0 =	rddreg [dreg:$0x0];
	s2 =	stileid.u32  }
0xdb: {  	s1 =	rddreg [dreg:$0x1];
	p0 =	sne.s32 s2, $0x0  }
0xdc: {  	s3 =	rddreg [dreg:$0x2];
	[bflag:$0x3] =	sbarrier.arrive $0xFFFF;
	s2 =	simm.s32 @!p0 $0x1C05  }
0xdd: {  	[timem:s3], [sflag:s2] =	dma.local @!p0 [hbm:s0], s1  }
0xde: {  	s0 =	simm.s32 @!p0 $0x5  }
0xdf: {  	_ =	swait.ge @!p0 [sflag:s0], s1  }
0xe0: {  	s1 =	ssub.s32 @!p0 $0x0, s1;
	[sflag:s0] =	ssyncset.done @!p0 $0x0  }
0xe1: {  	[sflag:s0] =	ssyncadd.s32 @!p0 s1  }
0xe2: {  	[bflag:$0x3] =	sbarrier.arrive $0xFFFF  }
0xe3: {  	_ =	shalt  }

// kernel: kernel.17.cloned.1.call-start
scs
__scs_entry_jumppad:
0x0: {  	(pc) =	sbr.rel $0x88, $3  }
0x1: {  	(tag) =	ssettag $0x0;
	lr =	simm.s32 $0x1  }
0x2: {  	[smem:$0x3F99] =	sst lr;
	_ =	strace $0xD0000000  }
0x3: {  	_ = 	snop  }
0x4: {  	_ = 	snop  }
0x5: {  	_ = 	snop  }
0x6: {  	_ = 	snop  }
0x7: {  	_ = 	snop  }
__scs_overlays_trampoline_lowered:
0x8: {  	[smem:$0x3FA8] =	sst s0  }
0x9: {  	[smem:$0x3FA9] =	sst s1  }
0xa: {  	[smem:$0x3FAA] =	sst s2  }
0xb: {  	[smem:$0x3FAB] =	sst s3  }
0xc: {  	[smem:$0x3FAC] =	sst s4  }
0xd: {  	[smem:$0x3FAD] =	sst s5  }
0xe: {  	[smem:$0x3FAE] =	sst s6  }
0xf: {  	[smem:$0x3FAF] =	sst s7  }
0x10: {  	[smem:$0x3FB0] =	sst s8  }
0x11: {  	[smem:$0x3FB1] =	sst s9;
	s0 =	simm.s32 @!p0 $0x0  }
0x12: {  	s1 =	sld [smem:$0x3F97];
	s0 =	simm.s32 @p0 $0x1  }
0x13: {  	[smem:$0x3FB2] =	sst s0;
	s0 =	simm.s32 @!p1 $0x0  }
0x14: {  	s2 =	sld [smem:$0x3F96];
	s0 =	simm.s32 @p1 $0x1  }
0x15: {  	[smem:$0x3FB3] =	sst s0;
	s0 =	simm.s32 @!p2 $0x0  }
0x16: {  	s3 =	sld [smem:$0x3FDB];
	s0 =	simm.s32 @p2 $0x1  }
0x17: {  	s4 =	simm.s32 $0x1BF5;
	[smem:$0x3FB5] =	sst s0  }
0x18: {  	s0 =	sld [smem:$0x3F98];
	_ =	swait.ge [sflag:s4], $0x0  }
0x19: {  	s7 =	sld [smem:$0x3F99]  }
0x1a: {  	s8 =	sadd.s32 $0xFFFFE003, lr  }
0x1b: {  	s9 =	sadd.s32 $0xFFFFFEF7, lr;
	s5 =	simm.s32 $0xFFFFFFFF;
	p2 =	slt.u32 s8, $0xFFFFF086  }
0x1c: {  	p1 =	slt.u32 s9, $0xF7A;
	s5 =	simm.s32 @!p2 $0x0  }
0x1d: {  	s5 =	simm.s32 @p1 $0x1;
	p0 =	seq.s32 s7, s2  }
0x1e: {  	s7 =	smul.u32 @!p0 $0xF7A, s2;
	p2 =	seq.s32 @!p0 s5, $0x0  }
0x1f: {  	s9 =	smul.u32 $0xF7A, s1;
	s8 =	simm.s32 @!p0 $0x1BF5;
	p2 =	por !p2, p0  }
0x20: {  	[sflag:s8] =	ssyncset.s32 @!p0 $0xFFFFF086;
	s6 =	sadd.s32 @!p0 s3, s7;
	s7 =	simm.s32 @!p0 $0x108  }
0x21: {  	s3 =	sadd.s32 s3, s9;
	s6 =	sadd.s32 @!p0 $0x88, s6;
	s7 =	simm.s32 @p2 $0x1082  }
0x22: {  	[simem:s7], [sflag:s8] =	dma.local @!p0 [hbm:s6], $0xF7A  }
0x23: {  	s9 =	sor.u32 $0xD0000000, s2;
	s6 =	simm.s32 $0x108;
	_ =	swait.ge @!p0 [sflag:s8], $0x0  }
0x24: {  	s3 =	sadd.s32 $0x88, s3;
	s6 =	simm.s32 @!p1 $0x1082;
	[sflag:s4] =	ssyncset.s32 $0xFFFFF086  }
0x25: {  	[simem:s6], [sflag:s4] =	dma.local [hbm:s3], $0xF7A  }
0x26: {  	[smem:$0x3F99] =	sst s1;
	(tag) =	ssettag s2;
	_ =	strace s9  }
0x27: {  	s1 =	sld [smem:$0x3FA9]  }
0x28: {  	s2 =	sld [smem:$0x3FAA]  }
0x29: {  	s4 =	sld [smem:$0x3FAC]  }
0x2a: {  	p0 =	seq.s32 s5, $0x0;
	s5 =	sld [smem:$0x3FAD]  }
0x2b: {  	s6 =	sld [smem:$0x3FAE]  }
0x2c: {  	s7 =	sld [smem:$0x3FAF]  }
0x2d: {  	s3 =	simm.s32 $0x108;
	s8 =	sld [smem:$0x3FB0]  }
0x2e: {  	s3 =	simm.s32 @!p0 $0x1082;
	s9 =	sld [smem:$0x3FB1]  }
0x2f: {  	lr =	sadd.s32 s0, s3;
	s0 =	sld [smem:$0x3FA8]  }
0x30: {  	s3 =	sld [smem:$0x3FAB]  }
0x31: {  	[smem:$0x3FB4] =	sst s10  }
0x32: {  	s10 =	sld [smem:$0x3FB2];
	_ =	sdelay $0x3  }
0x33: {  	p0 =	seq.s32 s10, $0x1;
	s10 =	sld [smem:$0x3FB4];
	_ =	sdelay $0x3  }
0x34: {  	[smem:$0x3FB4] =	sst s10  }
0x35: {  	s10 =	sld [smem:$0x3FB3];
	_ =	sdelay $0x3  }
0x36: {  	p1 =	seq.s32 s10, $0x1;
	s10 =	sld [smem:$0x3FB4];
	_ =	sdelay $0x3  }
0x37: {  	[smem:$0x3FB4] =	sst s10  }
0x38: {  	s10 =	sld [smem:$0x3FB5]  }
0x39: {  	_ = 	snop;
	(pc) =	sbr.ind lr, $3  }
0x3a: {  	_ = 	snop  }
0x3b: {  	_ = 	snop  }
0x3c: {  	p2 =	seq.s32 s10, $0x1;
	s10 =	sld [smem:$0x3FB4]  }
0x3d: {  	_ =	shalt  }
0x3e: {  	_ =	shalt  }
0x3f: {  	_ =	shalt  }
0x40: {  	_ =	shalt  }
0x41: {  	_ =	shalt  }
0x42: {  	_ =	shalt  }
0x43: {  	_ =	shalt  }
0x44: {  	_ =	shalt  }
0x45: {  	_ =	shalt  }
0x46: {  	_ =	shalt  }
0x47: {  	_ =	shalt  }
0x48: {  	_ =	shalt  }
0x49: {  	_ =	shalt  }
0x4a: {  	_ =	shalt  }
0x4b: {  	_ =	shalt  }
0x4c: {  	_ =	shalt  }
0x4d: {  	_ =	shalt  }
0x4e: {  	_ =	shalt  }
0x4f: {  	_ =	shalt  }
0x50: {  	_ =	shalt  }
0x51: {  	_ =	shalt  }
0x52: {  	_ =	shalt  }
0x53: {  	_ =	shalt  }
0x54: {  	_ =	shalt  }
0x55: {  	_ =	shalt  }
0x56: {  	_ =	shalt  }
0x57: {  	_ =	shalt  }
0x58: {  	_ =	shalt  }
0x59: {  	_ =	shalt  }
0x5a: {  	_ =	shalt  }
0x5b: {  	_ =	shalt  }
0x5c: {  	_ =	shalt  }
0x5d: {  	_ =	shalt  }
0x5e: {  	_ =	shalt  }
0x5f: {  	_ =	shalt  }
0x60: {  	_ =	shalt  }
0x61: {  	_ =	shalt  }
0x62: {  	_ =	shalt  }
0x63: {  	_ =	shalt  }
0x64: {  	_ =	shalt  }
0x65: {  	_ =	shalt  }
0x66: {  	_ =	shalt  }
0x67: {  	_ =	shalt  }
0x68: {  	_ =	shalt  }
0x69: {  	_ =	shalt  }
0x6a: {  	_ =	shalt  }
0x6b: {  	_ =	shalt  }
0x6c: {  	_ =	shalt  }
0x6d: {  	_ =	shalt  }
0x6e: {  	_ =	shalt  }
0x6f: {  	_ =	shalt  }
0x70: {  	_ =	shalt  }
0x71: {  	_ =	shalt  }
0x72: {  	_ =	shalt  }
0x73: {  	_ =	shalt  }
0x74: {  	_ =	shalt  }
0x75: {  	_ =	shalt  }
0x76: {  	_ =	shalt  }
0x77: {  	_ =	shalt  }
0x78: {  	_ =	shalt  }
0x79: {  	_ =	shalt  }
0x7a: {  	_ =	shalt  }
0x7b: {  	_ =	shalt  }
0x7c: {  	_ =	shalt  }
0x7d: {  	_ =	shalt  }
0x7e: {  	_ =	shalt  }
0x7f: {  	_ =	shalt  }
0x80: {  	_ =	shalt  }
0x81: {  	_ =	shalt  }
0x82: {  	_ =	shalt  }
0x83: {  	_ =	shalt  }
0x84: {  	_ =	shalt  }
0x85: {  	_ =	shalt  }
0x86: {  	_ =	shalt  }
0x87: {  	_ =	shalt  }
.Lfunc_end0:
.L_simem_size_0:
called_computation.2_lowered:
.L_overlay_start_0:
0x88: {  	s2 =	sld [smem:$0x3FD9]  }
0x89: {  	s3 =	sld [smem:$0x3FFE];
	_ =	sdelay $0x1  }
0x8a: {  	s1 =	srdreg.scid  }
0x8b: {  	s0 =	sand.u32 $0x1, s1  }
0x8c: {  	s17 =	sshll.u32 s0, $0xA;
	s2 =	sadd.s32 s3, s2  }
0x8d: {  	s2 =	sadd.s32 s2, s17  }
0x8e: {  	[smem:$0x3FC0] =	sst s2  }
0x8f: {  	_ = 	snop  }
0x90: {  	s2 =	sld [smem:$0x3FD0];
	(tm) =	ssettm $0x1  }
0x91: {  	s18 =	sld [smem:$0x3FFB];
	_ =	sdelay $0x3  }
0x92: {  	_ =	strace s18  }
0x93: {  	s3 =	sld [smem:$0x3FFC];
	_ =	sdelay $0x3  }
0x94: {  	_ =	strace s3  }
0x95: {  	s3 =	sld [smem:$0x3FFD];
	_ =	sdelay $0x3  }
0x96: {  	_ =	strace s3  }
0x97: {  	_ =	strace $0x8FFFFFFF  }
0x98: {  	s19 =	sld [smem:$0x3FDB];
	_ =	sdelay $0x1  }
0x99: {  	s4 =	simm.s32 $_scs_section_size  }
0x9a: {  	s5 =	simm.s32 $_size__tile_overlayer_lowered;
	s6 =	simm.s32 $_tile_overlayer_lowered  }
0x9b: {  	s22 =	simm.s32 $0x1BFF;
	s21 =	sshll.u32 s6, $0x1;
	s3 =	sadd.s32 s4, s19  }
0x9c: {  	s7 =	simm.s32 $0x0;
	s20 =	sshll.u32 s5, $0x1;
	s5 =	sadd.s32 s21, s3  }
0x9d: {  	[timem:s7], [sflag:s22] =	dma.local [hbm:s5], s20  }
0x9e: {  	_ =	swait.ge [sflag:s22], s20  }
0x9f: {  	s4 =	ssub.s32 $0x0, s20;
	[sflag:s22] =	ssyncset.done $0x0  }
0xa0: {  	[sflag:s22] =	ssyncadd.s32 s4;
	_ =	sdelay $0x1  }
0xa1: {  	s23 =	simm.s32 $0x1B8B  }
0xa2: {  	_ =	swait.ge [sflag:s23], $0x1  }
0xa3: {  	[sflag:s23] =	ssyncset.done $0x0  }
0xa4: {  	s25 =	simm.s32 $0x1B8E;
	s24 =	sld [smem:$0x3FFE];
	[sflag:s23] =	ssyncadd.s32 $0xFFFFFFFF  }
0xa5: {  	s26 =	simm.s32 $execute0_lowered;
	[smem:$0x3FD2] =	sst s25  }
0xa6: {  	s5 =	sshll.u32 s26, $0x1;
	_ =	strace $0x8000004C;
	[dreg:$0x1] =	wrdreg $0xFFFFFFFF  }
0xa7: {  	s28 =	simm.s32 $_size_execute0_lowered;
	s3 =	sadd.s32 s3, s5;
	[dreg:$0x0] =	wrdreg $0x0  }
0xa8: {  	s5 =	sshll.u32 s28, $0x1;
	[dreg:$0x2] =	wrdreg s3  }
0xa9: {  	[dreg:$0x3] =	wrdreg s5  }
0xaa: {  	[dreg:$0x4] =	wrdreg $0xC0  }
0xab: {  	_ =	task [dreg:s7], $0x5FFFF  }
0xac: {  	[dreg:$0x1] =	wrdreg $0xFFFFFFFF  }
0xad: {  	[dreg:$0x0] =	wrdreg $0x60  }
0xae: {  	[dreg:$0x2] =	wrdreg s24  }
0xaf: {  	[dreg:$0x3] =	wrdreg s2  }
0xb0: {  	[dreg:$0x4] =	wrdreg $0x59800  }
0xb1: {  	[dreg:$0x5] =	wrdreg $0x9  }
0xb2: {  	_ =	task.clear_ibuf [dreg:s7], $0x6FFFF;
	_ =	strace $0x9000004C  }
0xb3: {  	s29 =	simm.s32 $0x9;
	_ =	strace $0x8000004E  }
0xb4: {  	_ =	swait.ge [sflag:s29], $0x1  }
0xb5: {  	[sflag:s29] =	ssyncadd.s32 $0xFFFFFFFF  }
0xb6: {  	_ =	strace $0x9000004E  }
0xb7: {  	_ =	sfence  }
0xb8: {  	s30 =	sld [smem:$0x0];
	_ =	sdelay $0x2  }
0xb9: {  	s31 =	sshll.u32 s1, $0xD;
	s1 =	sshrl.u32 s1, $0x2  }
0xba: {  	s3 =	sand.u32 $0x4000, s31;
	s1 =	sadd.s32 s1, s30  }
0xbb: {  	s0 =	sor.u32 s3, s0;
	s1 =	sshll.u32 s1, $0x11  }
0xbc: {  	s0 =	sor.u32 s1, s0  }
0xbd: {  	s0 =	sadd.s32 $0x8F2B, s0  }
0xbe: {  	[sflag:s0] =	ssyncadd.remote.s32 $0x1  }
0xbf: {  	_ =	sfence.sel $0xFFFF  }
0xc0: {  	[dreg:$0x0] =	wrdreg $0xFFFFFFFF;
	(pc) =	sbr.abs _section_cstart, $3  }
0xc1: {  	[dreg:$0x1] =	wrdreg $0xFFFFFFFF  }
0xc2: {  	_ =	task.clear_ibuf [dreg:s7], $0x2FFFF;
	_ =	strace $0x9FFFFFFF  }
0xc3: {  	(tm) =	ssettm $0x7FFFFFFF  }
tec
execute0_lowered:
.L_overlay_start_1:
0x0: {  	(tag) =	ssettag $0x1  }
0x1: {  	s0 =	rddreg [dreg:$0x0]  }
0x2: {  	s2 =	rddreg [dreg:$0x1]  }
0x3: {  	s3 =	rddreg [dreg:$0x2]  }
0x4: {  	s4 =	simm.s32 $0x0;
	s9 =	stileid.u32;
	s1 =	srdreg.scid  }
0x5: {  	s16 =	simm.s32 $0x5;
	s17 =	simm.s32 $0x1C00;
	s18 =	simm.s32 $0x28  }
0x6: {  	s19 =	simm.s32 $0x1D80;
	s20 =	simm.s32 $0x3180;
	s21 =	simm.s32 $0x1C80  }
0x7: {  	s22 =	simm.s32 $0x1;
	s23 =	simm.s32 $0x2;
	s7 =	smul.u32 $0x50, s9  }
0x8: {  	s24 =	simm.s32 $0x4;
	s25 =	simm.s32 $0x3;
	s29 =	smul.u32 $0x11800, s9  }
0x9: {  	s26 =	simm.s32 $0x1880;
	s28 =	simm.s32 $0x0;
	s13 =	smul.u32 $0x9C4, s9  }
0xa: {  	[smem:$0x7FF] =	sst s4;
	s1 =	sand.u32 $0x1, s1;
	s14 =	smul.u32 $0x2800, s9  }
0xb: {  	s5 =	sadd.s32 $0x3400, s0;
	s6 =	sadd.s32 $0x9FC00, s0;
	s8 =	smul.u32 $0x27100, s1  }
0xc: {  	s11 =	sadd.s32 $0x3000, s0;
	s10 =	smul.u32 $0x118000, s1;
	s1 =	ssub.s32 $0x2, s1  }
0xd: {  	_ =	strace $0x8000004D;
	[dreg:$0x4] =	wrdreg s11;
	s30 =	sshrl.u32 s1, $0x1  }
0xe: {  	s7 =	sadd.s32 s7, s0;
	s31 =	sadd.s32 s13, s2;
	s1 =	ssub.s32 s1, s30  }
0xf: {  	s0 =	sadd.s32 s8, s0;
	s8 =	sshll.u32 s9, $0x4;
	s1 =	smax.u32 s1, $0x1  }
0x10: {  	s0 =	sadd.s32 s14, s0;
	[dreg:$0x5] =	wrdreg s1;
	s1 =	sadd.s32 $0x5, s31  }
0x11: {  	s9 =	smul.u32 $0x4E20, s9;
	s0 =	sadd.s32 $0x51600, s0;
	[dreg:$0x6] =	wrdreg s1  }
0x12: {  	s10 =	sadd.s32 s29, s10;
	s12 =	sadd.s32 $0x2A00, s7;
	[dreg:$0x7] =	wrdreg s0  }
.LBB2_1:
0x13: {  	s0 =	rddreg [dreg:$0x4];
	s1 =	simm.s32 $0x4580;
	s30 =	sadd.s32 $0x0, s8  }
0x14: {  	[tilespmem:s1], [sflag:$0x5] =	stream.linear.gather [hbm4b:s0+s4], $0x1400, $0x38;
	[tilespmem:$0x19200] =	vst v63  }
0x15: {  	p1 =	sgt.u32 s30, $0xF9;
	_ =	swait.ge [sflag:s16], $0x1400  }
0x16: {  	p0 =	por p1, p1;
	s0 =	simm.s32 @!p1 $0x0;
	[sflag:s16] =	ssyncset.done $0x0  }
0x17: {  	s1 =	simm.s32 @!p1 $0x1D00;
	s7 =	simm.s32 @!p0 $0x6;
	[sflag:s16] =	ssyncadd.s32 $0xFFFFEC00  }
0x18: {  	[tilespmem:s1], [sflag:$0x6] =	stream.linear.gather @!p0 [hbm4b:s12+s0], $0x28, $0x38;
	[tilespmem:$0x19200] =	vst v63  }
0x19: {  	s31 =	sadd.s32 $0x1, s8;
	_ =	swait.ge @!p0 [sflag:s7], $0x28  }
0x1a: {  	p1 =	sgt.u32 s31, $0xF9;
	s15 =	simm.s32 @!p0 $0x5;
	[sflag:s7] =	ssyncset.done @!p0 $0x0  }
0x1b: {  	s0 =	simm.s32 @!p0 $0x28;
	[sflag:s7] =	ssyncadd.s32 @!p0 $0xFFFFFFD8;
	s7 =	simm.s32 @!p0 $0x4580  }
0x1c: {  	[spmem:s3] =	stream.indirect.scatter @!p0 [tilespmem:s7], [sflag:$0x5], $0x80, s1, s0, $0xb8;
	[tilespmem:$0x19200] =	vst v63  }
0x1d: {  	s1 =	simm.s32 $0x2;
	s0 =	sadd.s32 $0x5, s12;
	_ =	swait.ge @!p0 [sflag:s15], $0x1400  }
.LBB2_2:
0x1e: {  	s7 =	simm.s32 @!p1 $0x0  }
0x1f: {  	s29 =	simm.s32 @!p1 $0x1D00;
	[sflag:s15] =	ssyncset.done @!p0 $0x0;
	s30 =	smov.u32 s1  }
0x20: {  	p2 =	por p0, p0;
	p0 =	por p1, p1;
	s1 =	sadd.s32 $0x1, s1  }
0x21: {  	s31 =	simm.s32 @!p0 $0x6;
	[sflag:s15] =	ssyncadd.s32 @!p2 $0xFFFFEC00;
	p2 =	sne.s32 s1, $0x10  }
0x22: {  	[tilespmem:s29], [sflag:$0x6] =	stream.linear.gather @!p0 [hbm4b:s0+s7], $0x28, $0x38;
	[tilespmem:$0x19200] =	vst v63  }
.Ltmp0:
0x23: {  	_ =	swait.ge @!p0 [sflag:s31], $0x28;
	(pc) =	sbr.rel @p2 .LBB2_2-.Ltmp0, $4  }
0x24: {  	s15 =	simm.s32 @!p0 $0x5;
	s7 =	sadd.s32 s30, s8;
	[sflag:s31] =	ssyncset.done @!p0 $0x0  }
0x25: {  	s30 =	simm.s32 @!p0 $0x28;
	[sflag:s31] =	ssyncadd.s32 @!p0 $0xFFFFFFD8;
	s31 =	simm.s32 @!p0 $0x4580  }
0x26: {  	[spmem:s3] =	stream.indirect.scatter @!p0 [tilespmem:s31], [sflag:$0x5], $0x80, s29, s30, $0xb8;
	[tilespmem:$0x19200] =	vst v63  }
0x27: {  	s0 =	sadd.s32 $0x5, s0;
	p1 =	sgt.u32 s7, $0xF9;
	_ =	swait.ge @!p0 [sflag:s15], $0x1400  }
0x28: {  	s1 =	simm.s32 @!p1 $0x0  }
0x29: {  	[sflag:s15] =	ssyncset.done @!p0 $0x0;
	p0 =	por p0, p0;
	p2 =	por p1, p1  }
0x2a: {  	s7 =	simm.s32 @!p1 $0x1D00;
	s29 =	simm.s32 @!p2 $0x6;
	[sflag:s15] =	ssyncadd.s32 @!p0 $0xFFFFEC00  }
0x2b: {  	[tilespmem:s7], [sflag:$0x6] =	stream.linear.gather @!p2 [hbm4b:s0+s1], $0x28, $0x38;
	[tilespmem:$0x19200] =	vst v63  }
0x2c: {  	_ =	swait.ge @!p2 [sflag:s29], $0x28  }
0x2d: {  	s15 =	simm.s32 @!p2 $0x4580;
	[sflag:s29] =	ssyncset.done @!p2 $0x0  }
0x2e: {  	s0 =	simm.s32 @!p2 $0x5;
	s1 =	simm.s32 @!p2 $0x28;
	[sflag:s29] =	ssyncadd.s32 @!p2 $0xFFFFFFD8  }
0x2f: {  	[spmem:s3] =	stream.indirect.scatter @!p2 [tilespmem:s15], [sflag:$0x5], $0x80, s7, s1, $0xb8;
	[tilespmem:$0x19200] =	vst v63  }
0x30: {  	_ =	swait.ge @!p2 [sflag:s0], $0x1400  }
0x31: {  	p0 =	por p2, p2;
	[sflag:s0] =	ssyncset.done @!p2 $0x0  }
0x32: {  	[sflag:s0] =	ssyncadd.s32 @!p0 $0xFFFFEC00  }
0x33: {  	[bflag:$0x0] =	sbarrier.arrive $0xFFFF  }
0x34: {  	s31 =	simm.s32 $0x0;
	s29 =	simm.s32 $0x0;
	s30 =	rddreg [dreg:$0x6]  }
.LBB2_4:
0x35: {  	s0 =	smul.u32 $0x1C00, s31;
	_ =	sdelay $0x1  }
0x36: {  	s0 =	sadd.s32 s0, s10  }
0x37: {  	s0 =	sshrl.u32 s0, $0x3  }
0x38: {  	s1 =	smul.u32 $0x7D0, s31;
	s0 =	sadd.s32 s6, s0  }
0x39: {  	[tilespmem:s29], [sflag:$0x5] =	stream.linear.gather [hbm4b:s0+s29], $0x1900, $0x38;
	[tilespmem:$0x19200] =	vst v63  }
0x3a: {  	s0 =	sadd.s32 s9, s1;
	_ =	swait.ge [sflag:s16], $0x1900  }
0x3b: {  	s1 =	sshrl.u32 s0, $0x3;
	[sflag:s16] =	ssyncset.done $0x0  }
0x3c: {  	s1 =	sadd.s32 s2, s1;
	[sflag:s16] =	ssyncadd.s32 $0xFFFFE700  }
0x3d: {  	[tilespmem:s17], [sflag:$0x5] =	stream.linear.gather [hbm4b:s1+s29], $0x28, $0x38;
	[tilespmem:$0x19200] =	vst v63  }
0x3e: {  	_ =	swait.ge [sflag:s16], $0x28  }
0x3f: {  	[sflag:s16] =	ssyncset.done $0x0  }
0x40: {  	[sflag:s16] =	ssyncadd.s32 $0xFFFFFFD8  }
0x41: {  	[tilespmem:s19], [sflag:$0x1] =	stream.indirect.gather [hbm4b:s5+s18], $0x80, s29, s18, $0xb8;
	[tilespmem:$0x19200] =	vst v63  }
0x42: {  	s13 =	simm.s32 $0x80  }
0x43: {  	[tilespmem:s20], [sflag:$0x2] =	stream.indirect.gather [hbm4b:s5+s18], $0x80, s13, s18, $0xb8;
	[tilespmem:$0x19200] =	vst v63  }
0x44: {  	_ = 	snop  }
0x45: {  	[tilespmem:s21], [sflag:$0x4] =	stream.linear.gather [hbm4b:s30+s4], $0x28, $0x38;
	[tilespmem:$0x19200] =	vst v63  }
0x46: {  	_ =	swait.ge [sflag:s22], $0x1400  }
0x47: {  	[sflag:s22] =	ssyncset.done $0x0  }
0x48: {  	[sflag:s22] =	ssyncadd.s32 $0xFFFFEC00  }
0x49: {  	[spmem:s3] =	stream.indirect.scatter.add.f32 [tilespmem:s19], [sflag:$0x5], $0x80, s17, s18, $0xb8;
	[tilespmem:$0x19200] =	vst v63  }
0x4a: {  	_ =	swait.ge [sflag:s16], $0x1400  }
0x4b: {  	[sflag:s16] =	ssyncset.done $0x0  }
0x4c: {  	s14 =	simm.s32 $0x100;
	[sflag:s16] =	ssyncadd.s32 $0xFFFFEC00  }
0x4d: {  	[tilespmem:s19], [sflag:$0x1] =	stream.indirect.gather [hbm4b:s5+s18], $0x80, s14, s18, $0xb8;
	[tilespmem:$0x19200] =	vst v63  }
0x4e: {  	s15 =	sadd.s32 $0x5, s30  }
0x4f: {  	[tilespmem:s17], [sflag:$0x3] =	stream.linear.gather [hbm4b:s15+s4], $0x28, $0x38;
	[tilespmem:$0x19200] =	vst v63  }
0x50: {  	_ =	swait.ge [sflag:s23], $0x1400  }
0x51: {  	[sflag:s23] =	ssyncset.done $0x0  }
0x52: {  	[sflag:s23] =	ssyncadd.s32 $0xFFFFEC00  }
0x53: {  	_ =	swait.ge [sflag:s24], $0x28  }
0x54: {  	[sflag:s24] =	ssyncset.done $0x0  }
0x55: {  	[sflag:s24] =	ssyncadd.s32 $0xFFFFFFD8  }
0x56: {  	[spmem:s3] =	stream.indirect.scatter.add.f32 [tilespmem:s20], [sflag:$0x5], $0x80, s21, s18, $0xb8;
	[tilespmem:$0x19200] =	vst v63  }
0x57: {  	_ =	swait.ge [sflag:s16], $0x1400  }
0x58: {  	[sflag:s16] =	ssyncset.done $0x0  }
0x59: {  	[sflag:s16] =	ssyncadd.s32 $0xFFFFEC00  }
0x5a: {  	s7 =	simm.s32 $0x800;
	_ =	swait.ge [sflag:s25], $0x28  }
0x5b: {  	s1 =	sadd.s32 $0xA, s30;
	s15 =	simm.s32 $0x100;
	[sflag:s25] =	ssyncset.done $0x0  }
.LBB2_5:
0x5c: {  	s11 =	sadd.s32 $0x80, s15  }
0x5d: {  	[sflag:s25] =	ssyncadd.s32 $0xFFFFFFD8;
	s13 =	smov.u32 s7;
	s14 =	sadd.s32 $0x400, s7  }
0x5e: {  	[tilespmem:s20], [sflag:$0x2] =	stream.indirect.gather [hbm4b:s5+s18], $0x80, s11, s18, $0xb8;
	[tilespmem:$0x19200] =	vst v63  }
0x5f: {  	p0 =	sne.s32 s7, $0x5C00  }
0x60: {  	[tilespmem:s21], [sflag:$0x4] =	stream.linear.gather [hbm4b:s1+s4], $0x28, $0x38;
	[tilespmem:$0x19200] =	vst v63  }
0x61: {  	_ =	swait.ge [sflag:s22], $0x1400  }
0x62: {  	[sflag:s22] =	ssyncset.done $0x0  }
0x63: {  	[sflag:s22] =	ssyncadd.s32 $0xFFFFEC00  }
0x64: {  	[spmem:s3] =	stream.indirect.scatter.add.f32 [tilespmem:s19], [sflag:$0x5], $0x80, s17, s18, $0xb8;
	[tilespmem:$0x19200] =	vst v63  }
0x65: {  	_ =	swait.ge [sflag:s16], $0x1400  }
0x66: {  	[sflag:s16] =	ssyncset.done $0x0  }
0x67: {  	s7 =	sadd.s32 $0x100, s15;
	[sflag:s16] =	ssyncadd.s32 $0xFFFFEC00  }
0x68: {  	[tilespmem:s19], [sflag:$0x1] =	stream.indirect.gather [hbm4b:s5+s18], $0x80, s7, s18, $0xb8;
	[tilespmem:$0x19200] =	vst v63  }
0x69: {  	s7 =	sadd.s32 $0x5, s1  }
0x6a: {  	[tilespmem:s17], [sflag:$0x3] =	stream.linear.gather [hbm4b:s7+s4], $0x28, $0x38;
	[tilespmem:$0x19200] =	vst v63  }
0x6b: {  	_ =	swait.ge [sflag:s23], $0x1400  }
0x6c: {  	[sflag:s23] =	ssyncset.done $0x0  }
0x6d: {  	[sflag:s23] =	ssyncadd.s32 $0xFFFFEC00  }
0x6e: {  	_ =	swait.ge [sflag:s24], $0x28  }
0x6f: {  	[sflag:s24] =	ssyncset.done $0x0  }
0x70: {  	[sflag:s24] =	ssyncadd.s32 $0xFFFFFFD8  }
0x71: {  	[spmem:s3] =	stream.indirect.scatter.add.f32 [tilespmem:s20], [sflag:$0x5], $0x80, s21, s18, $0xb8;
	[tilespmem:$0x19200] =	vst v63  }
.Ltmp1:
0x72: {  	_ =	swait.ge [sflag:s16], $0x1400;
	(pc) =	sbr.rel @p0 .LBB2_5-.Ltmp1, $4  }
0x73: {  	[sflag:s16] =	ssyncset.done $0x0  }
0x74: {  	[sflag:s16] =	ssyncadd.s32 $0xFFFFEC00  }
0x75: {  	s15 =	sshra.s32 s13, $0x2;
	_ =	swait.ge [sflag:s25], $0x28  }
0x76: {  	s1 =	sadd.s32 $0xA, s1;
	s7 =	smov.u32 s14;
	[sflag:s25] =	ssyncset.done $0x0  }
0x77: {  	s7 =	sadd.s32 $0x80, s15;
	[sflag:s25] =	ssyncadd.s32 $0xFFFFFFD8  }
0x78: {  	[tilespmem:s20], [sflag:$0x2] =	stream.indirect.gather [hbm4b:s5+s18], $0x80, s7, s18, $0xb8;
	[tilespmem:$0x19200] =	vst v63  }
0x79: {  	_ = 	snop  }
0x7a: {  	[tilespmem:s21], [sflag:$0x4] =	stream.linear.gather [hbm4b:s1+s4], $0x28, $0x38;
	[tilespmem:$0x19200] =	vst v63  }
0x7b: {  	_ =	swait.ge [sflag:s22], $0x1400  }
0x7c: {  	[sflag:s22] =	ssyncset.done $0x0  }
0x7d: {  	[sflag:s22] =	ssyncadd.s32 $0xFFFFEC00  }
0x7e: {  	[spmem:s3] =	stream.indirect.scatter.add.f32 [tilespmem:s19], [sflag:$0x5], $0x80, s17, s18, $0xb8;
	[tilespmem:$0x19200] =	vst v63  }
0x7f: {  	_ =	swait.ge [sflag:s16], $0x1400  }
0x80: {  	[sflag:s16] =	ssyncset.done $0x0  }
0x81: {  	s14 =	sadd.s32 $0x100, s15;
	[sflag:s16] =	ssyncadd.s32 $0xFFFFEC00  }
0x82: {  	[tilespmem:s19], [sflag:$0x1] =	stream.indirect.gather [hbm4b:s5+s18], $0x80, s14, s18, $0xb8;
	[tilespmem:$0x19200] =	vst v63  }
0x83: {  	s15 =	sadd.s32 $0x5, s1  }
0x84: {  	[tilespmem:s17], [sflag:$0x3] =	stream.linear.gather [hbm4b:s15+s4], $0x28, $0x38;
	[tilespmem:$0x19200] =	vst v63  }
0x85: {  	_ =	swait.ge [sflag:s23], $0x1400  }
0x86: {  	[sflag:s23] =	ssyncset.done $0x0  }
0x87: {  	[sflag:s23] =	ssyncadd.s32 $0xFFFFEC00  }
0x88: {  	_ =	swait.ge [sflag:s24], $0x28  }
0x89: {  	[sflag:s24] =	ssyncset.done $0x0  }
0x8a: {  	[sflag:s24] =	ssyncadd.s32 $0xFFFFFFD8  }
0x8b: {  	[spmem:s3] =	stream.indirect.scatter.add.f32 [tilespmem:s20], [sflag:$0x5], $0x80, s21, s18, $0xb8;
	[tilespmem:$0x19200] =	vst v63  }
0x8c: {  	_ =	swait.ge [sflag:s16], $0x1400  }
0x8d: {  	[sflag:s16] =	ssyncset.done $0x0  }
0x8e: {  	[sflag:s16] =	ssyncadd.s32 $0xFFFFEC00  }
0x8f: {  	_ =	swait.ge [sflag:s25], $0x28  }
0x90: {  	s0 =	sadd.s32 $0x7A8, s0;
	[sflag:s25] =	ssyncset.done $0x0  }
0x91: {  	s0 =	sshrl.u32 s0, $0x3;
	[sflag:s25] =	ssyncadd.s32 $0xFFFFFFD8  }
0x92: {  	[tilespmem:s20], [sflag:$0x2] =	stream.indirect.gather [hbm4b:s5+s18], $0x80, s26, s18, $0xb8;
	[tilespmem:$0x19200] =	vst v63  }
0x93: {  	s0 =	sadd.s32 s2, s0  }
0x94: {  	[tilespmem:s21], [sflag:$0x4] =	stream.linear.gather [hbm4b:s0+s4], $0x28, $0x38;
	[tilespmem:$0x19200] =	vst v63  }
0x95: {  	_ =	swait.ge [sflag:s22], $0x1400  }
0x96: {  	[sflag:s22] =	ssyncset.done $0x0  }
0x97: {  	[sflag:s22] =	ssyncadd.s32 $0xFFFFEC00  }
0x98: {  	[spmem:s3] =	stream.indirect.scatter.add.f32 [tilespmem:s19], [sflag:$0x5], $0x80, s17, s18, $0xb8;
	[tilespmem:$0x19200] =	vst v63  }
0x99: {  	_ =	swait.ge [sflag:s16], $0x1400  }
0x9a: {  	[sflag:s16] =	ssyncset.done $0x0  }
0x9b: {  	[sflag:s16] =	ssyncadd.s32 $0xFFFFEC00  }
0x9c: {  	_ =	swait.ge [sflag:s23], $0x1400  }
0x9d: {  	[sflag:s23] =	ssyncset.done $0x0  }
0x9e: {  	[sflag:s23] =	ssyncadd.s32 $0xFFFFEC00  }
0x9f: {  	s31 =	sadd.s32 $0x1, s31;
	_ =	swait.ge [sflag:s24], $0x28  }
0xa0: {  	p0 =	sne.s32 s31, $0xA;
	[sflag:s24] =	ssyncset.done $0x0  }
.Ltmp2:
0xa1: {  	[sflag:s24] =	ssyncadd.s32 $0xFFFFFFD8;
	(pc) =	sbr.rel @p0 .LBB2_4-.Ltmp2, $4  }
0xa2: {  	[spmem:s3] =	stream.indirect.scatter.add.f32 [tilespmem:s20], [sflag:$0x5], $0x80, s21, s18, $0xb8;
	[tilespmem:$0x19200] =	vst v63  }
0xa3: {  	_ =	swait.ge [sflag:s16], $0x1400  }
0xa4: {  	[sflag:s16] =	ssyncset.done $0x0  }
0xa5: {  	s30 =	sadd.s32 $0xFA, s30;
	[sflag:s16] =	ssyncadd.s32 $0xFFFFEC00  }
0xa6: {  	s0 =	sadd.s32 $0x0, s8  }
0xa7: {  	[bflag:$0x0] =	sbarrier.arrive $0xFFFF;
	p0 =	sgt.u32 s0, $0xF9  }
0xa8: {  	s0 =	simm.s32 @!p0 $0x0;
	s1 =	simm.s32 @!p0 $0x1D00;
	s7 =	simm.s32 @!p0 $0x6  }
0xa9: {  	[tilespmem:s1], [sflag:$0x6] =	stream.linear.gather @!p0 [hbm4b:s12+s0], $0x28, $0x38;
	[tilespmem:$0x19200] =	vst v63  }
0xaa: {  	_ =	swait.ge @!p0 [sflag:s7], $0x28;
	p0 =	por p0, p0  }
0xab: {  	[sflag:s7] =	ssyncset.done @!p0 $0x0  }
0xac: {  	s11 =	simm.s32 @!p0 $0x28;
	s13 =	simm.s32 @!p0 $0x4580;
	[sflag:s7] =	ssyncadd.s32 @!p0 $0xFFFFFFD8  }
0xad: {  	[tilespmem:s13], [sflag:$0x6] =	stream.indirect.gather @!p0 [spmem:s3], $0x80, s1, s11, $0xb8;
	[tilespmem:$0x19200] =	vst v63  }
0xae: {  	s31 =	sadd.s32 $0x1, s8;
	_ =	swait.ge @!p0 [sflag:s7], $0x1400  }
0xaf: {  	s29 =	sadd.s32 $0x5, s12;
	p1 =	sgt.u32 s31, $0xF9;
	[sflag:s7] =	ssyncset.done @!p0 $0x0  }
0xb0: {  	s15 =	simm.s32 @!p0 $0x5;
	[sflag:s7] =	ssyncadd.s32 @!p0 $0xFFFFEC00;
	s7 =	rddreg [dreg:$0x7]  }
0xb1: {  	[hbm4b:s7+s0] =	stream.linear.scatter @!p0 [tilespmem:s13], [sflag:$0x5], $0x1400, $0x38;
	[tilespmem:$0x19200] =	vst v63  }
0xb2: {  	s1 =	simm.s32 $0x2;
	s0 =	sadd.s32 $0x280, s7;
	_ =	swait.ge @!p0 [sflag:s15], $0x1400  }
.LBB2_8:
0xb3: {  	s7 =	simm.s32 @!p1 $0x0;
	s11 =	simm.s32 @!p1 $0x1D00  }
0xb4: {  	[sflag:s15] =	ssyncset.done @!p0 $0x0;
	s13 =	smov.u32 s1;
	s14 =	smov.u32 s0  }
0xb5: {  	s1 =	sadd.s32 $0x1, s1;
	s30 =	simm.s32 @!p1 $0x6;
	[sflag:s15] =	ssyncadd.s32 @!p0 $0xFFFFEC00  }
0xb6: {  	[tilespmem:s11], [sflag:$0x6] =	stream.linear.gather @!p1 [hbm4b:s29+s7], $0x28, $0x38;
	[tilespmem:$0x19200] =	vst v63  }
0xb7: {  	p2 =	sne.s32 s1, $0x10;
	p0 =	por p1, p1;
	_ =	swait.ge @!p1 [sflag:s30], $0x28  }
0xb8: {  	[sflag:s30] =	ssyncset.done @!p0 $0x0  }
0xb9: {  	s15 =	simm.s32 @!p0 $0x28;
	s31 =	simm.s32 @!p0 $0x4580;
	[sflag:s30] =	ssyncadd.s32 @!p0 $0xFFFFFFD8  }
0xba: {  	[tilespmem:s31], [sflag:$0x6] =	stream.indirect.gather @!p0 [spmem:s3], $0x80, s11, s15, $0xb8;
	[tilespmem:$0x19200] =	vst v63  }
.Ltmp3:
0xbb: {  	_ =	swait.ge @!p0 [sflag:s30], $0x1400;
	(pc) =	sbr.rel @p2 .LBB2_8-.Ltmp3, $4  }
0xbc: {  	s0 =	sadd.s32 $0x280, s0;
	[sflag:s30] =	ssyncset.done @!p0 $0x0  }
0xbd: {  	s11 =	sadd.s32 s13, s8;
	s15 =	simm.s32 @!p0 $0x5;
	[sflag:s30] =	ssyncadd.s32 @!p0 $0xFFFFEC00  }
0xbe: {  	[hbm4b:s14+s7] =	stream.linear.scatter @!p0 [tilespmem:s31], [sflag:$0x5], $0x1400, $0x38;
	[tilespmem:$0x19200] =	vst v63  }
0xbf: {  	s29 =	sadd.s32 $0x5, s29;
	p1 =	sgt.u32 s11, $0xF9;
	_ =	swait.ge @!p0 [sflag:s15], $0x1400  }
0xc0: {  	s1 =	simm.s32 @!p1 $0x0;
	[sflag:s15] =	ssyncset.done @!p0 $0x0  }
0xc1: {  	s7 =	simm.s32 @!p1 $0x1D00;
	s11 =	simm.s32 @!p1 $0x6;
	[sflag:s15] =	ssyncadd.s32 @!p0 $0xFFFFEC00  }
0xc2: {  	[tilespmem:s7], [sflag:$0x6] =	stream.linear.gather @!p1 [hbm4b:s29+s1], $0x28, $0x38;
	[tilespmem:$0x19200] =	vst v63  }
0xc3: {  	p0 =	por p1, p1;
	_ =	swait.ge @!p1 [sflag:s11], $0x28  }
0xc4: {  	[sflag:s11] =	ssyncset.done @!p0 $0x0  }
0xc5: {  	s13 =	simm.s32 @!p0 $0x28;
	s14 =	simm.s32 @!p0 $0x4580;
	[sflag:s11] =	ssyncadd.s32 @!p0 $0xFFFFFFD8  }
0xc6: {  	[tilespmem:s14], [sflag:$0x6] =	stream.indirect.gather @!p0 [spmem:s3], $0x80, s7, s13, $0xb8;
	[tilespmem:$0x19200] =	vst v63  }
0xc7: {  	_ =	swait.ge @!p0 [sflag:s11], $0x1400  }
0xc8: {  	[sflag:s11] =	ssyncset.done @!p0 $0x0  }
0xc9: {  	s7 =	simm.s32 @!p0 $0x5;
	[sflag:s11] =	ssyncadd.s32 @!p0 $0xFFFFEC00  }
0xca: {  	[hbm4b:s0+s1] =	stream.linear.scatter @!p0 [tilespmem:s14], [sflag:$0x5], $0x1400, $0x38;
	[tilespmem:$0x19200] =	vst v63  }
0xcb: {  	_ =	swait.ge @!p0 [sflag:s7], $0x1400  }
0xcc: {  	s28 =	sadd.s32 $0x1, s28;
	s31 =	rddreg [dreg:$0x5]  }
0xcd: {  	p1 =	sne.s32 s28, s31  }
.Ltmp4:
0xce: {  	_ = 	snop;
	(pc) =	sbr.rel @p1 .LBB2_1-.Ltmp4, $3  }
0xcf: {  	_ =	sdelay $0x1  }
0xd0: {  	[sflag:s7] =	ssyncset.done @!p0 $0x0  }
0xd1: {  	[sflag:s7] =	ssyncadd.s32 @!p0 $0xFFFFEC00  }
0xd2: {  	_ =	sfence.sel $0x180000  }
0xd3: {  	[bflag:$0x0] =	sbarrier.arrive $0xFFFF  }
0xd4: {  	_ =	strace $0x9000004D  }
0xd5: {  	s0 =	stileid.u32;
	[bflag:$0x2] =	sbarrier.arrive $0xFFFF  }
0xd6: {  	p0 =	sne.s32 s0, $0x0;
	s0 =	rddreg [dreg:$0x3]  }
0xd7: {  	s0 =	sadd.s32 @!p0 $0x100000, s0  }
0xd8: {  	[sflag:s0] =	ssyncadd.tile.s32 @!p0 $0x1;
	_ =	shalt  }
.Lfunc_end2:
_tile_overlayer_lowered:
.L_overlay_start_2:
0xd9: {  	(tag) =	ssettag $0x2  }
0xda: {  	s0 =	rddreg [dreg:$0x0];
	s2 =	stileid.u32  }
0xdb: {  	s1 =	rddreg [dreg:$0x1];
	p0 =	sne.s32 s2, $0x0  }
0xdc: {  	s3 =	rddreg [dreg:$0x2];
	[bflag:$0x3] =	sbarrier.arrive $0xFFFF;
	s2 =	simm.s32 @!p0 $0x1C05  }
0xdd: {  	[timem:s3], [sflag:s2] =	dma.local @!p0 [hbm:s0], s1  }
0xde: {  	s0 =	simm.s32 @!p0 $0x5  }
0xdf: {  	_ =	swait.ge @!p0 [sflag:s0], s1  }
0xe0: {  	s1 =	ssub.s32 @!p0 $0x0, s1;
	[sflag:s0] =	ssyncset.done @!p0 $0x0  }
0xe1: {  	[sflag:s0] =	ssyncadd.s32 @!p0 s1  }
0xe2: {  	[bflag:$0x3] =	sbarrier.arrive $0xFFFF  }
0xe3: {  	_ =	shalt  }

// kernel: kernel.20.cloned.1.call-start
scs
__scs_entry_jumppad:
0x0: {  	(pc) =	sbr.rel $0x88, $3  }
0x1: {  	(tag) =	ssettag $0x0;
	lr =	simm.s32 $0x1  }
0x2: {  	[smem:$0x3F99] =	sst lr;
	_ =	strace $0xD0000000  }
0x3: {  	_ = 	snop  }
0x4: {  	_ = 	snop  }
0x5: {  	_ = 	snop  }
0x6: {  	_ = 	snop  }
0x7: {  	_ = 	snop  }
__scs_overlays_trampoline_lowered:
0x8: {  	[smem:$0x3FA8] =	sst s0  }
0x9: {  	[smem:$0x3FA9] =	sst s1  }
0xa: {  	[smem:$0x3FAA] =	sst s2  }
0xb: {  	[smem:$0x3FAB] =	sst s3  }
0xc: {  	[smem:$0x3FAC] =	sst s4  }
0xd: {  	[smem:$0x3FAD] =	sst s5  }
0xe: {  	[smem:$0x3FAE] =	sst s6  }
0xf: {  	[smem:$0x3FAF] =	sst s7  }
0x10: {  	[smem:$0x3FB0] =	sst s8  }
0x11: {  	[smem:$0x3FB1] =	sst s9;
	s0 =	simm.s32 @!p0 $0x0  }
0x12: {  	s1 =	sld [smem:$0x3F97];
	s0 =	simm.s32 @p0 $0x1  }
0x13: {  	[smem:$0x3FB2] =	sst s0;
	s0 =	simm.s32 @!p1 $0x0  }
0x14: {  	s2 =	sld [smem:$0x3F96];
	s0 =	simm.s32 @p1 $0x1  }
0x15: {  	[smem:$0x3FB3] =	sst s0;
	s0 =	simm.s32 @!p2 $0x0  }
0x16: {  	s3 =	sld [smem:$0x3FDB];
	s0 =	simm.s32 @p2 $0x1  }
0x17: {  	s4 =	simm.s32 $0x1BF5;
	[smem:$0x3FB5] =	sst s0  }
0x18: {  	s0 =	sld [smem:$0x3F98];
	_ =	swait.ge [sflag:s4], $0x0  }
0x19: {  	s7 =	sld [smem:$0x3F99]  }
0x1a: {  	s8 =	sadd.s32 $0xFFFFE003, lr  }
0x1b: {  	s9 =	sadd.s32 $0xFFFFFEF7, lr;
	s5 =	simm.s32 $0xFFFFFFFF;
	p2 =	slt.u32 s8, $0xFFFFF086  }
0x1c: {  	p1 =	slt.u32 s9, $0xF7A;
	s5 =	simm.s32 @!p2 $0x0  }
0x1d: {  	s5 =	simm.s32 @p1 $0x1;
	p0 =	seq.s32 s7, s2  }
0x1e: {  	s7 =	smul.u32 @!p0 $0xF7A, s2;
	p2 =	seq.s32 @!p0 s5, $0x0  }
0x1f: {  	s9 =	smul.u32 $0xF7A, s1;
	s8 =	simm.s32 @!p0 $0x1BF5;
	p2 =	por !p2, p0  }
0x20: {  	[sflag:s8] =	ssyncset.s32 @!p0 $0xFFFFF086;
	s6 =	sadd.s32 @!p0 s3, s7;
	s7 =	simm.s32 @!p0 $0x108  }
0x21: {  	s3 =	sadd.s32 s3, s9;
	s6 =	sadd.s32 @!p0 $0x88, s6;
	s7 =	simm.s32 @p2 $0x1082  }
0x22: {  	[simem:s7], [sflag:s8] =	dma.local @!p0 [hbm:s6], $0xF7A  }
0x23: {  	s9 =	sor.u32 $0xD0000000, s2;
	s6 =	simm.s32 $0x108;
	_ =	swait.ge @!p0 [sflag:s8], $0x0  }
0x24: {  	s3 =	sadd.s32 $0x88, s3;
	s6 =	simm.s32 @!p1 $0x1082;
	[sflag:s4] =	ssyncset.s32 $0xFFFFF086  }
0x25: {  	[simem:s6], [sflag:s4] =	dma.local [hbm:s3], $0xF7A  }
0x26: {  	[smem:$0x3F99] =	sst s1;
	(tag) =	ssettag s2;
	_ =	strace s9  }
0x27: {  	s1 =	sld [smem:$0x3FA9]  }
0x28: {  	s2 =	sld [smem:$0x3FAA]  }
0x29: {  	s4 =	sld [smem:$0x3FAC]  }
0x2a: {  	p0 =	seq.s32 s5, $0x0;
	s5 =	sld [smem:$0x3FAD]  }
0x2b: {  	s6 =	sld [smem:$0x3FAE]  }
0x2c: {  	s7 =	sld [smem:$0x3FAF]  }
0x2d: {  	s3 =	simm.s32 $0x108;
	s8 =	sld [smem:$0x3FB0]  }
0x2e: {  	s3 =	simm.s32 @!p0 $0x1082;
	s9 =	sld [smem:$0x3FB1]  }
0x2f: {  	lr =	sadd.s32 s0, s3;
	s0 =	sld [smem:$0x3FA8]  }
0x30: {  	s3 =	sld [smem:$0x3FAB]  }
0x31: {  	[smem:$0x3FB4] =	sst s10  }
0x32: {  	s10 =	sld [smem:$0x3FB2];
	_ =	sdelay $0x3  }
0x33: {  	p0 =	seq.s32 s10, $0x1;
	s10 =	sld [smem:$0x3FB4];
	_ =	sdelay $0x3  }
0x34: {  	[smem:$0x3FB4] =	sst s10  }
0x35: {  	s10 =	sld [smem:$0x3FB3];
	_ =	sdelay $0x3  }
0x36: {  	p1 =	seq.s32 s10, $0x1;
	s10 =	sld [smem:$0x3FB4];
	_ =	sdelay $0x3  }
0x37: {  	[smem:$0x3FB4] =	sst s10  }
0x38: {  	s10 =	sld [smem:$0x3FB5]  }
0x39: {  	_ = 	snop;
	(pc) =	sbr.ind lr, $3  }
0x3a: {  	_ = 	snop  }
0x3b: {  	_ = 	snop  }
0x3c: {  	p2 =	seq.s32 s10, $0x1;
	s10 =	sld [smem:$0x3FB4]  }
0x3d: {  	_ =	shalt  }
0x3e: {  	_ =	shalt  }
0x3f: {  	_ =	shalt  }
0x40: {  	_ =	shalt  }
0x41: {  	_ =	shalt  }
0x42: {  	_ =	shalt  }
0x43: {  	_ =	shalt  }
0x44: {  	_ =	shalt  }
0x45: {  	_ =	shalt  }
0x46: {  	_ =	shalt  }
0x47: {  	_ =	shalt  }
0x48: {  	_ =	shalt  }
0x49: {  	_ =	shalt  }
0x4a: {  	_ =	shalt  }
0x4b: {  	_ =	shalt  }
0x4c: {  	_ =	shalt  }
0x4d: {  	_ =	shalt  }
0x4e: {  	_ =	shalt  }
0x4f: {  	_ =	shalt  }
0x50: {  	_ =	shalt  }
0x51: {  	_ =	shalt  }
0x52: {  	_ =	shalt  }
0x53: {  	_ =	shalt  }
0x54: {  	_ =	shalt  }
0x55: {  	_ =	shalt  }
0x56: {  	_ =	shalt  }
0x57: {  	_ =	shalt  }
0x58: {  	_ =	shalt  }
0x59: {  	_ =	shalt  }
0x5a: {  	_ =	shalt  }
0x5b: {  	_ =	shalt  }
0x5c: {  	_ =	shalt  }
0x5d: {  	_ =	shalt  }
0x5e: {  	_ =	shalt  }
0x5f: {  	_ =	shalt  }
0x60: {  	_ =	shalt  }
0x61: {  	_ =	shalt  }
0x62: {  	_ =	shalt  }
0x63: {  	_ =	shalt  }
0x64: {  	_ =	shalt  }
0x65: {  	_ =	shalt  }
0x66: {  	_ =	shalt  }
0x67: {  	_ =	shalt  }
0x68: {  	_ =	shalt  }
0x69: {  	_ =	shalt  }
0x6a: {  	_ =	shalt  }
0x6b: {  	_ =	shalt  }
0x6c: {  	_ =	shalt  }
0x6d: {  	_ =	shalt  }
0x6e: {  	_ =	shalt  }
0x6f: {  	_ =	shalt  }
0x70: {  	_ =	shalt  }
0x71: {  	_ =	shalt  }
0x72: {  	_ =	shalt  }
0x73: {  	_ =	shalt  }
0x74: {  	_ =	shalt  }
0x75: {  	_ =	shalt  }
0x76: {  	_ =	shalt  }
0x77: {  	_ =	shalt  }
0x78: {  	_ =	shalt  }
0x79: {  	_ =	shalt  }
0x7a: {  	_ =	shalt  }
0x7b: {  	_ =	shalt  }
0x7c: {  	_ =	shalt  }
0x7d: {  	_ =	shalt  }
0x7e: {  	_ =	shalt  }
0x7f: {  	_ =	shalt  }
0x80: {  	_ =	shalt  }
0x81: {  	_ =	shalt  }
0x82: {  	_ =	shalt  }
0x83: {  	_ =	shalt  }
0x84: {  	_ =	shalt  }
0x85: {  	_ =	shalt  }
0x86: {  	_ =	shalt  }
0x87: {  	_ =	shalt  }
.Lfunc_end0:
.L_simem_size_0:
called_computation.3_lowered:
.L_overlay_start_0:
0x88: {  	s2 =	sld [smem:$0x3FD9]  }
0x89: {  	s3 =	sld [smem:$0x3FFE];
	_ =	sdelay $0x1  }
0x8a: {  	s1 =	srdreg.scid  }
0x8b: {  	s0 =	sand.u32 $0x1, s1  }
0x8c: {  	s17 =	sshll.u32 s0, $0xA;
	s2 =	sadd.s32 s3, s2  }
0x8d: {  	s2 =	sadd.s32 s2, s17  }
0x8e: {  	[smem:$0x3FC0] =	sst s2  }
0x8f: {  	_ = 	snop  }
0x90: {  	s2 =	sld [smem:$0x3FD0];
	(tm) =	ssettm $0x1  }
0x91: {  	s18 =	sld [smem:$0x3FFB];
	_ =	sdelay $0x3  }
0x92: {  	_ =	strace s18  }
0x93: {  	s3 =	sld [smem:$0x3FFC];
	_ =	sdelay $0x3  }
0x94: {  	_ =	strace s3  }
0x95: {  	s3 =	sld [smem:$0x3FFD];
	_ =	sdelay $0x3  }
0x96: {  	_ =	strace s3  }
0x97: {  	_ =	strace $0x8FFFFFFF  }
0x98: {  	s19 =	sld [smem:$0x3FDB];
	_ =	sdelay $0x1  }
0x99: {  	s4 =	simm.s32 $_scs_section_size  }
0x9a: {  	s5 =	simm.s32 $_size__tile_overlayer_lowered;
	s6 =	simm.s32 $_tile_overlayer_lowered  }
0x9b: {  	s22 =	simm.s32 $0x1BFF;
	s21 =	sshll.u32 s6, $0x1;
	s3 =	sadd.s32 s4, s19  }
0x9c: {  	s7 =	simm.s32 $0x0;
	s20 =	sshll.u32 s5, $0x1;
	s5 =	sadd.s32 s21, s3  }
0x9d: {  	[timem:s7], [sflag:s22] =	dma.local [hbm:s5], s20  }
0x9e: {  	_ =	swait.ge [sflag:s22], s20  }
0x9f: {  	s4 =	ssub.s32 $0x0, s20;
	[sflag:s22] =	ssyncset.done $0x0  }
0xa0: {  	[sflag:s22] =	ssyncadd.s32 s4;
	_ =	sdelay $0x1  }
0xa1: {  	s23 =	simm.s32 $0x1B8B  }
0xa2: {  	_ =	swait.ge [sflag:s23], $0x1  }
0xa3: {  	[sflag:s23] =	ssyncset.done $0x0  }
0xa4: {  	s25 =	simm.s32 $0x1B8E;
	s24 =	sld [smem:$0x3FFE];
	[sflag:s23] =	ssyncadd.s32 $0xFFFFFFFF  }
0xa5: {  	s26 =	simm.s32 $execute0_lowered;
	[smem:$0x3FD2] =	sst s25  }
0xa6: {  	s5 =	sshll.u32 s26, $0x1;
	_ =	strace $0x8000004F;
	[dreg:$0x1] =	wrdreg $0xFFFFFFFF  }
0xa7: {  	s28 =	simm.s32 $_size_execute0_lowered;
	s3 =	sadd.s32 s3, s5;
	[dreg:$0x0] =	wrdreg $0x0  }
0xa8: {  	s5 =	sshll.u32 s28, $0x1;
	[dreg:$0x2] =	wrdreg s3  }
0xa9: {  	[dreg:$0x3] =	wrdreg s5  }
0xaa: {  	[dreg:$0x4] =	wrdreg $0xC0  }
0xab: {  	_ =	task [dreg:s7], $0x5FFFF  }
0xac: {  	[dreg:$0x1] =	wrdreg $0xFFFFFFFF  }
0xad: {  	[dreg:$0x0] =	wrdreg $0x60  }
0xae: {  	[dreg:$0x2] =	wrdreg s24  }
0xaf: {  	[dreg:$0x3] =	wrdreg s2  }
0xb0: {  	[dreg:$0x4] =	wrdreg $0x59800  }
0xb1: {  	[dreg:$0x5] =	wrdreg $0x9  }
0xb2: {  	_ =	task.clear_ibuf [dreg:s7], $0x6FFFF;
	_ =	strace $0x9000004F  }
0xb3: {  	s29 =	simm.s32 $0x9;
	_ =	strace $0x80000051  }
0xb4: {  	_ =	swait.ge [sflag:s29], $0x1  }
0xb5: {  	[sflag:s29] =	ssyncadd.s32 $0xFFFFFFFF  }
0xb6: {  	_ =	strace $0x90000051  }
0xb7: {  	_ =	sfence  }
0xb8: {  	s30 =	sld [smem:$0x0];
	_ =	sdelay $0x2  }
0xb9: {  	s31 =	sshll.u32 s1, $0xD;
	s1 =	sshrl.u32 s1, $0x2  }
0xba: {  	s3 =	sand.u32 $0x4000, s31;
	s1 =	sadd.s32 s1, s30  }
0xbb: {  	s0 =	sor.u32 s3, s0;
	s1 =	sshll.u32 s1, $0x11  }
0xbc: {  	s0 =	sor.u32 s1, s0  }
0xbd: {  	s0 =	sadd.s32 $0x8F2B, s0  }
0xbe: {  	[sflag:s0] =	ssyncadd.remote.s32 $0x1  }
0xbf: {  	_ =	sfence.sel $0xFFFF  }
0xc0: {  	[dreg:$0x0] =	wrdreg $0xFFFFFFFF;
	(pc) =	sbr.abs _section_cstart, $3  }
0xc1: {  	[dreg:$0x1] =	wrdreg $0xFFFFFFFF  }
0xc2: {  	_ =	task.clear_ibuf [dreg:s7], $0x2FFFF;
	_ =	strace $0x9FFFFFFF  }
0xc3: {  	(tm) =	ssettm $0x7FFFFFFF  }
tec
execute0_lowered:
.L_overlay_start_1:
0x0: {  	(tag) =	ssettag $0x1  }
0x1: {  	s0 =	rddreg [dreg:$0x0]  }
0x2: {  	s2 =	rddreg [dreg:$0x1]  }
0x3: {  	s3 =	rddreg [dreg:$0x2]  }
0x4: {  	s14 =	stileid.u32;
	s1 =	srdreg.scid  }
0x5: {  	s4 =	simm.s32 $0x0;
	s17 =	simm.s32 $0x5;
	s18 =	simm.s32 $0x1C00  }
0x6: {  	s19 =	simm.s32 $0x28;
	s20 =	simm.s32 $0x1D80;
	s7 =	smul.u32 $0x50, s14  }
0x7: {  	s21 =	simm.s32 $0x3180;
	s28 =	simm.s32 $0x1880;
	s10 =	smul.u32 $0x2710, s14  }
0x8: {  	s29 =	simm.s32 $0x0;
	s1 =	sand.u32 $0x1, s1;
	s12 =	smul.u32 $0x8C00, s14  }
0x9: {  	[smem:$0x7FF] =	sst s4;
	s5 =	sadd.s32 $0x3400, s0;
	s25 =	smul.u32 $0x2800, s14  }
0xa: {  	s6 =	sadd.s32 $0xE5C00, s0;
	s13 =	sadd.s32 $0x3000, s0;
	s9 =	smul.u32 $0x27100, s1  }
0xb: {  	_ =	strace $0x80000050;
	s8 =	ssub.s32 $0x2, s1;
	s1 =	smul.u32 $0x8C000, s1  }
0xc: {  	[dreg:$0x4] =	wrdreg s13;
	s7 =	sadd.s32 s7, s0;
	s11 =	sshrl.u32 s8, $0x1  }
0xd: {  	s22 =	sadd.s32 s9, s0;
	s23 =	ssub.s32 s8, s11;
	s8 =	sshll.u32 s14, $0x4  }
0xe: {  	s9 =	sadd.s32 s10, s9;
	s10 =	sadd.s32 s12, s1;
	s12 =	sadd.s32 $0x2A00, s7  }
0xf: {  	s0 =	smax.u32 s23, $0x1;
	s24 =	sadd.s32 $0x28, s9;
	s26 =	sadd.s32 $0x50, s9  }
0x10: {  	s1 =	sadd.s32 s25, s22;
	s22 =	simm.s32 $0x1C80;
	s23 =	simm.s32 $0x1  }
0x11: {  	[dreg:$0x5] =	wrdreg s0;
	s0 =	sshrl.u32 s24, $0x3;
	s31 =	sadd.s32 $0x2A600, s1  }
0x12: {  	s7 =	sshrl.u32 s26, $0x3;
	s0 =	sadd.s32 s0, s2;
	[dreg:$0x8] =	wrdreg s31  }
0x13: {  	s25 =	simm.s32 $0x4;
	s30 =	sadd.s32 s7, s2;
	[dreg:$0x6] =	wrdreg s0  }
0x14: {  	s24 =	simm.s32 $0x2;
	s26 =	simm.s32 $0x3;
	[dreg:$0x7] =	wrdreg s30  }
.LBB2_1:
0x15: {  	s0 =	rddreg [dreg:$0x4];
	s1 =	simm.s32 $0x4580;
	s30 =	sadd.s32 $0x0, s8  }
0x16: {  	[tilespmem:s1], [sflag:$0x5] =	stream.linear.gather [hbm4b:s0+s4], $0x1400, $0x38;
	[tilespmem:$0x19200] =	vst v63  }
0x17: {  	p1 =	sgt.u32 s30, $0xF9;
	_ =	swait.ge [sflag:s17], $0x1400  }
0x18: {  	p0 =	por p1, p1;
	s1 =	simm.s32 @!p1 $0x0;
	[sflag:s17] =	ssyncset.done $0x0  }
0x19: {  	s7 =	simm.s32 @!p1 $0x1D00;
	s11 =	simm.s32 @!p0 $0x6;
	[sflag:s17] =	ssyncadd.s32 $0xFFFFEC00  }
0x1a: {  	[tilespmem:s7], [sflag:$0x6] =	stream.linear.gather @!p0 [hbm4b:s12+s1], $0x28, $0x38;
	[tilespmem:$0x19200] =	vst v63  }
0x1b: {  	_ =	swait.ge @!p0 [sflag:s11], $0x28  }
0x1c: {  	s31 =	sadd.s32 $0x1, s8;
	[sflag:s11] =	ssyncset.done @!p0 $0x0  }
0x1d: {  	s1 =	simm.s32 @!p0 $0x28;
	[sflag:s11] =	ssyncadd.s32 @!p0 $0xFFFFFFD8;
	s11 =	simm.s32 @!p0 $0x4580  }
0x1e: {  	[spmem:s3] =	stream.indirect.scatter @!p0 [tilespmem:s11], [sflag:$0x5], $0x80, s7, s1, $0xb8;
	[tilespmem:$0x19200] =	vst v63  }
0x1f: {  	p1 =	sgt.u32 s31, $0xF9;
	s11 =	simm.s32 @!p0 $0x5  }
0x20: {  	s7 =	simm.s32 $0x2;
	s1 =	sadd.s32 $0x5, s12;
	_ =	swait.ge @!p0 [sflag:s11], $0x1400  }
.LBB2_2:
0x21: {  	s13 =	simm.s32 @!p1 $0x0  }
0x22: {  	s16 =	simm.s32 @!p1 $0x1D00;
	[sflag:s11] =	ssyncset.done @!p0 $0x0;
	s30 =	smov.u32 s7  }
0x23: {  	p2 =	por p0, p0;
	p0 =	por p1, p1;
	s7 =	sadd.s32 $0x1, s7  }
0x24: {  	s31 =	simm.s32 @!p0 $0x6;
	[sflag:s11] =	ssyncadd.s32 @!p2 $0xFFFFEC00;
	p2 =	sne.s32 s7, $0x10  }
0x25: {  	[tilespmem:s16], [sflag:$0x6] =	stream.linear.gather @!p0 [hbm4b:s1+s13], $0x28, $0x38;
	[tilespmem:$0x19200] =	vst v63  }
.Ltmp0:
0x26: {  	_ =	swait.ge @!p0 [sflag:s31], $0x28;
	(pc) =	sbr.rel @p2 .LBB2_2-.Ltmp0, $4  }
0x27: {  	s11 =	simm.s32 @!p0 $0x5;
	s13 =	sadd.s32 s30, s8;
	[sflag:s31] =	ssyncset.done @!p0 $0x0  }
0x28: {  	s30 =	simm.s32 @!p0 $0x28;
	[sflag:s31] =	ssyncadd.s32 @!p0 $0xFFFFFFD8;
	s31 =	simm.s32 @!p0 $0x4580  }
0x29: {  	[spmem:s3] =	stream.indirect.scatter @!p0 [tilespmem:s31], [sflag:$0x5], $0x80, s16, s30, $0xb8;
	[tilespmem:$0x19200] =	vst v63  }
0x2a: {  	s1 =	sadd.s32 $0x5, s1;
	p1 =	sgt.u32 s13, $0xF9;
	_ =	swait.ge @!p0 [sflag:s11], $0x1400  }
0x2b: {  	s7 =	simm.s32 @!p1 $0x0  }
0x2c: {  	[sflag:s11] =	ssyncset.done @!p0 $0x0;
	p0 =	por p0, p0;
	p2 =	por p1, p1  }
0x2d: {  	s13 =	simm.s32 @!p1 $0x1D00;
	s16 =	simm.s32 @!p2 $0x6;
	[sflag:s11] =	ssyncadd.s32 @!p0 $0xFFFFEC00  }
0x2e: {  	[tilespmem:s13], [sflag:$0x6] =	stream.linear.gather @!p2 [hbm4b:s1+s7], $0x28, $0x38;
	[tilespmem:$0x19200] =	vst v63  }
0x2f: {  	_ =	swait.ge @!p2 [sflag:s16], $0x28  }
0x30: {  	s11 =	simm.s32 @!p2 $0x4580;
	[sflag:s16] =	ssyncset.done @!p2 $0x0  }
0x31: {  	s1 =	simm.s32 @!p2 $0x5;
	s7 =	simm.s32 @!p2 $0x28;
	[sflag:s16] =	ssyncadd.s32 @!p2 $0xFFFFFFD8  }
0x32: {  	[spmem:s3] =	stream.indirect.scatter @!p2 [tilespmem:s11], [sflag:$0x5], $0x80, s13, s7, $0xb8;
	[tilespmem:$0x19200] =	vst v63  }
0x33: {  	_ =	swait.ge @!p2 [sflag:s1], $0x1400  }
0x34: {  	p0 =	por p2, p2;
	[sflag:s1] =	ssyncset.done @!p2 $0x0  }
0x35: {  	[sflag:s1] =	ssyncadd.s32 @!p0 $0xFFFFEC00  }
0x36: {  	[bflag:$0x0] =	sbarrier.arrive $0xFFFF  }
0x37: {  	s31 =	rddreg [dreg:$0x7]  }
0x38: {  	s30 =	simm.s32 $0x0;
	s1 =	simm.s32 $0x0;
	s13 =	rddreg [dreg:$0x6]  }
.LBB2_4:
0x39: {  	s7 =	smul.u32 $0x1C00, s1;
	_ =	sdelay $0x1  }
0x3a: {  	s7 =	sadd.s32 s7, s10  }
0x3b: {  	s7 =	sshrl.u32 s7, $0x3  }
0x3c: {  	s11 =	smul.u32 $0x7D0, s1;
	s7 =	sadd.s32 s6, s7  }
0x3d: {  	[tilespmem:s30], [sflag:$0x5] =	stream.linear.gather [hbm4b:s7+s30], $0x1900, $0x38;
	[tilespmem:$0x19200] =	vst v63  }
0x3e: {  	s16 =	sadd.s32 s11, s9;
	_ =	swait.ge [sflag:s17], $0x1900  }
0x3f: {  	s15 =	sshrl.u32 s16, $0x3;
	[sflag:s17] =	ssyncset.done $0x0  }
0x40: {  	s7 =	sadd.s32 s2, s15;
	[sflag:s17] =	ssyncadd.s32 $0xFFFFE700  }
0x41: {  	[tilespmem:s18], [sflag:$0x5] =	stream.linear.gather [hbm4b:s7+s30], $0x28, $0x38;
	[tilespmem:$0x19200] =	vst v63  }
0x42: {  	_ =	swait.ge [sflag:s17], $0x28  }
0x43: {  	[sflag:s17] =	ssyncset.done $0x0  }
0x44: {  	[sflag:s17] =	ssyncadd.s32 $0xFFFFFFD8  }
0x45: {  	[tilespmem:s20], [sflag:$0x1] =	stream.indirect.gather [hbm4b:s5+s19], $0x80, s30, s19, $0xb8;
	[tilespmem:$0x19200] =	vst v63  }
0x46: {  	s7 =	simm.s32 $0x80  }
0x47: {  	[tilespmem:s21], [sflag:$0x2] =	stream.indirect.gather [hbm4b:s5+s19], $0x80, s7, s19, $0xb8;
	[tilespmem:$0x19200] =	vst v63  }
0x48: {  	s0 =	sadd.s32 $0x0, s13  }
0x49: {  	[tilespmem:s22], [sflag:$0x4] =	stream.linear.gather [hbm4b:s0+s4], $0x28, $0x38;
	[tilespmem:$0x19200] =	vst v63  }
0x4a: {  	_ =	swait.ge [sflag:s23], $0x1400  }
0x4b: {  	[sflag:s23] =	ssyncset.done $0x0  }
0x4c: {  	[sflag:s23] =	ssyncadd.s32 $0xFFFFEC00  }
0x4d: {  	[spmem:s3] =	stream.indirect.scatter.add.f32 [tilespmem:s20], [sflag:$0x5], $0x80, s18, s19, $0xb8;
	[tilespmem:$0x19200] =	vst v63  }
0x4e: {  	_ =	swait.ge [sflag:s17], $0x1400  }
0x4f: {  	[sflag:s17] =	ssyncset.done $0x0  }
0x50: {  	s14 =	simm.s32 $0x100;
	[sflag:s17] =	ssyncadd.s32 $0xFFFFEC00  }
0x51: {  	[tilespmem:s20], [sflag:$0x1] =	stream.indirect.gather [hbm4b:s5+s19], $0x80, s14, s19, $0xb8;
	[tilespmem:$0x19200] =	vst v63  }
0x52: {  	s15 =	sadd.s32 $0x0, s31  }
0x53: {  	[tilespmem:s18], [sflag:$0x3] =	stream.linear.gather [hbm4b:s15+s4], $0x28, $0x38;
	[tilespmem:$0x19200] =	vst v63  }
0x54: {  	_ =	swait.ge [sflag:s24], $0x1400  }
0x55: {  	[sflag:s24] =	ssyncset.done $0x0  }
0x56: {  	[sflag:s24] =	ssyncadd.s32 $0xFFFFEC00  }
0x57: {  	_ =	swait.ge [sflag:s25], $0x28  }
0x58: {  	[sflag:s25] =	ssyncset.done $0x0  }
0x59: {  	[sflag:s25] =	ssyncadd.s32 $0xFFFFFFD8  }
0x5a: {  	[spmem:s3] =	stream.indirect.scatter.add.f32 [tilespmem:s21], [sflag:$0x5], $0x80, s22, s19, $0xb8;
	[tilespmem:$0x19200] =	vst v63  }
0x5b: {  	_ =	swait.ge [sflag:s17], $0x1400  }
0x5c: {  	[sflag:s17] =	ssyncset.done $0x0  }
0x5d: {  	[sflag:s17] =	ssyncadd.s32 $0xFFFFEC00  }
0x5e: {  	_ =	swait.ge [sflag:s26], $0x28  }
0x5f: {  	s11 =	simm.s32 $0xA;
	[sflag:s26] =	ssyncset.done $0x0  }
.LBB2_5:
0x60: {  	p0 =	sne.s32 s11, $0xE6;
	[sflag:s26] =	ssyncadd.s32 $0xFFFFFFD8;
	s7 =	sadd.s32 $0x100, s7  }
0x61: {  	[tilespmem:s21], [sflag:$0x2] =	stream.indirect.gather [hbm4b:s5+s19], $0x80, s7, s19, $0xb8;
	[tilespmem:$0x19200] =	vst v63  }
0x62: {  	s0 =	sadd.s32 s11, s13;
	s14 =	smov.u32 s11;
	s11 =	sadd.s32 $0xA, s11  }
0x63: {  	[tilespmem:s22], [sflag:$0x4] =	stream.linear.gather [hbm4b:s0+s4], $0x28, $0x38;
	[tilespmem:$0x19200] =	vst v63  }
0x64: {  	_ =	swait.ge [sflag:s23], $0x1400  }
0x65: {  	[sflag:s23] =	ssyncset.done $0x0  }
0x66: {  	[sflag:s23] =	ssyncadd.s32 $0xFFFFEC00  }
0x67: {  	[spmem:s3] =	stream.indirect.scatter.add.f32 [tilespmem:s20], [sflag:$0x5], $0x80, s18, s19, $0xb8;
	[tilespmem:$0x19200] =	vst v63  }
0x68: {  	_ =	swait.ge [sflag:s17], $0x1400  }
0x69: {  	[sflag:s17] =	ssyncset.done $0x0  }
0x6a: {  	s0 =	sadd.s32 $0x80, s7;
	[sflag:s17] =	ssyncadd.s32 $0xFFFFEC00  }
0x6b: {  	[tilespmem:s20], [sflag:$0x1] =	stream.indirect.gather [hbm4b:s5+s19], $0x80, s0, s19, $0xb8;
	[tilespmem:$0x19200] =	vst v63  }
0x6c: {  	s0 =	sadd.s32 s14, s31  }
0x6d: {  	[tilespmem:s18], [sflag:$0x3] =	stream.linear.gather [hbm4b:s0+s4], $0x28, $0x38;
	[tilespmem:$0x19200] =	vst v63  }
0x6e: {  	_ =	swait.ge [sflag:s24], $0x1400  }
0x6f: {  	[sflag:s24] =	ssyncset.done $0x0  }
0x70: {  	[sflag:s24] =	ssyncadd.s32 $0xFFFFEC00  }
0x71: {  	_ =	swait.ge [sflag:s25], $0x28  }
0x72: {  	[sflag:s25] =	ssyncset.done $0x0  }
0x73: {  	[sflag:s25] =	ssyncadd.s32 $0xFFFFFFD8  }
0x74: {  	[spmem:s3] =	stream.indirect.scatter.add.f32 [tilespmem:s21], [sflag:$0x5], $0x80, s22, s19, $0xb8;
	[tilespmem:$0x19200] =	vst v63  }
.Ltmp1:
0x75: {  	_ =	swait.ge [sflag:s17], $0x1400;
	(pc) =	sbr.rel @p0 .LBB2_5-.Ltmp1, $4  }
0x76: {  	[sflag:s17] =	ssyncset.done $0x0  }
0x77: {  	[sflag:s17] =	ssyncadd.s32 $0xFFFFEC00  }
0x78: {  	_ =	swait.ge [sflag:s26], $0x28  }
0x79: {  	[sflag:s26] =	ssyncset.done $0x0  }
0x7a: {  	[sflag:s26] =	ssyncadd.s32 $0xFFFFFFD8;
	s0 =	sadd.s32 $0x7A8, s16  }
0x7b: {  	[tilespmem:s21], [sflag:$0x2] =	stream.indirect.gather [hbm4b:s5+s19], $0x80, s28, s19, $0xb8;
	[tilespmem:$0x19200] =	vst v63  }
0x7c: {  	s0 =	sshrl.u32 s0, $0x3  }
0x7d: {  	s0 =	sadd.s32 s2, s0  }
0x7e: {  	[tilespmem:s22], [sflag:$0x4] =	stream.linear.gather [hbm4b:s0+s4], $0x28, $0x38;
	[tilespmem:$0x19200] =	vst v63  }
0x7f: {  	_ =	swait.ge [sflag:s23], $0x1400  }
0x80: {  	[sflag:s23] =	ssyncset.done $0x0  }
0x81: {  	[sflag:s23] =	ssyncadd.s32 $0xFFFFEC00  }
0x82: {  	[spmem:s3] =	stream.indirect.scatter.add.f32 [tilespmem:s20], [sflag:$0x5], $0x80, s18, s19, $0xb8;
	[tilespmem:$0x19200] =	vst v63  }
0x83: {  	_ =	swait.ge [sflag:s17], $0x1400  }
0x84: {  	[sflag:s17] =	ssyncset.done $0x0  }
0x85: {  	[sflag:s17] =	ssyncadd.s32 $0xFFFFEC00  }
0x86: {  	_ =	swait.ge [sflag:s24], $0x1400  }
0x87: {  	[sflag:s24] =	ssyncset.done $0x0  }
0x88: {  	[sflag:s24] =	ssyncadd.s32 $0xFFFFEC00  }
0x89: {  	s1 =	sadd.s32 $0x1, s1;
	_ =	swait.ge [sflag:s25], $0x28  }
0x8a: {  	p0 =	sne.s32 s1, $0x5;
	[sflag:s25] =	ssyncset.done $0x0  }
.Ltmp2:
0x8b: {  	[sflag:s25] =	ssyncadd.s32 $0xFFFFFFD8;
	(pc) =	sbr.rel @p0 .LBB2_4-.Ltmp2, $4  }
0x8c: {  	[spmem:s3] =	stream.indirect.scatter.add.f32 [tilespmem:s21], [sflag:$0x5], $0x80, s22, s19, $0xb8;
	[tilespmem:$0x19200] =	vst v63  }
0x8d: {  	_ =	swait.ge [sflag:s17], $0x1400  }
0x8e: {  	[sflag:s17] =	ssyncset.done $0x0  }
0x8f: {  	s13 =	sadd.s32 $0xFA, s13;
	s31 =	sadd.s32 $0xFA, s31;
	[sflag:s17] =	ssyncadd.s32 $0xFFFFEC00  }
0x90: {  	s0 =	sadd.s32 $0x0, s8  }
0x91: {  	[bflag:$0x0] =	sbarrier.arrive $0xFFFF;
	p0 =	sgt.u32 s0, $0xF9  }
0x92: {  	s0 =	simm.s32 @!p0 $0x0;
	s1 =	simm.s32 @!p0 $0x1D00;
	s11 =	simm.s32 @!p0 $0x6  }
0x93: {  	[tilespmem:s1], [sflag:$0x6] =	stream.linear.gather @!p0 [hbm4b:s12+s0], $0x28, $0x38;
	[tilespmem:$0x19200] =	vst v63  }
0x94: {  	_ =	swait.ge @!p0 [sflag:s11], $0x28;
	p0 =	por p0, p0  }
0x95: {  	[sflag:s11] =	ssyncset.done @!p0 $0x0  }
0x96: {  	s7 =	simm.s32 @!p0 $0x28;
	s13 =	simm.s32 @!p0 $0x4580;
	[sflag:s11] =	ssyncadd.s32 @!p0 $0xFFFFFFD8  }
0x97: {  	[tilespmem:s13], [sflag:$0x6] =	stream.indirect.gather @!p0 [spmem:s3], $0x80, s1, s7, $0xb8;
	[tilespmem:$0x19200] =	vst v63  }
0x98: {  	_ =	swait.ge @!p0 [sflag:s11], $0x1400  }
0x99: {  	[sflag:s11] =	ssyncset.done @!p0 $0x0  }
0x9a: {  	s31 =	sadd.s32 $0x1, s8;
	s1 =	rddreg [dreg:$0x8];
	[sflag:s11] =	ssyncadd.s32 @!p0 $0xFFFFEC00  }
0x9b: {  	[hbm4b:s1+s0] =	stream.linear.scatter @!p0 [tilespmem:s13], [sflag:$0x5], $0x1400, $0x38;
	[tilespmem:$0x19200] =	vst v63  }
0x9c: {  	p1 =	sgt.u32 s31, $0xF9;
	s7 =	simm.s32 $0x2;
	s13 =	simm.s32 @!p0 $0x5  }
0x9d: {  	s11 =	sadd.s32 $0x5, s12;
	s1 =	sadd.s32 $0x280, s1;
	_ =	swait.ge @!p0 [sflag:s13], $0x1400  }
.LBB2_8:
0x9e: {  	s0 =	simm.s32 @!p1 $0x0;
	s14 =	simm.s32 @!p1 $0x1D00  }
0x9f: {  	[sflag:s13] =	ssyncset.done @!p0 $0x0;
	s16 =	smov.u32 s7;
	s30 =	smov.u32 s1  }
0xa0: {  	s7 =	sadd.s32 $0x1, s7;
	s31 =	simm.s32 @!p1 $0x6;
	[sflag:s13] =	ssyncadd.s32 @!p0 $0xFFFFEC00  }
0xa1: {  	[tilespmem:s14], [sflag:$0x6] =	stream.linear.gather @!p1 [hbm4b:s11+s0], $0x28, $0x38;
	[tilespmem:$0x19200] =	vst v63  }
0xa2: {  	p2 =	sne.s32 s7, $0x10;
	p0 =	por p1, p1;
	_ =	swait.ge @!p1 [sflag:s31], $0x28  }
0xa3: {  	[sflag:s31] =	ssyncset.done @!p0 $0x0  }
0xa4: {  	s13 =	simm.s32 @!p0 $0x28;
	s15 =	simm.s32 @!p0 $0x4580;
	[sflag:s31] =	ssyncadd.s32 @!p0 $0xFFFFFFD8  }
0xa5: {  	[tilespmem:s15], [sflag:$0x6] =	stream.indirect.gather @!p0 [spmem:s3], $0x80, s14, s13, $0xb8;
	[tilespmem:$0x19200] =	vst v63  }
.Ltmp3:
0xa6: {  	_ =	swait.ge @!p0 [sflag:s31], $0x1400;
	(pc) =	sbr.rel @p2 .LBB2_8-.Ltmp3, $4  }
0xa7: {  	s1 =	sadd.s32 $0x280, s1;
	[sflag:s31] =	ssyncset.done @!p0 $0x0  }
0xa8: {  	s14 =	sadd.s32 s16, s8;
	s13 =	simm.s32 @!p0 $0x5;
	[sflag:s31] =	ssyncadd.s32 @!p0 $0xFFFFEC00  }
0xa9: {  	[hbm4b:s30+s0] =	stream.linear.scatter @!p0 [tilespmem:s15], [sflag:$0x5], $0x1400, $0x38;
	[tilespmem:$0x19200] =	vst v63  }
0xaa: {  	s11 =	sadd.s32 $0x5, s11;
	p1 =	sgt.u32 s14, $0xF9;
	_ =	swait.ge @!p0 [sflag:s13], $0x1400  }
0xab: {  	s0 =	simm.s32 @!p1 $0x0;
	[sflag:s13] =	ssyncset.done @!p0 $0x0  }
0xac: {  	s7 =	simm.s32 @!p1 $0x1D00;
	s14 =	simm.s32 @!p1 $0x6;
	[sflag:s13] =	ssyncadd.s32 @!p0 $0xFFFFEC00  }
0xad: {  	[tilespmem:s7], [sflag:$0x6] =	stream.linear.gather @!p1 [hbm4b:s11+s0], $0x28, $0x38;
	[tilespmem:$0x19200] =	vst v63  }
0xae: {  	p0 =	por p1, p1;
	_ =	swait.ge @!p1 [sflag:s14], $0x28  }
0xaf: {  	[sflag:s14] =	ssyncset.done @!p0 $0x0  }
0xb0: {  	s11 =	simm.s32 @!p0 $0x28;
	s13 =	simm.s32 @!p0 $0x4580;
	[sflag:s14] =	ssyncadd.s32 @!p0 $0xFFFFFFD8  }
0xb1: {  	[tilespmem:s13], [sflag:$0x6] =	stream.indirect.gather @!p0 [spmem:s3], $0x80, s7, s11, $0xb8;
	[tilespmem:$0x19200] =	vst v63  }
0xb2: {  	_ =	swait.ge @!p0 [sflag:s14], $0x1400  }
0xb3: {  	[sflag:s14] =	ssyncset.done @!p0 $0x0  }
0xb4: {  	s7 =	simm.s32 @!p0 $0x5;
	[sflag:s14] =	ssyncadd.s32 @!p0 $0xFFFFEC00  }
0xb5: {  	[hbm4b:s1+s0] =	stream.linear.scatter @!p0 [tilespmem:s13], [sflag:$0x5], $0x1400, $0x38;
	[tilespmem:$0x19200] =	vst v63  }
0xb6: {  	_ =	swait.ge @!p0 [sflag:s7], $0x1400  }
0xb7: {  	s29 =	sadd.s32 $0x1, s29;
	s31 =	rddreg [dreg:$0x5]  }
0xb8: {  	p1 =	sne.s32 s29, s31  }
.Ltmp4:
0xb9: {  	_ = 	snop;
	(pc) =	sbr.rel @p1 .LBB2_1-.Ltmp4, $3  }
0xba: {  	_ =	sdelay $0x1  }
0xbb: {  	[sflag:s7] =	ssyncset.done @!p0 $0x0  }
0xbc: {  	[sflag:s7] =	ssyncadd.s32 @!p0 $0xFFFFEC00  }
0xbd: {  	_ =	sfence.sel $0x180000  }
0xbe: {  	[bflag:$0x0] =	sbarrier.arrive $0xFFFF  }
0xbf: {  	_ =	strace $0x90000050  }
0xc0: {  	s0 =	stileid.u32;
	[bflag:$0x2] =	sbarrier.arrive $0xFFFF  }
0xc1: {  	p0 =	sne.s32 s0, $0x0;
	s0 =	rddreg [dreg:$0x3]  }
0xc2: {  	s0 =	sadd.s32 @!p0 $0x100000, s0  }
0xc3: {  	[sflag:s0] =	ssyncadd.tile.s32 @!p0 $0x1;
	_ =	shalt  }
.Lfunc_end2:
_tile_overlayer_lowered:
.L_overlay_start_2:
0xc4: {  	(tag) =	ssettag $0x2  }
0xc5: {  	s0 =	rddreg [dreg:$0x0];
	s2 =	stileid.u32  }
0xc6: {  	s1 =	rddreg [dreg:$0x1];
	p0 =	sne.s32 s2, $0x0  }
0xc7: {  	s3 =	rddreg [dreg:$0x2];
	[bflag:$0x3] =	sbarrier.arrive $0xFFFF;
	s2 =	simm.s32 @!p0 $0x1C05  }
0xc8: {  	[timem:s3], [sflag:s2] =	dma.local @!p0 [hbm:s0], s1  }
0xc9: {  	s0 =	simm.s32 @!p0 $0x5  }
0xca: {  	_ =	swait.ge @!p0 [sflag:s0], s1  }
0xcb: {  	s1 =	ssub.s32 @!p0 $0x0, s1;
	[sflag:s0] =	ssyncset.done @!p0 $0x0  }
0xcc: {  	[sflag:s0] =	ssyncadd.s32 @!p0 s1  }
0xcd: {  	[bflag:$0x3] =	sbarrier.arrive $0xFFFF  }
0xce: {  	_ =	shalt  }

</sc_bundles>
